<compile_context>
chip_gen: v7x
topology: tpu7x:2x2x1
jax: 0.10.2.dev20260603
libtpu: 0.0.44.dev20260713+nightly
codegen_flags: <defaults>
</compile_context>

<pallas_src>
import functools

import jax
import jax.numpy as jnp
from jax import lax
from jax.experimental import pallas as pl
from jax.experimental.pallas import tpu as pltpu
from jax.experimental.pallas import tpu_sc as plsc

NC = 2
NS = 16
LANES = 16
TILE = 16


def _sc_body(B, S, D, xf, idsf, pe_hbm, tp_hbm, outf,
             x_b, o_b, pe_all, tp_v, ids_sh, ids_sm, sem_x, sem_o, sem_pe):
    nw = NC * NS
    seq_per_w = S // nw
    n_st = seq_per_w // TILE
    n_rounds = B * n_st
    groups = D // LANES
    sid = lax.axis_index("s")
    wid = sid * NC + lax.axis_index("c")
    seq0 = wid * seq_per_w

    h_pe = pltpu.async_copy(pe_hbm.at[pl.ds(seq0, seq_per_w)], pe_all, sem_pe)
    pltpu.sync_copy(tp_hbm, tp_v)

    @pl.when(sid == 0)
    def _():
        pltpu.sync_copy(idsf, ids_sh)
    plsc.subcore_barrier()
    for b in range(B):
        pltpu.sync_copy(ids_sh.at[pl.ds(b * S + seq0, seq_per_w)],
                        ids_sm.at[pl.ds(b * seq_per_w, seq_per_w)])
    h_pe.wait()

    def row_of(r):
        b = r // n_st
        st = r % n_st
        return b * S + seq0 + st * TILE, b * seq_per_w + st * TILE, st

    def issue_in(r, p):
        row0, _, _ = row_of(r)
        pltpu.async_copy(xf.at[pl.ds(row0, TILE)], x_b[p], sem_x[p])

    issue_in(0, 0)
    issue_in(1, 1)

    def pair(k, carry):
        for j in range(2):
            r = 2 * k + j
            row0, loc0, st = row_of(r)
            pltpu.make_async_copy(xf.at[pl.ds(0, TILE)], x_b[j],
                                  sem_x[j]).wait()

            @pl.when(r >= 2)
            def _():
                pltpu.make_async_copy(o_b[j], outf.at[pl.ds(0, TILE)],
                                      sem_o[j]).wait()

            xr, orr = x_b[j], o_b[j]
            tids = [ids_sm[loc0 + t] for t in range(TILE)]
            pe_row0 = st * TILE

            @plsc.parallel_loop(0, groups, unroll=4)
            def grp(g):
                sl = pl.ds(g * LANES, LANES)
                for t in range(TILE):
                    orr[t, sl] = (xr[t, sl] + pe_all[pe_row0 + t, sl]
                                  + tp_v[tids[t], sl])

            pltpu.async_copy(orr, outf.at[pl.ds(row0, TILE)], sem_o[j])

            @pl.when(r + 2 < n_rounds)
            def _():
                r2row0, _, _ = row_of(r + 2)
                pltpu.async_copy(xf.at[pl.ds(r2row0, TILE)], x_b[j], sem_x[j])
        return carry

    lax.fori_loop(0, n_rounds // 2, pair, 0)
    for j in range(2):
        pltpu.make_async_copy(o_b[j], outf.at[pl.ds(0, TILE)], sem_o[j]).wait()


def kernel(x, type_ids, pe, type_phase):
    B, S, D = x.shape
    xf = x.reshape(B * S, D)
    idsf = type_ids.reshape(B * S).astype(jnp.int32)
    pe_s = pe[:S]
    seq_per_w = S // (NC * NS)

    mesh = plsc.VectorSubcoreMesh(core_axis_name="c", subcore_axis_name="s",
                                  num_cores=NC, num_subcores=NS)
    run = pl.kernel(
        functools.partial(_sc_body, B, S, D),
        out_type=jax.ShapeDtypeStruct((B * S, D), jnp.float32),
        mesh=mesh,
        scratch_types=[
            [pltpu.VMEM((TILE, D), jnp.float32) for _ in range(2)],
            [pltpu.VMEM((TILE, D), jnp.float32) for _ in range(2)],
            pltpu.VMEM((seq_per_w, D), jnp.float32),
            pltpu.VMEM(type_phase.shape, jnp.float32),
            pltpu.VMEM_SHARED((B * S,), jnp.int32),
            pltpu.SMEM((B * seq_per_w,), jnp.int32),
            [pltpu.SemaphoreType.DMA for _ in range(2)],
            [pltpu.SemaphoreType.DMA for _ in range(2)],
            pltpu.SemaphoreType.DMA,
        ],
    )
    out = run(xf, idsf, pe_s, type_phase)
    return out.reshape(B, S, D)

# --- scband reference (transcript-rebuilt; emitter-appended) ---
"""Pipeline reference for scband-type-aware-positional-encoding-80144089743836 (READ-ONLY COPY).

The authoritative reference and input builder live on the scoring server;
editing this copy changes nothing except your own understanding.
"""

import jax, jax.numpy as jnp
import numpy as np
import math

D_MODEL = 768
MAX_LEN = 2048
BATCH = 4
SEQ_LEN = 2048
N_TYPES = 4


def _build_pe(max_len, d_model):
    position = jnp.arange(max_len, dtype=jnp.float32)[:, None]
    div_term = jnp.exp(jnp.arange(0, d_model, 2, dtype=jnp.float32) * (-math.log(10000.0) / d_model))
    pe = jnp.zeros((max_len, d_model), dtype=jnp.float32)
    pe = pe.at[:, 0::2].set(jnp.sin(position * div_term))
    pe = pe.at[:, 1::2].set(jnp.cos(position * div_term))
    return pe


def setup_inputs(seed: int = 0) -> dict:
    key = jax.random.key(seed)
    k1, k2, k3 = jax.random.split(key, 3)
    x = jax.random.normal(k1, (BATCH, SEQ_LEN, D_MODEL), dtype=jnp.float32)
    type_ids = jax.random.randint(k2, (BATCH, SEQ_LEN), 0, N_TYPES, dtype=jnp.int32)
    pe = _build_pe(MAX_LEN, D_MODEL)
    type_phase = jax.random.normal(k3, (N_TYPES, D_MODEL), dtype=jnp.float32) * 0.1
    return {"x": x, "type_ids": type_ids, "pe": pe, "type_phase": type_phase}


def reference(x, type_ids, pe, type_phase):
    batch_size, seq_len, _ = x.shape
    pos_enc = pe[:seq_len][None, :, :]  # broadcast over batch
    type_enc = jnp.take(type_phase, type_ids, axis=0)  # (B, S, d_model) gather
    return x + pos_enc + type_enc

if __name__ == "__main__":
    import jax
    _d = setup_inputs()
    print(jax.jit(kernel)(*tuple(_d.values())))

</pallas_src>

<mosaic_0001>
#map = affine_map<(d0, d1) -> (0, 0)>
#map1 = affine_map<(d0, d1) -> (0)>
module attributes {stable_mosaic.version = 14 : i64} {
  func.func @_sc_body(%arg0: i32, %arg1: i32, %arg2: memref<8192x768xf32, #tpu.memory_space<hbm>>, %arg3: memref<8192xi32, #tpu.memory_space<hbm>>, %arg4: memref<2048x768xf32, #tpu.memory_space<hbm>>, %arg5: memref<4x768xf32, #tpu.memory_space<hbm>>, %arg6: memref<8192x768xf32, #tpu.memory_space<hbm>>, %arg7: memref<16x768xf32, #tpu.memory_space<vmem>>, %arg8: memref<16x768xf32, #tpu.memory_space<vmem>>, %arg9: memref<16x768xf32, #tpu.memory_space<vmem>>, %arg10: memref<16x768xf32, #tpu.memory_space<vmem>>, %arg11: memref<64x768xf32, #tpu.memory_space<vmem>>, %arg12: memref<4x768xf32, #tpu.memory_space<vmem>>, %arg13: memref<8192xi32, #tpu.memory_space<vmem_shared>>, %arg14: memref<256xi32, #tpu.memory_space<smem>>, %arg15: memref<!tpu.dma_semaphore, #tpu.memory_space<semaphore_mem>>, %arg16: memref<!tpu.dma_semaphore, #tpu.memory_space<semaphore_mem>>, %arg17: memref<!tpu.dma_semaphore, #tpu.memory_space<semaphore_mem>>, %arg18: memref<!tpu.dma_semaphore, #tpu.memory_space<semaphore_mem>>, %arg19: memref<!tpu.dma_semaphore, #tpu.memory_space<semaphore_mem>>) attributes {dimension_semantics = [#tpu.dimension_semantics<core_parallel>, #tpu.dimension_semantics<subcore_parallel>], iteration_bounds = array<i64: 2, 16>, scalar_prefetch = 0 : i64, scratch_operands = 13 : i64, tpu.core_type = #tpu.core_type<sc_vector_subcore>, window_params = [{transform_indices = #map}, {transform_indices = #map1}, {transform_indices = #map}, {transform_indices = #map}, {transform_indices = #map}]} {
    %mul3A = arith.constant 2 : i32
    %mul3A_0 = arith.muli %arg1, %mul3A : i32
    %add3A = arith.addi %mul3A_0, %arg0 : i32
    %mul3A_1 = arith.constant 64 : i32
    %mul3A_2 = arith.muli %add3A, %mul3A_1 : i32
    %dma_start3A = arith.constant 0 : i32
    %dma_start3A_3 = tpu.memref_slice %arg4[%mul3A_2, %dma_start3A] : memref<2048x768xf32, #tpu.memory_space<hbm>> -> memref<64x768xf32, #tpu.memory_space<hbm>>
    %dma_start3A_4 = arith.constant 0 : i32
    %dma_start3A_5 = tpu.memref_slice %arg4[%mul3A_2, %dma_start3A_4] : memref<2048x768xf32, #tpu.memory_space<hbm>> -> memref<64x768xf32, #tpu.memory_space<hbm>>
    tpu.enqueue_dma source(%dma_start3A_5 : memref<64x768xf32, #tpu.memory_space<hbm>>) target(%arg11 : memref<64x768xf32, #tpu.memory_space<vmem>>) target_semaphore(%arg19 : memref<!tpu.dma_semaphore, #tpu.memory_space<semaphore_mem>>)
    "tpu.region"() ({
      %run_scoped3A = tpu.sem_alloc : memref<!tpu.dma_semaphore, #tpu.memory_space<semaphore_mem>>
      tpu.enqueue_dma source(%arg5 : memref<4x768xf32, #tpu.memory_space<hbm>>) target(%arg12 : memref<4x768xf32, #tpu.memory_space<vmem>>) target_semaphore(%run_scoped3A : memref<!tpu.dma_semaphore, #tpu.memory_space<semaphore_mem>>)
      tpu.wait_dma2 semaphore(%run_scoped3A : memref<!tpu.dma_semaphore, #tpu.memory_space<semaphore_mem>>) src(%arg5 : memref<4x768xf32, #tpu.memory_space<hbm>>) dst(%arg12 : memref<4x768xf32, #tpu.memory_space<vmem>>)
      tpu.yield
    }) : () -> ()
    %eq3A = arith.constant 0 : i32
    %eq3A_6 = arith.cmpi eq, %arg1, %eq3A : i32
    %convert_element_type3A = arith.extui %eq3A_6 : i1 to i32
    %cond3A = arith.constant 0 : i32
    %cond3A_7 = arith.cmpi ne, %convert_element_type3A, %cond3A : i32
    scf.if %cond3A_7 {
      "tpu.region"() ({
        %run_scoped3A = tpu.sem_alloc : memref<!tpu.dma_semaphore, #tpu.memory_space<semaphore_mem>>
        tpu.enqueue_dma source(%arg3 : memref<8192xi32, #tpu.memory_space<hbm>>) target(%arg13 : memref<8192xi32, #tpu.memory_space<vmem_shared>>) target_semaphore(%run_scoped3A : memref<!tpu.dma_semaphore, #tpu.memory_space<semaphore_mem>>)
        tpu.wait_dma2 semaphore(%run_scoped3A : memref<!tpu.dma_semaphore, #tpu.memory_space<semaphore_mem>>) src(%arg3 : memref<8192xi32, #tpu.memory_space<hbm>>) dst(%arg13 : memref<8192xi32, #tpu.memory_space<vmem_shared>>)
        tpu.yield
      }) : () -> ()
    } else {
    }
    %barrier3A = arith.constant 0 : index
    tpu.barrier barrier_id(%barrier3A)
    %add3A_8 = arith.constant 0 : i32
    %add3A_9 = arith.addi %add3A_8, %mul3A_2 : i32
    "tpu.region"() ({
      %run_scoped3A = tpu.sem_alloc : memref<!tpu.dma_semaphore, #tpu.memory_space<semaphore_mem>>
      %dma_start3A_52 = arith.constant 0 : i32
      %dma_start3A_53 = tpu.memref_slice %arg14[%dma_start3A_52] : memref<256xi32, #tpu.memory_space<smem>> -> memref<64xi32, #tpu.memory_space<smem>>
      %dma_start3A_54 = tpu.memref_slice %arg13[%add3A_9] : memref<8192xi32, #tpu.memory_space<vmem_shared>> -> memref<64xi32, #tpu.memory_space<vmem_shared>>
      tpu.enqueue_dma source(%dma_start3A_54 : memref<64xi32, #tpu.memory_space<vmem_shared>>) target(%dma_start3A_53 : memref<64xi32, #tpu.memory_space<smem>>) target_semaphore(%run_scoped3A : memref<!tpu.dma_semaphore, #tpu.memory_space<semaphore_mem>>)
      %dma_wait3A_55 = arith.constant 0 : i32
      %dma_wait3A_56 = tpu.memref_slice %arg14[%dma_wait3A_55] : memref<256xi32, #tpu.memory_space<smem>> -> memref<64xi32, #tpu.memory_space<smem>>
      %dma_wait3A_57 = tpu.memref_slice %arg13[%add3A_9] : memref<8192xi32, #tpu.memory_space<vmem_shared>> -> memref<64xi32, #tpu.memory_space<vmem_shared>>
      tpu.wait_dma2 semaphore(%run_scoped3A : memref<!tpu.dma_semaphore, #tpu.memory_space<semaphore_mem>>) src(%dma_wait3A_57 : memref<64xi32, #tpu.memory_space<vmem_shared>>) dst(%dma_wait3A_56 : memref<64xi32, #tpu.memory_space<smem>>)
      tpu.yield
    }) : () -> ()
    %add3A_10 = arith.constant 2048 : i32
    %add3A_11 = arith.addi %add3A_10, %mul3A_2 : i32
    "tpu.region"() ({
      %run_scoped3A = tpu.sem_alloc : memref<!tpu.dma_semaphore, #tpu.memory_space<semaphore_mem>>
      %dma_start3A_52 = arith.constant 64 : i32
      %dma_start3A_53 = tpu.memref_slice %arg14[%dma_start3A_52] : memref<256xi32, #tpu.memory_space<smem>> -> memref<64xi32, #tpu.memory_space<smem>>
      %dma_start3A_54 = tpu.memref_slice %arg13[%add3A_11] : memref<8192xi32, #tpu.memory_space<vmem_shared>> -> memref<64xi32, #tpu.memory_space<vmem_shared>>
      tpu.enqueue_dma source(%dma_start3A_54 : memref<64xi32, #tpu.memory_space<vmem_shared>>) target(%dma_start3A_53 : memref<64xi32, #tpu.memory_space<smem>>) target_semaphore(%run_scoped3A : memref<!tpu.dma_semaphore, #tpu.memory_space<semaphore_mem>>)
      %dma_wait3A_55 = arith.constant 64 : i32
      %dma_wait3A_56 = tpu.memref_slice %arg14[%dma_wait3A_55] : memref<256xi32, #tpu.memory_space<smem>> -> memref<64xi32, #tpu.memory_space<smem>>
      %dma_wait3A_57 = tpu.memref_slice %arg13[%add3A_11] : memref<8192xi32, #tpu.memory_space<vmem_shared>> -> memref<64xi32, #tpu.memory_space<vmem_shared>>
      tpu.wait_dma2 semaphore(%run_scoped3A : memref<!tpu.dma_semaphore, #tpu.memory_space<semaphore_mem>>) src(%dma_wait3A_57 : memref<64xi32, #tpu.memory_space<vmem_shared>>) dst(%dma_wait3A_56 : memref<64xi32, #tpu.memory_space<smem>>)
      tpu.yield
    }) : () -> ()
    %add3A_12 = arith.constant 4096 : i32
    %add3A_13 = arith.addi %add3A_12, %mul3A_2 : i32
    "tpu.region"() ({
      %run_scoped3A = tpu.sem_alloc : memref<!tpu.dma_semaphore, #tpu.memory_space<semaphore_mem>>
      %dma_start3A_52 = arith.constant 128 : i32
      %dma_start3A_53 = tpu.memref_slice %arg14[%dma_start3A_52] : memref<256xi32, #tpu.memory_space<smem>> -> memref<64xi32, #tpu.memory_space<smem>>
      %dma_start3A_54 = tpu.memref_slice %arg13[%add3A_13] : memref<8192xi32, #tpu.memory_space<vmem_shared>> -> memref<64xi32, #tpu.memory_space<vmem_shared>>
      tpu.enqueue_dma source(%dma_start3A_54 : memref<64xi32, #tpu.memory_space<vmem_shared>>) target(%dma_start3A_53 : memref<64xi32, #tpu.memory_space<smem>>) target_semaphore(%run_scoped3A : memref<!tpu.dma_semaphore, #tpu.memory_space<semaphore_mem>>)
      %dma_wait3A_55 = arith.constant 128 : i32
      %dma_wait3A_56 = tpu.memref_slice %arg14[%dma_wait3A_55] : memref<256xi32, #tpu.memory_space<smem>> -> memref<64xi32, #tpu.memory_space<smem>>
      %dma_wait3A_57 = tpu.memref_slice %arg13[%add3A_13] : memref<8192xi32, #tpu.memory_space<vmem_shared>> -> memref<64xi32, #tpu.memory_space<vmem_shared>>
      tpu.wait_dma2 semaphore(%run_scoped3A : memref<!tpu.dma_semaphore, #tpu.memory_space<semaphore_mem>>) src(%dma_wait3A_57 : memref<64xi32, #tpu.memory_space<vmem_shared>>) dst(%dma_wait3A_56 : memref<64xi32, #tpu.memory_space<smem>>)
      tpu.yield
    }) : () -> ()
    %add3A_14 = arith.constant 6144 : i32
    %add3A_15 = arith.addi %add3A_14, %mul3A_2 : i32
    "tpu.region"() ({
      %run_scoped3A = tpu.sem_alloc : memref<!tpu.dma_semaphore, #tpu.memory_space<semaphore_mem>>
      %dma_start3A_52 = arith.constant 192 : i32
      %dma_start3A_53 = tpu.memref_slice %arg14[%dma_start3A_52] : memref<256xi32, #tpu.memory_space<smem>> -> memref<64xi32, #tpu.memory_space<smem>>
      %dma_start3A_54 = tpu.memref_slice %arg13[%add3A_15] : memref<8192xi32, #tpu.memory_space<vmem_shared>> -> memref<64xi32, #tpu.memory_space<vmem_shared>>
      tpu.enqueue_dma source(%dma_start3A_54 : memref<64xi32, #tpu.memory_space<vmem_shared>>) target(%dma_start3A_53 : memref<64xi32, #tpu.memory_space<smem>>) target_semaphore(%run_scoped3A : memref<!tpu.dma_semaphore, #tpu.memory_space<semaphore_mem>>)
      %dma_wait3A_55 = arith.constant 192 : i32
      %dma_wait3A_56 = tpu.memref_slice %arg14[%dma_wait3A_55] : memref<256xi32, #tpu.memory_space<smem>> -> memref<64xi32, #tpu.memory_space<smem>>
      %dma_wait3A_57 = tpu.memref_slice %arg13[%add3A_15] : memref<8192xi32, #tpu.memory_space<vmem_shared>> -> memref<64xi32, #tpu.memory_space<vmem_shared>>
      tpu.wait_dma2 semaphore(%run_scoped3A : memref<!tpu.dma_semaphore, #tpu.memory_space<semaphore_mem>>) src(%dma_wait3A_57 : memref<64xi32, #tpu.memory_space<vmem_shared>>) dst(%dma_wait3A_56 : memref<64xi32, #tpu.memory_space<smem>>)
      tpu.yield
    }) : () -> ()
    %dma_wait3A = arith.constant 0 : i32
    %dma_wait3A_16 = tpu.memref_slice %arg4[%mul3A_2, %dma_wait3A] : memref<2048x768xf32, #tpu.memory_space<hbm>> -> memref<64x768xf32, #tpu.memory_space<hbm>>
    %dma_wait3A_17 = arith.constant 0 : i32
    %dma_wait3A_18 = tpu.memref_slice %arg4[%mul3A_2, %dma_wait3A_17] : memref<2048x768xf32, #tpu.memory_space<hbm>> -> memref<64x768xf32, #tpu.memory_space<hbm>>
    tpu.wait_dma2 semaphore(%arg19 : memref<!tpu.dma_semaphore, #tpu.memory_space<semaphore_mem>>) src(%dma_wait3A_18 : memref<64x768xf32, #tpu.memory_space<hbm>>) dst(%arg11 : memref<64x768xf32, #tpu.memory_space<vmem>>)
    %add3A_19 = arith.constant 0 : i32
    %add3A_20 = arith.addi %add3A_19, %mul3A_2 : i32
    %add3A_21 = arith.constant 0 : i32
    %add3A_22 = arith.addi %add3A_20, %add3A_21 : i32
    %dma_start3A_23 = arith.constant 0 : i32
    %dma_start3A_24 = tpu.memref_slice %arg2[%add3A_22, %dma_start3A_23] : memref<8192x768xf32, #tpu.memory_space<hbm>> -> memref<16x768xf32, #tpu.memory_space<hbm>>
    %dma_start3A_25 = arith.constant 0 : i32
    %dma_start3A_26 = tpu.memref_slice %arg2[%add3A_22, %dma_start3A_25] : memref<8192x768xf32, #tpu.memory_space<hbm>> -> memref<16x768xf32, #tpu.memory_space<hbm>>
    tpu.enqueue_dma source(%dma_start3A_26 : memref<16x768xf32, #tpu.memory_space<hbm>>) target(%arg7 : memref<16x768xf32, #tpu.memory_space<vmem>>) target_semaphore(%arg15 : memref<!tpu.dma_semaphore, #tpu.memory_space<semaphore_mem>>)
    %add3A_27 = arith.constant 0 : i32
    %add3A_28 = arith.addi %add3A_27, %mul3A_2 : i32
    %add3A_29 = arith.constant 16 : i32
    %add3A_30 = arith.addi %add3A_28, %add3A_29 : i32
    %dma_start3A_31 = arith.constant 0 : i32
    %dma_start3A_32 = tpu.memref_slice %arg2[%add3A_30, %dma_start3A_31] : memref<8192x768xf32, #tpu.memory_space<hbm>> -> memref<16x768xf32, #tpu.memory_space<hbm>>
    %dma_start3A_33 = arith.constant 0 : i32
    %dma_start3A_34 = tpu.memref_slice %arg2[%add3A_30, %dma_start3A_33] : memref<8192x768xf32, #tpu.memory_space<hbm>> -> memref<16x768xf32, #tpu.memory_space<hbm>>
    tpu.enqueue_dma source(%dma_start3A_34 : memref<16x768xf32, #tpu.memory_space<hbm>>) target(%arg8 : memref<16x768xf32, #tpu.memory_space<vmem>>) target_semaphore(%arg16 : memref<!tpu.dma_semaphore, #tpu.memory_space<semaphore_mem>>)
    %scan3A = arith.constant 0 : i32
    %scan3A_35 = arith.constant 0 : i32
    %scan3A_36 = arith.constant 8 : i32
    %scan3A_37 = arith.addi %scan3A_35, %scan3A_36 : i32
    %scan3A_38 = arith.constant 1 : i32
    scf.for %scan3A_52 = %scan3A_35 to %scan3A_37 step %scan3A_38  : i32 {
      %mul3A_53 = arith.constant 2 : i32
      %mul3A_54 = arith.muli %mul3A_53, %scan3A_52 : i32
      %add3A_55 = arith.constant 0 : i32
      %add3A_56 = arith.addi %mul3A_54, %add3A_55 : i32
      %jit3A = arith.constant 4 : i32
      %div3A = arith.divsi %add3A_56, %jit3A : i32
      %sign3A = arith.constant 0 : i32
      %sign3A_57 = arith.cmpi sgt, %add3A_56, %sign3A : i32
      %sign3A_58 = arith.extui %sign3A_57 : i1 to i32
      %sign3A_59 = arith.constant 0 : i32
      %sign3A_60 = arith.cmpi slt, %add3A_56, %sign3A_59 : i32
      %sign3A_61 = arith.extui %sign3A_60 : i1 to i32
      %sign3A_62 = arith.subi %sign3A_58, %sign3A_61 : i32
      %sign3A_63 = arith.constant 0 : i32
      %sign3A_64 = arith.cmpi sgt, %jit3A, %sign3A_63 : i32
      %sign3A_65 = arith.extui %sign3A_64 : i1 to i32
      %sign3A_66 = arith.constant 0 : i32
      %sign3A_67 = arith.cmpi slt, %jit3A, %sign3A_66 : i32
      %sign3A_68 = arith.extui %sign3A_67 : i1 to i32
      %sign3A_69 = arith.subi %sign3A_65, %sign3A_68 : i32
      %ne3A = arith.cmpi ne, %sign3A_62, %sign3A_69 : i32
      %rem3A = arith.remsi %add3A_56, %jit3A : i32
      %ne3A_70 = arith.constant 0 : i32
      %ne3A_71 = arith.cmpi ne, %rem3A, %ne3A_70 : i32
      %and3A = arith.andi %ne3A, %ne3A_71 : i1
      %sub3A = arith.constant 1 : i32
      %sub3A_72 = arith.subi %div3A, %sub3A : i32
      %select_n3A = arith.select %and3A, %sub3A_72, %div3A : i32
      %jit3A_73 = arith.constant 4 : i32
      %eq3A_74 = arith.constant 0 : i32
      %eq3A_75 = arith.cmpi eq, %jit3A_73, %eq3A_74 : i32
      %jit3A_76 = arith.constant 1 : i32
      %select_n3A_77 = arith.select %eq3A_75, %jit3A_76, %jit3A_73 : i32
      %rem3A_78 = arith.remsi %add3A_56, %select_n3A_77 : i32
      %ne3A_79 = arith.constant 0 : i32
      %ne3A_80 = arith.cmpi ne, %rem3A_78, %ne3A_79 : i32
      %lt3A = arith.constant 0 : i32
      %lt3A_81 = arith.cmpi slt, %rem3A_78, %lt3A : i32
      %lt3A_82 = arith.constant 0 : i32
      %lt3A_83 = arith.cmpi slt, %select_n3A_77, %lt3A_82 : i32
      %ne3A_84 = arith.xori %lt3A_81, %lt3A_83 : i1
      %and3A_85 = arith.andi %ne3A_84, %ne3A_80 : i1
      %add3A_86 = arith.addi %rem3A_78, %select_n3A_77 : i32
      %select_n3A_87 = arith.select %and3A_85, %add3A_86, %rem3A_78 : i32
      %mul3A_88 = arith.constant 2048 : i32
      %mul3A_89 = arith.muli %select_n3A, %mul3A_88 : i32
      %add3A_90 = arith.addi %mul3A_89, %mul3A_2 : i32
      %mul3A_91 = arith.constant 16 : i32
      %mul3A_92 = arith.muli %select_n3A_87, %mul3A_91 : i32
      %add3A_93 = arith.addi %add3A_90, %mul3A_92 : i32
      %mul3A_94 = arith.constant 64 : i32
      %mul3A_95 = arith.muli %select_n3A, %mul3A_94 : i32
      %mul3A_96 = arith.constant 16 : i32
      %mul3A_97 = arith.muli %select_n3A_87, %mul3A_96 : i32
      %add3A_98 = arith.addi %mul3A_95, %mul3A_97 : i32
      %dma_wait3A_99 = arith.constant 0 : i32
      %dma_wait3A_100 = arith.constant 0 : i32
      %dma_wait3A_101 = tpu.memref_slice %arg2[%dma_wait3A_99, %dma_wait3A_100] : memref<8192x768xf32, #tpu.memory_space<hbm>> -> memref<16x768xf32, #tpu.memory_space<hbm>>
      %dma_wait3A_102 = arith.constant 0 : i32
      %dma_wait3A_103 = arith.constant 0 : i32
      %dma_wait3A_104 = tpu.memref_slice %arg2[%dma_wait3A_102, %dma_wait3A_103] : memref<8192x768xf32, #tpu.memory_space<hbm>> -> memref<16x768xf32, #tpu.memory_space<hbm>>
      tpu.wait_dma2 semaphore(%arg15 : memref<!tpu.dma_semaphore, #tpu.memory_space<semaphore_mem>>) src(%dma_wait3A_104 : memref<16x768xf32, #tpu.memory_space<hbm>>) dst(%arg7 : memref<16x768xf32, #tpu.memory_space<vmem>>)
      %ge3A = arith.constant 2 : i32
      %ge3A_105 = arith.cmpi sge, %add3A_56, %ge3A : i32
      %convert_element_type3A_106 = arith.extui %ge3A_105 : i1 to i32
      %cond3A_107 = arith.constant 0 : i32
      %cond3A_108 = arith.cmpi ne, %convert_element_type3A_106, %cond3A_107 : i32
      scf.if %cond3A_108 {
        %dma_wait3A_333 = arith.constant 0 : i32
        %dma_wait3A_334 = arith.constant 0 : i32
        %dma_wait3A_335 = tpu.memref_slice %arg6[%dma_wait3A_333, %dma_wait3A_334] : memref<8192x768xf32, #tpu.memory_space<hbm>> -> memref<16x768xf32, #tpu.memory_space<hbm>>
        %dma_wait3A_336 = arith.constant 0 : i32
        %dma_wait3A_337 = arith.constant 0 : i32
        %dma_wait3A_338 = tpu.memref_slice %arg6[%dma_wait3A_336, %dma_wait3A_337] : memref<8192x768xf32, #tpu.memory_space<hbm>> -> memref<16x768xf32, #tpu.memory_space<hbm>>
        tpu.wait_dma2 semaphore(%arg17 : memref<!tpu.dma_semaphore, #tpu.memory_space<semaphore_mem>>) src(%arg9 : memref<16x768xf32, #tpu.memory_space<vmem>>) dst(%dma_wait3A_338 : memref<16x768xf32, #tpu.memory_space<hbm>>)
      } else {
      }
      %add3A_109 = arith.constant 0 : i32
      %add3A_110 = arith.addi %add3A_98, %add3A_109 : i32
      %get3A = arith.index_cast %add3A_110 : i32 to index
      %get3A_111 = memref.load %arg14[%get3A] : memref<256xi32, #tpu.memory_space<smem>>
      %add3A_112 = arith.constant 1 : i32
      %add3A_113 = arith.addi %add3A_98, %add3A_112 : i32
      %get3A_114 = arith.index_cast %add3A_113 : i32 to index
      %get3A_115 = memref.load %arg14[%get3A_114] : memref<256xi32, #tpu.memory_space<smem>>
      %add3A_116 = arith.constant 2 : i32
      %add3A_117 = arith.addi %add3A_98, %add3A_116 : i32
      %get3A_118 = arith.index_cast %add3A_117 : i32 to index
      %get3A_119 = memref.load %arg14[%get3A_118] : memref<256xi32, #tpu.memory_space<smem>>
      %add3A_120 = arith.constant 3 : i32
      %add3A_121 = arith.addi %add3A_98, %add3A_120 : i32
      %get3A_122 = arith.index_cast %add3A_121 : i32 to index
      %get3A_123 = memref.load %arg14[%get3A_122] : memref<256xi32, #tpu.memory_space<smem>>
      %add3A_124 = arith.constant 4 : i32
      %add3A_125 = arith.addi %add3A_98, %add3A_124 : i32
      %get3A_126 = arith.index_cast %add3A_125 : i32 to index
      %get3A_127 = memref.load %arg14[%get3A_126] : memref<256xi32, #tpu.memory_space<smem>>
      %add3A_128 = arith.constant 5 : i32
      %add3A_129 = arith.addi %add3A_98, %add3A_128 : i32
      %get3A_130 = arith.index_cast %add3A_129 : i32 to index
      %get3A_131 = memref.load %arg14[%get3A_130] : memref<256xi32, #tpu.memory_space<smem>>
      %add3A_132 = arith.constant 6 : i32
      %add3A_133 = arith.addi %add3A_98, %add3A_132 : i32
      %get3A_134 = arith.index_cast %add3A_133 : i32 to index
      %get3A_135 = memref.load %arg14[%get3A_134] : memref<256xi32, #tpu.memory_space<smem>>
      %add3A_136 = arith.constant 7 : i32
      %add3A_137 = arith.addi %add3A_98, %add3A_136 : i32
      %get3A_138 = arith.index_cast %add3A_137 : i32 to index
      %get3A_139 = memref.load %arg14[%get3A_138] : memref<256xi32, #tpu.memory_space<smem>>
      %add3A_140 = arith.constant 8 : i32
      %add3A_141 = arith.addi %add3A_98, %add3A_140 : i32
      %get3A_142 = arith.index_cast %add3A_141 : i32 to index
      %get3A_143 = memref.load %arg14[%get3A_142] : memref<256xi32, #tpu.memory_space<smem>>
      %add3A_144 = arith.constant 9 : i32
      %add3A_145 = arith.addi %add3A_98, %add3A_144 : i32
      %get3A_146 = arith.index_cast %add3A_145 : i32 to index
      %get3A_147 = memref.load %arg14[%get3A_146] : memref<256xi32, #tpu.memory_space<smem>>
      %add3A_148 = arith.constant 10 : i32
      %add3A_149 = arith.addi %add3A_98, %add3A_148 : i32
      %get3A_150 = arith.index_cast %add3A_149 : i32 to index
      %get3A_151 = memref.load %arg14[%get3A_150] : memref<256xi32, #tpu.memory_space<smem>>
      %add3A_152 = arith.constant 11 : i32
      %add3A_153 = arith.addi %add3A_98, %add3A_152 : i32
      %get3A_154 = arith.index_cast %add3A_153 : i32 to index
      %get3A_155 = memref.load %arg14[%get3A_154] : memref<256xi32, #tpu.memory_space<smem>>
      %add3A_156 = arith.constant 12 : i32
      %add3A_157 = arith.addi %add3A_98, %add3A_156 : i32
      %get3A_158 = arith.index_cast %add3A_157 : i32 to index
      %get3A_159 = memref.load %arg14[%get3A_158] : memref<256xi32, #tpu.memory_space<smem>>
      %add3A_160 = arith.constant 13 : i32
      %add3A_161 = arith.addi %add3A_98, %add3A_160 : i32
      %get3A_162 = arith.index_cast %add3A_161 : i32 to index
      %get3A_163 = memref.load %arg14[%get3A_162] : memref<256xi32, #tpu.memory_space<smem>>
      %add3A_164 = arith.constant 14 : i32
      %add3A_165 = arith.addi %add3A_98, %add3A_164 : i32
      %get3A_166 = arith.index_cast %add3A_165 : i32 to index
      %get3A_167 = memref.load %arg14[%get3A_166] : memref<256xi32, #tpu.memory_space<smem>>
      %add3A_168 = arith.constant 15 : i32
      %add3A_169 = arith.addi %add3A_98, %add3A_168 : i32
      %get3A_170 = arith.index_cast %add3A_169 : i32 to index
      %get3A_171 = memref.load %arg14[%get3A_170] : memref<256xi32, #tpu.memory_space<smem>>
      %mul3A_172 = arith.constant 16 : i32
      %mul3A_173 = arith.muli %select_n3A_87, %mul3A_172 : i32
      %parallel_loop3A = arith.constant 0 : i32
      %parallel_loop3A_174 = arith.constant 48 : i32
      %parallel_loop3A_175 = arith.constant 1 : i32
      scf.for %parallel_loop3A_333 = %parallel_loop3A to %parallel_loop3A_174 step %parallel_loop3A_175  : i32 {
        %parallel_loop3A_334 = arith.constant 16 : i32
        %parallel_loop3A_335 = arith.muli %parallel_loop3A_333, %parallel_loop3A_334 : i32
        %parallel_loop3A_336 = arith.constant 0 : i32
        %parallel_loop3A_337 = arith.index_cast %parallel_loop3A_336 : i32 to index
        %parallel_loop3A_338 = arith.index_cast %parallel_loop3A_335 : i32 to index
        %parallel_loop3A_339 = tpu.vector_load %arg7[%parallel_loop3A_337, %parallel_loop3A_338] {strides = array<i32>} : memref<16x768xf32, #tpu.memory_space<vmem>>, vector<1x16xf32>,
        %parallel_loop3A_340 = vector.shape_cast %parallel_loop3A_339 : vector<1x16xf32> to vector<16xf32>
        %parallel_loop3A_341 = arith.constant 0 : i32
        %parallel_loop3A_342 = arith.addi %mul3A_173, %parallel_loop3A_341 : i32
        %parallel_loop3A_343 = arith.index_cast %parallel_loop3A_342 : i32 to index
        %parallel_loop3A_344 = arith.index_cast %parallel_loop3A_335 : i32 to index
        %parallel_loop3A_345 = tpu.vector_load %arg11[%parallel_loop3A_343, %parallel_loop3A_344] {strides = array<i32>} : memref<64x768xf32, #tpu.memory_space<vmem>>, vector<1x16xf32>,
        %parallel_loop3A_346 = vector.shape_cast %parallel_loop3A_345 : vector<1x16xf32> to vector<16xf32>
        %parallel_loop3A_347 = arith.addf %parallel_loop3A_340, %parallel_loop3A_346 : vector<16xf32>
        %parallel_loop3A_348 = arith.index_cast %get3A_111 : i32 to index
        %parallel_loop3A_349 = arith.index_cast %parallel_loop3A_335 : i32 to index
        %parallel_loop3A_350 = tpu.vector_load %arg12[%parallel_loop3A_348, %parallel_loop3A_349] {strides = array<i32>} : memref<4x768xf32, #tpu.memory_space<vmem>>, vector<1x16xf32>,
        %parallel_loop3A_351 = vector.shape_cast %parallel_loop3A_350 : vector<1x16xf32> to vector<16xf32>
        %parallel_loop3A_352 = arith.addf %parallel_loop3A_347, %parallel_loop3A_351 : vector<16xf32>
        %parallel_loop3A_353 = arith.constant 0 : i32
        %parallel_loop3A_354 = arith.index_cast %parallel_loop3A_353 : i32 to index
        %parallel_loop3A_355 = arith.index_cast %parallel_loop3A_335 : i32 to index
        %parallel_loop3A_356 = tpu.vector_load %arg9[%parallel_loop3A_354, %parallel_loop3A_355] {strides = array<i32>} : memref<16x768xf32, #tpu.memory_space<vmem>>, vector<1x16xf32>,
        %parallel_loop3A_357 = vector.shape_cast %parallel_loop3A_356 : vector<1x16xf32> to vector<16xf32>
        %parallel_loop3A_358 = vector.shape_cast %parallel_loop3A_352 : vector<16xf32> to vector<1x16xf32>
        tpu.vector_store %arg9[%parallel_loop3A_354, %parallel_loop3A_355], %parallel_loop3A_358 {strides = array<i32>} : memref<16x768xf32, #tpu.memory_space<vmem>>, vector<1x16xf32>,
        %parallel_loop3A_359 = arith.constant 1 : i32
        %parallel_loop3A_360 = arith.index_cast %parallel_loop3A_359 : i32 to index
        %parallel_loop3A_361 = arith.index_cast %parallel_loop3A_335 : i32 to index
        %parallel_loop3A_362 = tpu.vector_load %arg7[%parallel_loop3A_360, %parallel_loop3A_361] {strides = array<i32>} : memref<16x768xf32, #tpu.memory_space<vmem>>, vector<1x16xf32>,
        %parallel_loop3A_363 = vector.shape_cast %parallel_loop3A_362 : vector<1x16xf32> to vector<16xf32>
        %parallel_loop3A_364 = arith.constant 1 : i32
        %parallel_loop3A_365 = arith.addi %mul3A_173, %parallel_loop3A_364 : i32
        %parallel_loop3A_366 = arith.index_cast %parallel_loop3A_365 : i32 to index
        %parallel_loop3A_367 = arith.index_cast %parallel_loop3A_335 : i32 to index
        %parallel_loop3A_368 = tpu.vector_load %arg11[%parallel_loop3A_366, %parallel_loop3A_367] {strides = array<i32>} : memref<64x768xf32, #tpu.memory_space<vmem>>, vector<1x16xf32>,
        %parallel_loop3A_369 = vector.shape_cast %parallel_loop3A_368 : vector<1x16xf32> to vector<16xf32>
        %parallel_loop3A_370 = arith.addf %parallel_loop3A_363, %parallel_loop3A_369 : vector<16xf32>
        %parallel_loop3A_371 = arith.index_cast %get3A_115 : i32 to index
        %parallel_loop3A_372 = arith.index_cast %parallel_loop3A_335 : i32 to index
        %parallel_loop3A_373 = tpu.vector_load %arg12[%parallel_loop3A_371, %parallel_loop3A_372] {strides = array<i32>} : memref<4x768xf32, #tpu.memory_space<vmem>>, vector<1x16xf32>,
        %parallel_loop3A_374 = vector.shape_cast %parallel_loop3A_373 : vector<1x16xf32> to vector<16xf32>
        %parallel_loop3A_375 = arith.addf %parallel_loop3A_370, %parallel_loop3A_374 : vector<16xf32>
        %parallel_loop3A_376 = arith.constant 1 : i32
        %parallel_loop3A_377 = arith.index_cast %parallel_loop3A_376 : i32 to index
        %parallel_loop3A_378 = arith.index_cast %parallel_loop3A_335 : i32 to index
        %parallel_loop3A_379 = tpu.vector_load %arg9[%parallel_loop3A_377, %parallel_loop3A_378] {strides = array<i32>} : memref<16x768xf32, #tpu.memory_space<vmem>>, vector<1x16xf32>,
        %parallel_loop3A_380 = vector.shape_cast %parallel_loop3A_379 : vector<1x16xf32> to vector<16xf32>
        %parallel_loop3A_381 = vector.shape_cast %parallel_loop3A_375 : vector<16xf32> to vector<1x16xf32>
        tpu.vector_store %arg9[%parallel_loop3A_377, %parallel_loop3A_378], %parallel_loop3A_381 {strides = array<i32>} : memref<16x768xf32, #tpu.memory_space<vmem>>, vector<1x16xf32>,
        %parallel_loop3A_382 = arith.constant 2 : i32
        %parallel_loop3A_383 = arith.index_cast %parallel_loop3A_382 : i32 to index
        %parallel_loop3A_384 = arith.index_cast %parallel_loop3A_335 : i32 to index
        %parallel_loop3A_385 = tpu.vector_load %arg7[%parallel_loop3A_383, %parallel_loop3A_384] {strides = array<i32>} : memref<16x768xf32, #tpu.memory_space<vmem>>, vector<1x16xf32>,
        %parallel_loop3A_386 = vector.shape_cast %parallel_loop3A_385 : vector<1x16xf32> to vector<16xf32>
        %parallel_loop3A_387 = arith.constant 2 : i32
        %parallel_loop3A_388 = arith.addi %mul3A_173, %parallel_loop3A_387 : i32
        %parallel_loop3A_389 = arith.index_cast %parallel_loop3A_388 : i32 to index
        %parallel_loop3A_390 = arith.index_cast %parallel_loop3A_335 : i32 to index
        %parallel_loop3A_391 = tpu.vector_load %arg11[%parallel_loop3A_389, %parallel_loop3A_390] {strides = array<i32>} : memref<64x768xf32, #tpu.memory_space<vmem>>, vector<1x16xf32>,
        %parallel_loop3A_392 = vector.shape_cast %parallel_loop3A_391 : vector<1x16xf32> to vector<16xf32>
        %parallel_loop3A_393 = arith.addf %parallel_loop3A_386, %parallel_loop3A_392 : vector<16xf32>
        %parallel_loop3A_394 = arith.index_cast %get3A_119 : i32 to index
        %parallel_loop3A_395 = arith.index_cast %parallel_loop3A_335 : i32 to index
        %parallel_loop3A_396 = tpu.vector_load %arg12[%parallel_loop3A_394, %parallel_loop3A_395] {strides = array<i32>} : memref<4x768xf32, #tpu.memory_space<vmem>>, vector<1x16xf32>,
        %parallel_loop3A_397 = vector.shape_cast %parallel_loop3A_396 : vector<1x16xf32> to vector<16xf32>
        %parallel_loop3A_398 = arith.addf %parallel_loop3A_393, %parallel_loop3A_397 : vector<16xf32>
        %parallel_loop3A_399 = arith.constant 2 : i32
        %parallel_loop3A_400 = arith.index_cast %parallel_loop3A_399 : i32 to index
        %parallel_loop3A_401 = arith.index_cast %parallel_loop3A_335 : i32 to index
        %parallel_loop3A_402 = tpu.vector_load %arg9[%parallel_loop3A_400, %parallel_loop3A_401] {strides = array<i32>} : memref<16x768xf32, #tpu.memory_space<vmem>>, vector<1x16xf32>,
        %parallel_loop3A_403 = vector.shape_cast %parallel_loop3A_402 : vector<1x16xf32> to vector<16xf32>
        %parallel_loop3A_404 = vector.shape_cast %parallel_loop3A_398 : vector<16xf32> to vector<1x16xf32>
        tpu.vector_store %arg9[%parallel_loop3A_400, %parallel_loop3A_401], %parallel_loop3A_404 {strides = array<i32>} : memref<16x768xf32, #tpu.memory_space<vmem>>, vector<1x16xf32>,
        %parallel_loop3A_405 = arith.constant 3 : i32
        %parallel_loop3A_406 = arith.index_cast %parallel_loop3A_405 : i32 to index
        %parallel_loop3A_407 = arith.index_cast %parallel_loop3A_335 : i32 to index
        %parallel_loop3A_408 = tpu.vector_load %arg7[%parallel_loop3A_406, %parallel_loop3A_407] {strides = array<i32>} : memref<16x768xf32, #tpu.memory_space<vmem>>, vector<1x16xf32>,
        %parallel_loop3A_409 = vector.shape_cast %parallel_loop3A_408 : vector<1x16xf32> to vector<16xf32>
        %parallel_loop3A_410 = arith.constant 3 : i32
        %parallel_loop3A_411 = arith.addi %mul3A_173, %parallel_loop3A_410 : i32
        %parallel_loop3A_412 = arith.index_cast %parallel_loop3A_411 : i32 to index
        %parallel_loop3A_413 = arith.index_cast %parallel_loop3A_335 : i32 to index
        %parallel_loop3A_414 = tpu.vector_load %arg11[%parallel_loop3A_412, %parallel_loop3A_413] {strides = array<i32>} : memref<64x768xf32, #tpu.memory_space<vmem>>, vector<1x16xf32>,
        %parallel_loop3A_415 = vector.shape_cast %parallel_loop3A_414 : vector<1x16xf32> to vector<16xf32>
        %parallel_loop3A_416 = arith.addf %parallel_loop3A_409, %parallel_loop3A_415 : vector<16xf32>
        %parallel_loop3A_417 = arith.index_cast %get3A_123 : i32 to index
        %parallel_loop3A_418 = arith.index_cast %parallel_loop3A_335 : i32 to index
        %parallel_loop3A_419 = tpu.vector_load %arg12[%parallel_loop3A_417, %parallel_loop3A_418] {strides = array<i32>} : memref<4x768xf32, #tpu.memory_space<vmem>>, vector<1x16xf32>,
        %parallel_loop3A_420 = vector.shape_cast %parallel_loop3A_419 : vector<1x16xf32> to vector<16xf32>
        %parallel_loop3A_421 = arith.addf %parallel_loop3A_416, %parallel_loop3A_420 : vector<16xf32>
        %parallel_loop3A_422 = arith.constant 3 : i32
        %parallel_loop3A_423 = arith.index_cast %parallel_loop3A_422 : i32 to index
        %parallel_loop3A_424 = arith.index_cast %parallel_loop3A_335 : i32 to index
        %parallel_loop3A_425 = tpu.vector_load %arg9[%parallel_loop3A_423, %parallel_loop3A_424] {strides = array<i32>} : memref<16x768xf32, #tpu.memory_space<vmem>>, vector<1x16xf32>,
        %parallel_loop3A_426 = vector.shape_cast %parallel_loop3A_425 : vector<1x16xf32> to vector<16xf32>
        %parallel_loop3A_427 = vector.shape_cast %parallel_loop3A_421 : vector<16xf32> to vector<1x16xf32>
        tpu.vector_store %arg9[%parallel_loop3A_423, %parallel_loop3A_424], %parallel_loop3A_427 {strides = array<i32>} : memref<16x768xf32, #tpu.memory_space<vmem>>, vector<1x16xf32>,
        %parallel_loop3A_428 = arith.constant 4 : i32
        %parallel_loop3A_429 = arith.index_cast %parallel_loop3A_428 : i32 to index
        %parallel_loop3A_430 = arith.index_cast %parallel_loop3A_335 : i32 to index
        %parallel_loop3A_431 = tpu.vector_load %arg7[%parallel_loop3A_429, %parallel_loop3A_430] {strides = array<i32>} : memref<16x768xf32, #tpu.memory_space<vmem>>, vector<1x16xf32>,
        %parallel_loop3A_432 = vector.shape_cast %parallel_loop3A_431 : vector<1x16xf32> to vector<16xf32>
        %parallel_loop3A_433 = arith.constant 4 : i32
        %parallel_loop3A_434 = arith.addi %mul3A_173, %parallel_loop3A_433 : i32
        %parallel_loop3A_435 = arith.index_cast %parallel_loop3A_434 : i32 to index
        %parallel_loop3A_436 = arith.index_cast %parallel_loop3A_335 : i32 to index
        %parallel_loop3A_437 = tpu.vector_load %arg11[%parallel_loop3A_435, %parallel_loop3A_436] {strides = array<i32>} : memref<64x768xf32, #tpu.memory_space<vmem>>, vector<1x16xf32>,
        %parallel_loop3A_438 = vector.shape_cast %parallel_loop3A_437 : vector<1x16xf32> to vector<16xf32>
        %parallel_loop3A_439 = arith.addf %parallel_loop3A_432, %parallel_loop3A_438 : vector<16xf32>
        %parallel_loop3A_440 = arith.index_cast %get3A_127 : i32 to index
        %parallel_loop3A_441 = arith.index_cast %parallel_loop3A_335 : i32 to index
        %parallel_loop3A_442 = tpu.vector_load %arg12[%parallel_loop3A_440, %parallel_loop3A_441] {strides = array<i32>} : memref<4x768xf32, #tpu.memory_space<vmem>>, vector<1x16xf32>,
        %parallel_loop3A_443 = vector.shape_cast %parallel_loop3A_442 : vector<1x16xf32> to vector<16xf32>
        %parallel_loop3A_444 = arith.addf %parallel_loop3A_439, %parallel_loop3A_443 : vector<16xf32>
        %parallel_loop3A_445 = arith.constant 4 : i32
        %parallel_loop3A_446 = arith.index_cast %parallel_loop3A_445 : i32 to index
        %parallel_loop3A_447 = arith.index_cast %parallel_loop3A_335 : i32 to index
        %parallel_loop3A_448 = tpu.vector_load %arg9[%parallel_loop3A_446, %parallel_loop3A_447] {strides = array<i32>} : memref<16x768xf32, #tpu.memory_space<vmem>>, vector<1x16xf32>,
        %parallel_loop3A_449 = vector.shape_cast %parallel_loop3A_448 : vector<1x16xf32> to vector<16xf32>
        %parallel_loop3A_450 = vector.shape_cast %parallel_loop3A_444 : vector<16xf32> to vector<1x16xf32>
        tpu.vector_store %arg9[%parallel_loop3A_446, %parallel_loop3A_447], %parallel_loop3A_450 {strides = array<i32>} : memref<16x768xf32, #tpu.memory_space<vmem>>, vector<1x16xf32>,
        %parallel_loop3A_451 = arith.constant 5 : i32
        %parallel_loop3A_452 = arith.index_cast %parallel_loop3A_451 : i32 to index
        %parallel_loop3A_453 = arith.index_cast %parallel_loop3A_335 : i32 to index
        %parallel_loop3A_454 = tpu.vector_load %arg7[%parallel_loop3A_452, %parallel_loop3A_453] {strides = array<i32>} : memref<16x768xf32, #tpu.memory_space<vmem>>, vector<1x16xf32>,
        %parallel_loop3A_455 = vector.shape_cast %parallel_loop3A_454 : vector<1x16xf32> to vector<16xf32>
        %parallel_loop3A_456 = arith.constant 5 : i32
        %parallel_loop3A_457 = arith.addi %mul3A_173, %parallel_loop3A_456 : i32
        %parallel_loop3A_458 = arith.index_cast %parallel_loop3A_457 : i32 to index
        %parallel_loop3A_459 = arith.index_cast %parallel_loop3A_335 : i32 to index
        %parallel_loop3A_460 = tpu.vector_load %arg11[%parallel_loop3A_458, %parallel_loop3A_459] {strides = array<i32>} : memref<64x768xf32, #tpu.memory_space<vmem>>, vector<1x16xf32>,
        %parallel_loop3A_461 = vector.shape_cast %parallel_loop3A_460 : vector<1x16xf32> to vector<16xf32>
        %parallel_loop3A_462 = arith.addf %parallel_loop3A_455, %parallel_loop3A_461 : vector<16xf32>
        %parallel_loop3A_463 = arith.index_cast %get3A_131 : i32 to index
        %parallel_loop3A_464 = arith.index_cast %parallel_loop3A_335 : i32 to index
        %parallel_loop3A_465 = tpu.vector_load %arg12[%parallel_loop3A_463, %parallel_loop3A_464] {strides = array<i32>} : memref<4x768xf32, #tpu.memory_space<vmem>>, vector<1x16xf32>,
        %parallel_loop3A_466 = vector.shape_cast %parallel_loop3A_465 : vector<1x16xf32> to vector<16xf32>
        %parallel_loop3A_467 = arith.addf %parallel_loop3A_462, %parallel_loop3A_466 : vector<16xf32>
        %parallel_loop3A_468 = arith.constant 5 : i32
        %parallel_loop3A_469 = arith.index_cast %parallel_loop3A_468 : i32 to index
        %parallel_loop3A_470 = arith.index_cast %parallel_loop3A_335 : i32 to index
        %parallel_loop3A_471 = tpu.vector_load %arg9[%parallel_loop3A_469, %parallel_loop3A_470] {strides = array<i32>} : memref<16x768xf32, #tpu.memory_space<vmem>>, vector<1x16xf32>,
        %parallel_loop3A_472 = vector.shape_cast %parallel_loop3A_471 : vector<1x16xf32> to vector<16xf32>
        %parallel_loop3A_473 = vector.shape_cast %parallel_loop3A_467 : vector<16xf32> to vector<1x16xf32>
        tpu.vector_store %arg9[%parallel_loop3A_469, %parallel_loop3A_470], %parallel_loop3A_473 {strides = array<i32>} : memref<16x768xf32, #tpu.memory_space<vmem>>, vector<1x16xf32>,
        %parallel_loop3A_474 = arith.constant 6 : i32
        %parallel_loop3A_475 = arith.index_cast %parallel_loop3A_474 : i32 to index
        %parallel_loop3A_476 = arith.index_cast %parallel_loop3A_335 : i32 to index
        %parallel_loop3A_477 = tpu.vector_load %arg7[%parallel_loop3A_475, %parallel_loop3A_476] {strides = array<i32>} : memref<16x768xf32, #tpu.memory_space<vmem>>, vector<1x16xf32>,
        %parallel_loop3A_478 = vector.shape_cast %parallel_loop3A_477 : vector<1x16xf32> to vector<16xf32>
        %parallel_loop3A_479 = arith.constant 6 : i32
        %parallel_loop3A_480 = arith.addi %mul3A_173, %parallel_loop3A_479 : i32
        %parallel_loop3A_481 = arith.index_cast %parallel_loop3A_480 : i32 to index
        %parallel_loop3A_482 = arith.index_cast %parallel_loop3A_335 : i32 to index
        %parallel_loop3A_483 = tpu.vector_load %arg11[%parallel_loop3A_481, %parallel_loop3A_482] {strides = array<i32>} : memref<64x768xf32, #tpu.memory_space<vmem>>, vector<1x16xf32>,
        %parallel_loop3A_484 = vector.shape_cast %parallel_loop3A_483 : vector<1x16xf32> to vector<16xf32>
        %parallel_loop3A_485 = arith.addf %parallel_loop3A_478, %parallel_loop3A_484 : vector<16xf32>
        %parallel_loop3A_486 = arith.index_cast %get3A_135 : i32 to index
        %parallel_loop3A_487 = arith.index_cast %parallel_loop3A_335 : i32 to index
        %parallel_loop3A_488 = tpu.vector_load %arg12[%parallel_loop3A_486, %parallel_loop3A_487] {strides = array<i32>} : memref<4x768xf32, #tpu.memory_space<vmem>>, vector<1x16xf32>,
        %parallel_loop3A_489 = vector.shape_cast %parallel_loop3A_488 : vector<1x16xf32> to vector<16xf32>
        %parallel_loop3A_490 = arith.addf %parallel_loop3A_485, %parallel_loop3A_489 : vector<16xf32>
        %parallel_loop3A_491 = arith.constant 6 : i32
        %parallel_loop3A_492 = arith.index_cast %parallel_loop3A_491 : i32 to index
        %parallel_loop3A_493 = arith.index_cast %parallel_loop3A_335 : i32 to index
        %parallel_loop3A_494 = tpu.vector_load %arg9[%parallel_loop3A_492, %parallel_loop3A_493] {strides = array<i32>} : memref<16x768xf32, #tpu.memory_space<vmem>>, vector<1x16xf32>,
        %parallel_loop3A_495 = vector.shape_cast %parallel_loop3A_494 : vector<1x16xf32> to vector<16xf32>
        %parallel_loop3A_496 = vector.shape_cast %parallel_loop3A_490 : vector<16xf32> to vector<1x16xf32>
        tpu.vector_store %arg9[%parallel_loop3A_492, %parallel_loop3A_493], %parallel_loop3A_496 {strides = array<i32>} : memref<16x768xf32, #tpu.memory_space<vmem>>, vector<1x16xf32>,
        %parallel_loop3A_497 = arith.constant 7 : i32
        %parallel_loop3A_498 = arith.index_cast %parallel_loop3A_497 : i32 to index
        %parallel_loop3A_499 = arith.index_cast %parallel_loop3A_335 : i32 to index
        %parallel_loop3A_500 = tpu.vector_load %arg7[%parallel_loop3A_498, %parallel_loop3A_499] {strides = array<i32>} : memref<16x768xf32, #tpu.memory_space<vmem>>, vector<1x16xf32>,
        %parallel_loop3A_501 = vector.shape_cast %parallel_loop3A_500 : vector<1x16xf32> to vector<16xf32>
        %parallel_loop3A_502 = arith.constant 7 : i32
        %parallel_loop3A_503 = arith.addi %mul3A_173, %parallel_loop3A_502 : i32
        %parallel_loop3A_504 = arith.index_cast %parallel_loop3A_503 : i32 to index
        %parallel_loop3A_505 = arith.index_cast %parallel_loop3A_335 : i32 to index
        %parallel_loop3A_506 = tpu.vector_load %arg11[%parallel_loop3A_504, %parallel_loop3A_505] {strides = array<i32>} : memref<64x768xf32, #tpu.memory_space<vmem>>, vector<1x16xf32>,
        %parallel_loop3A_507 = vector.shape_cast %parallel_loop3A_506 : vector<1x16xf32> to vector<16xf32>
        %parallel_loop3A_508 = arith.addf %parallel_loop3A_501, %parallel_loop3A_507 : vector<16xf32>
        %parallel_loop3A_509 = arith.index_cast %get3A_139 : i32 to index
        %parallel_loop3A_510 = arith.index_cast %parallel_loop3A_335 : i32 to index
        %parallel_loop3A_511 = tpu.vector_load %arg12[%parallel_loop3A_509, %parallel_loop3A_510] {strides = array<i32>} : memref<4x768xf32, #tpu.memory_space<vmem>>, vector<1x16xf32>,
        %parallel_loop3A_512 = vector.shape_cast %parallel_loop3A_511 : vector<1x16xf32> to vector<16xf32>
        %parallel_loop3A_513 = arith.addf %parallel_loop3A_508, %parallel_loop3A_512 : vector<16xf32>
        %parallel_loop3A_514 = arith.constant 7 : i32
        %parallel_loop3A_515 = arith.index_cast %parallel_loop3A_514 : i32 to index
        %parallel_loop3A_516 = arith.index_cast %parallel_loop3A_335 : i32 to index
        %parallel_loop3A_517 = tpu.vector_load %arg9[%parallel_loop3A_515, %parallel_loop3A_516] {strides = array<i32>} : memref<16x768xf32, #tpu.memory_space<vmem>>, vector<1x16xf32>,
        %parallel_loop3A_518 = vector.shape_cast %parallel_loop3A_517 : vector<1x16xf32> to vector<16xf32>
        %parallel_loop3A_519 = vector.shape_cast %parallel_loop3A_513 : vector<16xf32> to vector<1x16xf32>
        tpu.vector_store %arg9[%parallel_loop3A_515, %parallel_loop3A_516], %parallel_loop3A_519 {strides = array<i32>} : memref<16x768xf32, #tpu.memory_space<vmem>>, vector<1x16xf32>,
        %parallel_loop3A_520 = arith.constant 8 : i32
        %parallel_loop3A_521 = arith.index_cast %parallel_loop3A_520 : i32 to index
        %parallel_loop3A_522 = arith.index_cast %parallel_loop3A_335 : i32 to index
        %parallel_loop3A_523 = tpu.vector_load %arg7[%parallel_loop3A_521, %parallel_loop3A_522] {strides = array<i32>} : memref<16x768xf32, #tpu.memory_space<vmem>>, vector<1x16xf32>,
        %parallel_loop3A_524 = vector.shape_cast %parallel_loop3A_523 : vector<1x16xf32> to vector<16xf32>
        %parallel_loop3A_525 = arith.constant 8 : i32
        %parallel_loop3A_526 = arith.addi %mul3A_173, %parallel_loop3A_525 : i32
        %parallel_loop3A_527 = arith.index_cast %parallel_loop3A_526 : i32 to index
        %parallel_loop3A_528 = arith.index_cast %parallel_loop3A_335 : i32 to index
        %parallel_loop3A_529 = tpu.vector_load %arg11[%parallel_loop3A_527, %parallel_loop3A_528] {strides = array<i32>} : memref<64x768xf32, #tpu.memory_space<vmem>>, vector<1x16xf32>,
        %parallel_loop3A_530 = vector.shape_cast %parallel_loop3A_529 : vector<1x16xf32> to vector<16xf32>
        %parallel_loop3A_531 = arith.addf %parallel_loop3A_524, %parallel_loop3A_530 : vector<16xf32>
        %parallel_loop3A_532 = arith.index_cast %get3A_143 : i32 to index
        %parallel_loop3A_533 = arith.index_cast %parallel_loop3A_335 : i32 to index
        %parallel_loop3A_534 = tpu.vector_load %arg12[%parallel_loop3A_532, %parallel_loop3A_533] {strides = array<i32>} : memref<4x768xf32, #tpu.memory_space<vmem>>, vector<1x16xf32>,
        %parallel_loop3A_535 = vector.shape_cast %parallel_loop3A_534 : vector<1x16xf32> to vector<16xf32>
        %parallel_loop3A_536 = arith.addf %parallel_loop3A_531, %parallel_loop3A_535 : vector<16xf32>
        %parallel_loop3A_537 = arith.constant 8 : i32
        %parallel_loop3A_538 = arith.index_cast %parallel_loop3A_537 : i32 to index
        %parallel_loop3A_539 = arith.index_cast %parallel_loop3A_335 : i32 to index
        %parallel_loop3A_540 = tpu.vector_load %arg9[%parallel_loop3A_538, %parallel_loop3A_539] {strides = array<i32>} : memref<16x768xf32, #tpu.memory_space<vmem>>, vector<1x16xf32>,
        %parallel_loop3A_541 = vector.shape_cast %parallel_loop3A_540 : vector<1x16xf32> to vector<16xf32>
        %parallel_loop3A_542 = vector.shape_cast %parallel_loop3A_536 : vector<16xf32> to vector<1x16xf32>
        tpu.vector_store %arg9[%parallel_loop3A_538, %parallel_loop3A_539], %parallel_loop3A_542 {strides = array<i32>} : memref<16x768xf32, #tpu.memory_space<vmem>>, vector<1x16xf32>,
        %parallel_loop3A_543 = arith.constant 9 : i32
        %parallel_loop3A_544 = arith.index_cast %parallel_loop3A_543 : i32 to index
        %parallel_loop3A_545 = arith.index_cast %parallel_loop3A_335 : i32 to index
        %parallel_loop3A_546 = tpu.vector_load %arg7[%parallel_loop3A_544, %parallel_loop3A_545] {strides = array<i32>} : memref<16x768xf32, #tpu.memory_space<vmem>>, vector<1x16xf32>,
        %parallel_loop3A_547 = vector.shape_cast %parallel_loop3A_546 : vector<1x16xf32> to vector<16xf32>
        %parallel_loop3A_548 = arith.constant 9 : i32
        %parallel_loop3A_549 = arith.addi %mul3A_173, %parallel_loop3A_548 : i32
        %parallel_loop3A_550 = arith.index_cast %parallel_loop3A_549 : i32 to index
        %parallel_loop3A_551 = arith.index_cast %parallel_loop3A_335 : i32 to index
        %parallel_loop3A_552 = tpu.vector_load %arg11[%parallel_loop3A_550, %parallel_loop3A_551] {strides = array<i32>} : memref<64x768xf32, #tpu.memory_space<vmem>>, vector<1x16xf32>,
        %parallel_loop3A_553 = vector.shape_cast %parallel_loop3A_552 : vector<1x16xf32> to vector<16xf32>
        %parallel_loop3A_554 = arith.addf %parallel_loop3A_547, %parallel_loop3A_553 : vector<16xf32>
        %parallel_loop3A_555 = arith.index_cast %get3A_147 : i32 to index
        %parallel_loop3A_556 = arith.index_cast %parallel_loop3A_335 : i32 to index
        %parallel_loop3A_557 = tpu.vector_load %arg12[%parallel_loop3A_555, %parallel_loop3A_556] {strides = array<i32>} : memref<4x768xf32, #tpu.memory_space<vmem>>, vector<1x16xf32>,
        %parallel_loop3A_558 = vector.shape_cast %parallel_loop3A_557 : vector<1x16xf32> to vector<16xf32>
        %parallel_loop3A_559 = arith.addf %parallel_loop3A_554, %parallel_loop3A_558 : vector<16xf32>
        %parallel_loop3A_560 = arith.constant 9 : i32
        %parallel_loop3A_561 = arith.index_cast %parallel_loop3A_560 : i32 to index
        %parallel_loop3A_562 = arith.index_cast %parallel_loop3A_335 : i32 to index
        %parallel_loop3A_563 = tpu.vector_load %arg9[%parallel_loop3A_561, %parallel_loop3A_562] {strides = array<i32>} : memref<16x768xf32, #tpu.memory_space<vmem>>, vector<1x16xf32>,
        %parallel_loop3A_564 = vector.shape_cast %parallel_loop3A_563 : vector<1x16xf32> to vector<16xf32>
        %parallel_loop3A_565 = vector.shape_cast %parallel_loop3A_559 : vector<16xf32> to vector<1x16xf32>
        tpu.vector_store %arg9[%parallel_loop3A_561, %parallel_loop3A_562], %parallel_loop3A_565 {strides = array<i32>} : memref<16x768xf32, #tpu.memory_space<vmem>>, vector<1x16xf32>,
        %parallel_loop3A_566 = arith.constant 10 : i32
        %parallel_loop3A_567 = arith.index_cast %parallel_loop3A_566 : i32 to index
        %parallel_loop3A_568 = arith.index_cast %parallel_loop3A_335 : i32 to index
        %parallel_loop3A_569 = tpu.vector_load %arg7[%parallel_loop3A_567, %parallel_loop3A_568] {strides = array<i32>} : memref<16x768xf32, #tpu.memory_space<vmem>>, vector<1x16xf32>,
        %parallel_loop3A_570 = vector.shape_cast %parallel_loop3A_569 : vector<1x16xf32> to vector<16xf32>
        %parallel_loop3A_571 = arith.constant 10 : i32
        %parallel_loop3A_572 = arith.addi %mul3A_173, %parallel_loop3A_571 : i32
        %parallel_loop3A_573 = arith.index_cast %parallel_loop3A_572 : i32 to index
        %parallel_loop3A_574 = arith.index_cast %parallel_loop3A_335 : i32 to index
        %parallel_loop3A_575 = tpu.vector_load %arg11[%parallel_loop3A_573, %parallel_loop3A_574] {strides = array<i32>} : memref<64x768xf32, #tpu.memory_space<vmem>>, vector<1x16xf32>,
        %parallel_loop3A_576 = vector.shape_cast %parallel_loop3A_575 : vector<1x16xf32> to vector<16xf32>
        %parallel_loop3A_577 = arith.addf %parallel_loop3A_570, %parallel_loop3A_576 : vector<16xf32>
        %parallel_loop3A_578 = arith.index_cast %get3A_151 : i32 to index
        %parallel_loop3A_579 = arith.index_cast %parallel_loop3A_335 : i32 to index
        %parallel_loop3A_580 = tpu.vector_load %arg12[%parallel_loop3A_578, %parallel_loop3A_579] {strides = array<i32>} : memref<4x768xf32, #tpu.memory_space<vmem>>, vector<1x16xf32>,
        %parallel_loop3A_581 = vector.shape_cast %parallel_loop3A_580 : vector<1x16xf32> to vector<16xf32>
        %parallel_loop3A_582 = arith.addf %parallel_loop3A_577, %parallel_loop3A_581 : vector<16xf32>
        %parallel_loop3A_583 = arith.constant 10 : i32
        %parallel_loop3A_584 = arith.index_cast %parallel_loop3A_583 : i32 to index
        %parallel_loop3A_585 = arith.index_cast %parallel_loop3A_335 : i32 to index
        %parallel_loop3A_586 = tpu.vector_load %arg9[%parallel_loop3A_584, %parallel_loop3A_585] {strides = array<i32>} : memref<16x768xf32, #tpu.memory_space<vmem>>, vector<1x16xf32>,
        %parallel_loop3A_587 = vector.shape_cast %parallel_loop3A_586 : vector<1x16xf32> to vector<16xf32>
        %parallel_loop3A_588 = vector.shape_cast %parallel_loop3A_582 : vector<16xf32> to vector<1x16xf32>
        tpu.vector_store %arg9[%parallel_loop3A_584, %parallel_loop3A_585], %parallel_loop3A_588 {strides = array<i32>} : memref<16x768xf32, #tpu.memory_space<vmem>>, vector<1x16xf32>,
        %parallel_loop3A_589 = arith.constant 11 : i32
        %parallel_loop3A_590 = arith.index_cast %parallel_loop3A_589 : i32 to index
        %parallel_loop3A_591 = arith.index_cast %parallel_loop3A_335 : i32 to index
        %parallel_loop3A_592 = tpu.vector_load %arg7[%parallel_loop3A_590, %parallel_loop3A_591] {strides = array<i32>} : memref<16x768xf32, #tpu.memory_space<vmem>>, vector<1x16xf32>,
        %parallel_loop3A_593 = vector.shape_cast %parallel_loop3A_592 : vector<1x16xf32> to vector<16xf32>
        %parallel_loop3A_594 = arith.constant 11 : i32
        %parallel_loop3A_595 = arith.addi %mul3A_173, %parallel_loop3A_594 : i32
        %parallel_loop3A_596 = arith.index_cast %parallel_loop3A_595 : i32 to index
        %parallel_loop3A_597 = arith.index_cast %parallel_loop3A_335 : i32 to index
        %parallel_loop3A_598 = tpu.vector_load %arg11[%parallel_loop3A_596, %parallel_loop3A_597] {strides = array<i32>} : memref<64x768xf32, #tpu.memory_space<vmem>>, vector<1x16xf32>,
        %parallel_loop3A_599 = vector.shape_cast %parallel_loop3A_598 : vector<1x16xf32> to vector<16xf32>
        %parallel_loop3A_600 = arith.addf %parallel_loop3A_593, %parallel_loop3A_599 : vector<16xf32>
        %parallel_loop3A_601 = arith.index_cast %get3A_155 : i32 to index
        %parallel_loop3A_602 = arith.index_cast %parallel_loop3A_335 : i32 to index
        %parallel_loop3A_603 = tpu.vector_load %arg12[%parallel_loop3A_601, %parallel_loop3A_602] {strides = array<i32>} : memref<4x768xf32, #tpu.memory_space<vmem>>, vector<1x16xf32>,
        %parallel_loop3A_604 = vector.shape_cast %parallel_loop3A_603 : vector<1x16xf32> to vector<16xf32>
        %parallel_loop3A_605 = arith.addf %parallel_loop3A_600, %parallel_loop3A_604 : vector<16xf32>
        %parallel_loop3A_606 = arith.constant 11 : i32
        %parallel_loop3A_607 = arith.index_cast %parallel_loop3A_606 : i32 to index
        %parallel_loop3A_608 = arith.index_cast %parallel_loop3A_335 : i32 to index
        %parallel_loop3A_609 = tpu.vector_load %arg9[%parallel_loop3A_607, %parallel_loop3A_608] {strides = array<i32>} : memref<16x768xf32, #tpu.memory_space<vmem>>, vector<1x16xf32>,
        %parallel_loop3A_610 = vector.shape_cast %parallel_loop3A_609 : vector<1x16xf32> to vector<16xf32>
        %parallel_loop3A_611 = vector.shape_cast %parallel_loop3A_605 : vector<16xf32> to vector<1x16xf32>
        tpu.vector_store %arg9[%parallel_loop3A_607, %parallel_loop3A_608], %parallel_loop3A_611 {strides = array<i32>} : memref<16x768xf32, #tpu.memory_space<vmem>>, vector<1x16xf32>,
        %parallel_loop3A_612 = arith.constant 12 : i32
        %parallel_loop3A_613 = arith.index_cast %parallel_loop3A_612 : i32 to index
        %parallel_loop3A_614 = arith.index_cast %parallel_loop3A_335 : i32 to index
        %parallel_loop3A_615 = tpu.vector_load %arg7[%parallel_loop3A_613, %parallel_loop3A_614] {strides = array<i32>} : memref<16x768xf32, #tpu.memory_space<vmem>>, vector<1x16xf32>,
        %parallel_loop3A_616 = vector.shape_cast %parallel_loop3A_615 : vector<1x16xf32> to vector<16xf32>
        %parallel_loop3A_617 = arith.constant 12 : i32
        %parallel_loop3A_618 = arith.addi %mul3A_173, %parallel_loop3A_617 : i32
        %parallel_loop3A_619 = arith.index_cast %parallel_loop3A_618 : i32 to index
        %parallel_loop3A_620 = arith.index_cast %parallel_loop3A_335 : i32 to index
        %parallel_loop3A_621 = tpu.vector_load %arg11[%parallel_loop3A_619, %parallel_loop3A_620] {strides = array<i32>} : memref<64x768xf32, #tpu.memory_space<vmem>>, vector<1x16xf32>,
        %parallel_loop3A_622 = vector.shape_cast %parallel_loop3A_621 : vector<1x16xf32> to vector<16xf32>
        %parallel_loop3A_623 = arith.addf %parallel_loop3A_616, %parallel_loop3A_622 : vector<16xf32>
        %parallel_loop3A_624 = arith.index_cast %get3A_159 : i32 to index
        %parallel_loop3A_625 = arith.index_cast %parallel_loop3A_335 : i32 to index
        %parallel_loop3A_626 = tpu.vector_load %arg12[%parallel_loop3A_624, %parallel_loop3A_625] {strides = array<i32>} : memref<4x768xf32, #tpu.memory_space<vmem>>, vector<1x16xf32>,
        %parallel_loop3A_627 = vector.shape_cast %parallel_loop3A_626 : vector<1x16xf32> to vector<16xf32>
        %parallel_loop3A_628 = arith.addf %parallel_loop3A_623, %parallel_loop3A_627 : vector<16xf32>
        %parallel_loop3A_629 = arith.constant 12 : i32
        %parallel_loop3A_630 = arith.index_cast %parallel_loop3A_629 : i32 to index
        %parallel_loop3A_631 = arith.index_cast %parallel_loop3A_335 : i32 to index
        %parallel_loop3A_632 = tpu.vector_load %arg9[%parallel_loop3A_630, %parallel_loop3A_631] {strides = array<i32>} : memref<16x768xf32, #tpu.memory_space<vmem>>, vector<1x16xf32>,
        %parallel_loop3A_633 = vector.shape_cast %parallel_loop3A_632 : vector<1x16xf32> to vector<16xf32>
        %parallel_loop3A_634 = vector.shape_cast %parallel_loop3A_628 : vector<16xf32> to vector<1x16xf32>
        tpu.vector_store %arg9[%parallel_loop3A_630, %parallel_loop3A_631], %parallel_loop3A_634 {strides = array<i32>} : memref<16x768xf32, #tpu.memory_space<vmem>>, vector<1x16xf32>,
        %parallel_loop3A_635 = arith.constant 13 : i32
        %parallel_loop3A_636 = arith.index_cast %parallel_loop3A_635 : i32 to index
        %parallel_loop3A_637 = arith.index_cast %parallel_loop3A_335 : i32 to index
        %parallel_loop3A_638 = tpu.vector_load %arg7[%parallel_loop3A_636, %parallel_loop3A_637] {strides = array<i32>} : memref<16x768xf32, #tpu.memory_space<vmem>>, vector<1x16xf32>,
        %parallel_loop3A_639 = vector.shape_cast %parallel_loop3A_638 : vector<1x16xf32> to vector<16xf32>
        %parallel_loop3A_640 = arith.constant 13 : i32
        %parallel_loop3A_641 = arith.addi %mul3A_173, %parallel_loop3A_640 : i32
        %parallel_loop3A_642 = arith.index_cast %parallel_loop3A_641 : i32 to index
        %parallel_loop3A_643 = arith.index_cast %parallel_loop3A_335 : i32 to index
        %parallel_loop3A_644 = tpu.vector_load %arg11[%parallel_loop3A_642, %parallel_loop3A_643] {strides = array<i32>} : memref<64x768xf32, #tpu.memory_space<vmem>>, vector<1x16xf32>,
        %parallel_loop3A_645 = vector.shape_cast %parallel_loop3A_644 : vector<1x16xf32> to vector<16xf32>
        %parallel_loop3A_646 = arith.addf %parallel_loop3A_639, %parallel_loop3A_645 : vector<16xf32>
        %parallel_loop3A_647 = arith.index_cast %get3A_163 : i32 to index
        %parallel_loop3A_648 = arith.index_cast %parallel_loop3A_335 : i32 to index
        %parallel_loop3A_649 = tpu.vector_load %arg12[%parallel_loop3A_647, %parallel_loop3A_648] {strides = array<i32>} : memref<4x768xf32, #tpu.memory_space<vmem>>, vector<1x16xf32>,
        %parallel_loop3A_650 = vector.shape_cast %parallel_loop3A_649 : vector<1x16xf32> to vector<16xf32>
        %parallel_loop3A_651 = arith.addf %parallel_loop3A_646, %parallel_loop3A_650 : vector<16xf32>
        %parallel_loop3A_652 = arith.constant 13 : i32
        %parallel_loop3A_653 = arith.index_cast %parallel_loop3A_652 : i32 to index
        %parallel_loop3A_654 = arith.index_cast %parallel_loop3A_335 : i32 to index
        %parallel_loop3A_655 = tpu.vector_load %arg9[%parallel_loop3A_653, %parallel_loop3A_654] {strides = array<i32>} : memref<16x768xf32, #tpu.memory_space<vmem>>, vector<1x16xf32>,
        %parallel_loop3A_656 = vector.shape_cast %parallel_loop3A_655 : vector<1x16xf32> to vector<16xf32>
        %parallel_loop3A_657 = vector.shape_cast %parallel_loop3A_651 : vector<16xf32> to vector<1x16xf32>
        tpu.vector_store %arg9[%parallel_loop3A_653, %parallel_loop3A_654], %parallel_loop3A_657 {strides = array<i32>} : memref<16x768xf32, #tpu.memory_space<vmem>>, vector<1x16xf32>,
        %parallel_loop3A_658 = arith.constant 14 : i32
        %parallel_loop3A_659 = arith.index_cast %parallel_loop3A_658 : i32 to index
        %parallel_loop3A_660 = arith.index_cast %parallel_loop3A_335 : i32 to index
        %parallel_loop3A_661 = tpu.vector_load %arg7[%parallel_loop3A_659, %parallel_loop3A_660] {strides = array<i32>} : memref<16x768xf32, #tpu.memory_space<vmem>>, vector<1x16xf32>,
        %parallel_loop3A_662 = vector.shape_cast %parallel_loop3A_661 : vector<1x16xf32> to vector<16xf32>
        %parallel_loop3A_663 = arith.constant 14 : i32
        %parallel_loop3A_664 = arith.addi %mul3A_173, %parallel_loop3A_663 : i32
        %parallel_loop3A_665 = arith.index_cast %parallel_loop3A_664 : i32 to index
        %parallel_loop3A_666 = arith.index_cast %parallel_loop3A_335 : i32 to index
        %parallel_loop3A_667 = tpu.vector_load %arg11[%parallel_loop3A_665, %parallel_loop3A_666] {strides = array<i32>} : memref<64x768xf32, #tpu.memory_space<vmem>>, vector<1x16xf32>,
        %parallel_loop3A_668 = vector.shape_cast %parallel_loop3A_667 : vector<1x16xf32> to vector<16xf32>
        %parallel_loop3A_669 = arith.addf %parallel_loop3A_662, %parallel_loop3A_668 : vector<16xf32>
        %parallel_loop3A_670 = arith.index_cast %get3A_167 : i32 to index
        %parallel_loop3A_671 = arith.index_cast %parallel_loop3A_335 : i32 to index
        %parallel_loop3A_672 = tpu.vector_load %arg12[%parallel_loop3A_670, %parallel_loop3A_671] {strides = array<i32>} : memref<4x768xf32, #tpu.memory_space<vmem>>, vector<1x16xf32>,
        %parallel_loop3A_673 = vector.shape_cast %parallel_loop3A_672 : vector<1x16xf32> to vector<16xf32>
        %parallel_loop3A_674 = arith.addf %parallel_loop3A_669, %parallel_loop3A_673 : vector<16xf32>
        %parallel_loop3A_675 = arith.constant 14 : i32
        %parallel_loop3A_676 = arith.index_cast %parallel_loop3A_675 : i32 to index
        %parallel_loop3A_677 = arith.index_cast %parallel_loop3A_335 : i32 to index
        %parallel_loop3A_678 = tpu.vector_load %arg9[%parallel_loop3A_676, %parallel_loop3A_677] {strides = array<i32>} : memref<16x768xf32, #tpu.memory_space<vmem>>, vector<1x16xf32>,
        %parallel_loop3A_679 = vector.shape_cast %parallel_loop3A_678 : vector<1x16xf32> to vector<16xf32>
        %parallel_loop3A_680 = vector.shape_cast %parallel_loop3A_674 : vector<16xf32> to vector<1x16xf32>
        tpu.vector_store %arg9[%parallel_loop3A_676, %parallel_loop3A_677], %parallel_loop3A_680 {strides = array<i32>} : memref<16x768xf32, #tpu.memory_space<vmem>>, vector<1x16xf32>,
        %parallel_loop3A_681 = arith.constant 15 : i32
        %parallel_loop3A_682 = arith.index_cast %parallel_loop3A_681 : i32 to index
        %parallel_loop3A_683 = arith.index_cast %parallel_loop3A_335 : i32 to index
        %parallel_loop3A_684 = tpu.vector_load %arg7[%parallel_loop3A_682, %parallel_loop3A_683] {strides = array<i32>} : memref<16x768xf32, #tpu.memory_space<vmem>>, vector<1x16xf32>,
        %parallel_loop3A_685 = vector.shape_cast %parallel_loop3A_684 : vector<1x16xf32> to vector<16xf32>
        %parallel_loop3A_686 = arith.constant 15 : i32
        %parallel_loop3A_687 = arith.addi %mul3A_173, %parallel_loop3A_686 : i32
        %parallel_loop3A_688 = arith.index_cast %parallel_loop3A_687 : i32 to index
        %parallel_loop3A_689 = arith.index_cast %parallel_loop3A_335 : i32 to index
        %parallel_loop3A_690 = tpu.vector_load %arg11[%parallel_loop3A_688, %parallel_loop3A_689] {strides = array<i32>} : memref<64x768xf32, #tpu.memory_space<vmem>>, vector<1x16xf32>,
        %parallel_loop3A_691 = vector.shape_cast %parallel_loop3A_690 : vector<1x16xf32> to vector<16xf32>
        %parallel_loop3A_692 = arith.addf %parallel_loop3A_685, %parallel_loop3A_691 : vector<16xf32>
        %parallel_loop3A_693 = arith.index_cast %get3A_171 : i32 to index
        %parallel_loop3A_694 = arith.index_cast %parallel_loop3A_335 : i32 to index
        %parallel_loop3A_695 = tpu.vector_load %arg12[%parallel_loop3A_693, %parallel_loop3A_694] {strides = array<i32>} : memref<4x768xf32, #tpu.memory_space<vmem>>, vector<1x16xf32>,
        %parallel_loop3A_696 = vector.shape_cast %parallel_loop3A_695 : vector<1x16xf32> to vector<16xf32>
        %parallel_loop3A_697 = arith.addf %parallel_loop3A_692, %parallel_loop3A_696 : vector<16xf32>
        %parallel_loop3A_698 = arith.constant 15 : i32
        %parallel_loop3A_699 = arith.index_cast %parallel_loop3A_698 : i32 to index
        %parallel_loop3A_700 = arith.index_cast %parallel_loop3A_335 : i32 to index
        %parallel_loop3A_701 = tpu.vector_load %arg9[%parallel_loop3A_699, %parallel_loop3A_700] {strides = array<i32>} : memref<16x768xf32, #tpu.memory_space<vmem>>, vector<1x16xf32>,
        %parallel_loop3A_702 = vector.shape_cast %parallel_loop3A_701 : vector<1x16xf32> to vector<16xf32>
        %parallel_loop3A_703 = vector.shape_cast %parallel_loop3A_697 : vector<16xf32> to vector<1x16xf32>
        tpu.vector_store %arg9[%parallel_loop3A_699, %parallel_loop3A_700], %parallel_loop3A_703 {strides = array<i32>} : memref<16x768xf32, #tpu.memory_space<vmem>>, vector<1x16xf32>,
      } {sc.loop_unroll_factor = 4 : i64, sc.parallel_access}
      %dma_start3A_176 = arith.constant 0 : i32
      %dma_start3A_177 = tpu.memref_slice %arg6[%add3A_93, %dma_start3A_176] : memref<8192x768xf32, #tpu.memory_space<hbm>> -> memref<16x768xf32, #tpu.memory_space<hbm>>
      %dma_start3A_178 = arith.constant 0 : i32
      %dma_start3A_179 = tpu.memref_slice %arg6[%add3A_93, %dma_start3A_178] : memref<8192x768xf32, #tpu.memory_space<hbm>> -> memref<16x768xf32, #tpu.memory_space<hbm>>
      tpu.enqueue_dma source(%arg9 : memref<16x768xf32, #tpu.memory_space<vmem>>) target(%dma_start3A_179 : memref<16x768xf32, #tpu.memory_space<hbm>>) target_semaphore(%arg17 : memref<!tpu.dma_semaphore, #tpu.memory_space<semaphore_mem>>)
      %add3A_180 = arith.constant 2 : i32
      %add3A_181 = arith.addi %add3A_56, %add3A_180 : i32
      %lt3A_182 = arith.constant 16 : i32
      %lt3A_183 = arith.cmpi slt, %add3A_181, %lt3A_182 : i32
      %convert_element_type3A_184 = arith.extui %lt3A_183 : i1 to i32
      %cond3A_185 = arith.constant 0 : i32
      %cond3A_186 = arith.cmpi ne, %convert_element_type3A_184, %cond3A_185 : i32
      scf.if %cond3A_186 {
        %add3A_333 = arith.constant 2 : i32
        %add3A_334 = arith.addi %add3A_56, %add3A_333 : i32
        %jit3A_335 = arith.constant 4 : i32
        %div3A_336 = arith.divsi %add3A_334, %jit3A_335 : i32
        %sign3A_337 = arith.constant 0 : i32
        %sign3A_338 = arith.cmpi sgt, %add3A_334, %sign3A_337 : i32
        %sign3A_339 = arith.extui %sign3A_338 : i1 to i32
        %sign3A_340 = arith.constant 0 : i32
        %sign3A_341 = arith.cmpi slt, %add3A_334, %sign3A_340 : i32
        %sign3A_342 = arith.extui %sign3A_341 : i1 to i32
        %sign3A_343 = arith.subi %sign3A_339, %sign3A_342 : i32
        %sign3A_344 = arith.constant 0 : i32
        %sign3A_345 = arith.cmpi sgt, %jit3A_335, %sign3A_344 : i32
        %sign3A_346 = arith.extui %sign3A_345 : i1 to i32
        %sign3A_347 = arith.constant 0 : i32
        %sign3A_348 = arith.cmpi slt, %jit3A_335, %sign3A_347 : i32
        %sign3A_349 = arith.extui %sign3A_348 : i1 to i32
        %sign3A_350 = arith.subi %sign3A_346, %sign3A_349 : i32
        %ne3A_351 = arith.cmpi ne, %sign3A_343, %sign3A_350 : i32
        %rem3A_352 = arith.remsi %add3A_334, %jit3A_335 : i32
        %ne3A_353 = arith.constant 0 : i32
        %ne3A_354 = arith.cmpi ne, %rem3A_352, %ne3A_353 : i32
        %and3A_355 = arith.andi %ne3A_351, %ne3A_354 : i1
        %sub3A_356 = arith.constant 1 : i32
        %sub3A_357 = arith.subi %div3A_336, %sub3A_356 : i32
        %select_n3A_358 = arith.select %and3A_355, %sub3A_357, %div3A_336 : i32
        %jit3A_359 = arith.constant 4 : i32
        %eq3A_360 = arith.constant 0 : i32
        %eq3A_361 = arith.cmpi eq, %jit3A_359, %eq3A_360 : i32
        %jit3A_362 = arith.constant 1 : i32
        %select_n3A_363 = arith.select %eq3A_361, %jit3A_362, %jit3A_359 : i32
        %rem3A_364 = arith.remsi %add3A_334, %select_n3A_363 : i32
        %ne3A_365 = arith.constant 0 : i32
        %ne3A_366 = arith.cmpi ne, %rem3A_364, %ne3A_365 : i32
        %lt3A_367 = arith.constant 0 : i32
        %lt3A_368 = arith.cmpi slt, %rem3A_364, %lt3A_367 : i32
        %lt3A_369 = arith.constant 0 : i32
        %lt3A_370 = arith.cmpi slt, %select_n3A_363, %lt3A_369 : i32
        %ne3A_371 = arith.xori %lt3A_368, %lt3A_370 : i1
        %and3A_372 = arith.andi %ne3A_371, %ne3A_366 : i1
        %add3A_373 = arith.addi %rem3A_364, %select_n3A_363 : i32
        %select_n3A_374 = arith.select %and3A_372, %add3A_373, %rem3A_364 : i32
        %mul3A_375 = arith.constant 2048 : i32
        %mul3A_376 = arith.muli %select_n3A_358, %mul3A_375 : i32
        %add3A_377 = arith.addi %mul3A_376, %mul3A_2 : i32
        %mul3A_378 = arith.constant 16 : i32
        %mul3A_379 = arith.muli %select_n3A_374, %mul3A_378 : i32
        %add3A_380 = arith.addi %add3A_377, %mul3A_379 : i32
        %mul3A_381 = arith.constant 64 : i32
        %mul3A_382 = arith.muli %select_n3A_358, %mul3A_381 : i32
        %mul3A_383 = arith.constant 16 : i32
        %mul3A_384 = arith.muli %select_n3A_374, %mul3A_383 : i32
        %add3A_385 = arith.addi %mul3A_382, %mul3A_384 : i32
        %dma_start3A_386 = arith.constant 0 : i32
        %dma_start3A_387 = tpu.memref_slice %arg2[%add3A_380, %dma_start3A_386] : memref<8192x768xf32, #tpu.memory_space<hbm>> -> memref<16x768xf32, #tpu.memory_space<hbm>>
        %dma_start3A_388 = arith.constant 0 : i32
        %dma_start3A_389 = tpu.memref_slice %arg2[%add3A_380, %dma_start3A_388] : memref<8192x768xf32, #tpu.memory_space<hbm>> -> memref<16x768xf32, #tpu.memory_space<hbm>>
        tpu.enqueue_dma source(%dma_start3A_389 : memref<16x768xf32, #tpu.memory_space<hbm>>) target(%arg7 : memref<16x768xf32, #tpu.memory_space<vmem>>) target_semaphore(%arg15 : memref<!tpu.dma_semaphore, #tpu.memory_space<semaphore_mem>>)
      } else {
      }
      %mul3A_187 = arith.constant 2 : i32
      %mul3A_188 = arith.muli %mul3A_187, %scan3A_52 : i32
      %add3A_189 = arith.constant 1 : i32
      %add3A_190 = arith.addi %mul3A_188, %add3A_189 : i32
      %jit3A_191 = arith.constant 4 : i32
      %div3A_192 = arith.divsi %add3A_190, %jit3A_191 : i32
      %sign3A_193 = arith.constant 0 : i32
      %sign3A_194 = arith.cmpi sgt, %add3A_190, %sign3A_193 : i32
      %sign3A_195 = arith.extui %sign3A_194 : i1 to i32
      %sign3A_196 = arith.constant 0 : i32
      %sign3A_197 = arith.cmpi slt, %add3A_190, %sign3A_196 : i32
      %sign3A_198 = arith.extui %sign3A_197 : i1 to i32
      %sign3A_199 = arith.subi %sign3A_195, %sign3A_198 : i32
      %sign3A_200 = arith.constant 0 : i32
      %sign3A_201 = arith.cmpi sgt, %jit3A_191, %sign3A_200 : i32
      %sign3A_202 = arith.extui %sign3A_201 : i1 to i32
      %sign3A_203 = arith.constant 0 : i32
      %sign3A_204 = arith.cmpi slt, %jit3A_191, %sign3A_203 : i32
      %sign3A_205 = arith.extui %sign3A_204 : i1 to i32
      %sign3A_206 = arith.subi %sign3A_202, %sign3A_205 : i32
      %ne3A_207 = arith.cmpi ne, %sign3A_199, %sign3A_206 : i32
      %rem3A_208 = arith.remsi %add3A_190, %jit3A_191 : i32
      %ne3A_209 = arith.constant 0 : i32
      %ne3A_210 = arith.cmpi ne, %rem3A_208, %ne3A_209 : i32
      %and3A_211 = arith.andi %ne3A_207, %ne3A_210 : i1
      %sub3A_212 = arith.constant 1 : i32
      %sub3A_213 = arith.subi %div3A_192, %sub3A_212 : i32
      %select_n3A_214 = arith.select %and3A_211, %sub3A_213, %div3A_192 : i32
      %jit3A_215 = arith.constant 4 : i32
      %eq3A_216 = arith.constant 0 : i32
      %eq3A_217 = arith.cmpi eq, %jit3A_215, %eq3A_216 : i32
      %jit3A_218 = arith.constant 1 : i32
      %select_n3A_219 = arith.select %eq3A_217, %jit3A_218, %jit3A_215 : i32
      %rem3A_220 = arith.remsi %add3A_190, %select_n3A_219 : i32
      %ne3A_221 = arith.constant 0 : i32
      %ne3A_222 = arith.cmpi ne, %rem3A_220, %ne3A_221 : i32
      %lt3A_223 = arith.constant 0 : i32
      %lt3A_224 = arith.cmpi slt, %rem3A_220, %lt3A_223 : i32
      %lt3A_225 = arith.constant 0 : i32
      %lt3A_226 = arith.cmpi slt, %select_n3A_219, %lt3A_225 : i32
      %ne3A_227 = arith.xori %lt3A_224, %lt3A_226 : i1
      %and3A_228 = arith.andi %ne3A_227, %ne3A_222 : i1
      %add3A_229 = arith.addi %rem3A_220, %select_n3A_219 : i32
      %select_n3A_230 = arith.select %and3A_228, %add3A_229, %rem3A_220 : i32
      %mul3A_231 = arith.constant 2048 : i32
      %mul3A_232 = arith.muli %select_n3A_214, %mul3A_231 : i32
      %add3A_233 = arith.addi %mul3A_232, %mul3A_2 : i32
      %mul3A_234 = arith.constant 16 : i32
      %mul3A_235 = arith.muli %select_n3A_230, %mul3A_234 : i32
      %add3A_236 = arith.addi %add3A_233, %mul3A_235 : i32
      %mul3A_237 = arith.constant 64 : i32
      %mul3A_238 = arith.muli %select_n3A_214, %mul3A_237 : i32
      %mul3A_239 = arith.constant 16 : i32
      %mul3A_240 = arith.muli %select_n3A_230, %mul3A_239 : i32
      %add3A_241 = arith.addi %mul3A_238, %mul3A_240 : i32
      %dma_wait3A_242 = arith.constant 0 : i32
      %dma_wait3A_243 = arith.constant 0 : i32
      %dma_wait3A_244 = tpu.memref_slice %arg2[%dma_wait3A_242, %dma_wait3A_243] : memref<8192x768xf32, #tpu.memory_space<hbm>> -> memref<16x768xf32, #tpu.memory_space<hbm>>
      %dma_wait3A_245 = arith.constant 0 : i32
      %dma_wait3A_246 = arith.constant 0 : i32
      %dma_wait3A_247 = tpu.memref_slice %arg2[%dma_wait3A_245, %dma_wait3A_246] : memref<8192x768xf32, #tpu.memory_space<hbm>> -> memref<16x768xf32, #tpu.memory_space<hbm>>
      tpu.wait_dma2 semaphore(%arg16 : memref<!tpu.dma_semaphore, #tpu.memory_space<semaphore_mem>>) src(%dma_wait3A_247 : memref<16x768xf32, #tpu.memory_space<hbm>>) dst(%arg8 : memref<16x768xf32, #tpu.memory_space<vmem>>)
      %ge3A_248 = arith.constant 2 : i32
      %ge3A_249 = arith.cmpi sge, %add3A_190, %ge3A_248 : i32
      %convert_element_type3A_250 = arith.extui %ge3A_249 : i1 to i32
      %cond3A_251 = arith.constant 0 : i32
      %cond3A_252 = arith.cmpi ne, %convert_element_type3A_250, %cond3A_251 : i32
      scf.if %cond3A_252 {
        %dma_wait3A_333 = arith.constant 0 : i32
        %dma_wait3A_334 = arith.constant 0 : i32
        %dma_wait3A_335 = tpu.memref_slice %arg6[%dma_wait3A_333, %dma_wait3A_334] : memref<8192x768xf32, #tpu.memory_space<hbm>> -> memref<16x768xf32, #tpu.memory_space<hbm>>
        %dma_wait3A_336 = arith.constant 0 : i32
        %dma_wait3A_337 = arith.constant 0 : i32
        %dma_wait3A_338 = tpu.memref_slice %arg6[%dma_wait3A_336, %dma_wait3A_337] : memref<8192x768xf32, #tpu.memory_space<hbm>> -> memref<16x768xf32, #tpu.memory_space<hbm>>
        tpu.wait_dma2 semaphore(%arg18 : memref<!tpu.dma_semaphore, #tpu.memory_space<semaphore_mem>>) src(%arg10 : memref<16x768xf32, #tpu.memory_space<vmem>>) dst(%dma_wait3A_338 : memref<16x768xf32, #tpu.memory_space<hbm>>)
      } else {
      }
      %add3A_253 = arith.constant 0 : i32
      %add3A_254 = arith.addi %add3A_241, %add3A_253 : i32
      %get3A_255 = arith.index_cast %add3A_254 : i32 to index
      %get3A_256 = memref.load %arg14[%get3A_255] : memref<256xi32, #tpu.memory_space<smem>>
      %add3A_257 = arith.constant 1 : i32
      %add3A_258 = arith.addi %add3A_241, %add3A_257 : i32
      %get3A_259 = arith.index_cast %add3A_258 : i32 to index
      %get3A_260 = memref.load %arg14[%get3A_259] : memref<256xi32, #tpu.memory_space<smem>>
      %add3A_261 = arith.constant 2 : i32
      %add3A_262 = arith.addi %add3A_241, %add3A_261 : i32
      %get3A_263 = arith.index_cast %add3A_262 : i32 to index
      %get3A_264 = memref.load %arg14[%get3A_263] : memref<256xi32, #tpu.memory_space<smem>>
      %add3A_265 = arith.constant 3 : i32
      %add3A_266 = arith.addi %add3A_241, %add3A_265 : i32
      %get3A_267 = arith.index_cast %add3A_266 : i32 to index
      %get3A_268 = memref.load %arg14[%get3A_267] : memref<256xi32, #tpu.memory_space<smem>>
      %add3A_269 = arith.constant 4 : i32
      %add3A_270 = arith.addi %add3A_241, %add3A_269 : i32
      %get3A_271 = arith.index_cast %add3A_270 : i32 to index
      %get3A_272 = memref.load %arg14[%get3A_271] : memref<256xi32, #tpu.memory_space<smem>>
      %add3A_273 = arith.constant 5 : i32
      %add3A_274 = arith.addi %add3A_241, %add3A_273 : i32
      %get3A_275 = arith.index_cast %add3A_274 : i32 to index
      %get3A_276 = memref.load %arg14[%get3A_275] : memref<256xi32, #tpu.memory_space<smem>>
      %add3A_277 = arith.constant 6 : i32
      %add3A_278 = arith.addi %add3A_241, %add3A_277 : i32
      %get3A_279 = arith.index_cast %add3A_278 : i32 to index
      %get3A_280 = memref.load %arg14[%get3A_279] : memref<256xi32, #tpu.memory_space<smem>>
      %add3A_281 = arith.constant 7 : i32
      %add3A_282 = arith.addi %add3A_241, %add3A_281 : i32
      %get3A_283 = arith.index_cast %add3A_282 : i32 to index
      %get3A_284 = memref.load %arg14[%get3A_283] : memref<256xi32, #tpu.memory_space<smem>>
      %add3A_285 = arith.constant 8 : i32
      %add3A_286 = arith.addi %add3A_241, %add3A_285 : i32
      %get3A_287 = arith.index_cast %add3A_286 : i32 to index
      %get3A_288 = memref.load %arg14[%get3A_287] : memref<256xi32, #tpu.memory_space<smem>>
      %add3A_289 = arith.constant 9 : i32
      %add3A_290 = arith.addi %add3A_241, %add3A_289 : i32
      %get3A_291 = arith.index_cast %add3A_290 : i32 to index
      %get3A_292 = memref.load %arg14[%get3A_291] : memref<256xi32, #tpu.memory_space<smem>>
      %add3A_293 = arith.constant 10 : i32
      %add3A_294 = arith.addi %add3A_241, %add3A_293 : i32
      %get3A_295 = arith.index_cast %add3A_294 : i32 to index
      %get3A_296 = memref.load %arg14[%get3A_295] : memref<256xi32, #tpu.memory_space<smem>>
      %add3A_297 = arith.constant 11 : i32
      %add3A_298 = arith.addi %add3A_241, %add3A_297 : i32
      %get3A_299 = arith.index_cast %add3A_298 : i32 to index
      %get3A_300 = memref.load %arg14[%get3A_299] : memref<256xi32, #tpu.memory_space<smem>>
      %add3A_301 = arith.constant 12 : i32
      %add3A_302 = arith.addi %add3A_241, %add3A_301 : i32
      %get3A_303 = arith.index_cast %add3A_302 : i32 to index
      %get3A_304 = memref.load %arg14[%get3A_303] : memref<256xi32, #tpu.memory_space<smem>>
      %add3A_305 = arith.constant 13 : i32
      %add3A_306 = arith.addi %add3A_241, %add3A_305 : i32
      %get3A_307 = arith.index_cast %add3A_306 : i32 to index
      %get3A_308 = memref.load %arg14[%get3A_307] : memref<256xi32, #tpu.memory_space<smem>>
      %add3A_309 = arith.constant 14 : i32
      %add3A_310 = arith.addi %add3A_241, %add3A_309 : i32
      %get3A_311 = arith.index_cast %add3A_310 : i32 to index
      %get3A_312 = memref.load %arg14[%get3A_311] : memref<256xi32, #tpu.memory_space<smem>>
      %add3A_313 = arith.constant 15 : i32
      %add3A_314 = arith.addi %add3A_241, %add3A_313 : i32
      %get3A_315 = arith.index_cast %add3A_314 : i32 to index
      %get3A_316 = memref.load %arg14[%get3A_315] : memref<256xi32, #tpu.memory_space<smem>>
      %mul3A_317 = arith.constant 16 : i32
      %mul3A_318 = arith.muli %select_n3A_230, %mul3A_317 : i32
      %parallel_loop3A_319 = arith.constant 0 : i32
      %parallel_loop3A_320 = arith.constant 48 : i32
      %parallel_loop3A_321 = arith.constant 1 : i32
      scf.for %parallel_loop3A_333 = %parallel_loop3A_319 to %parallel_loop3A_320 step %parallel_loop3A_321  : i32 {
        %parallel_loop3A_334 = arith.constant 16 : i32
        %parallel_loop3A_335 = arith.muli %parallel_loop3A_333, %parallel_loop3A_334 : i32
        %parallel_loop3A_336 = arith.constant 0 : i32
        %parallel_loop3A_337 = arith.index_cast %parallel_loop3A_336 : i32 to index
        %parallel_loop3A_338 = arith.index_cast %parallel_loop3A_335 : i32 to index
        %parallel_loop3A_339 = tpu.vector_load %arg8[%parallel_loop3A_337, %parallel_loop3A_338] {strides = array<i32>} : memref<16x768xf32, #tpu.memory_space<vmem>>, vector<1x16xf32>,
        %parallel_loop3A_340 = vector.shape_cast %parallel_loop3A_339 : vector<1x16xf32> to vector<16xf32>
        %parallel_loop3A_341 = arith.constant 0 : i32
        %parallel_loop3A_342 = arith.addi %mul3A_318, %parallel_loop3A_341 : i32
        %parallel_loop3A_343 = arith.index_cast %parallel_loop3A_342 : i32 to index
        %parallel_loop3A_344 = arith.index_cast %parallel_loop3A_335 : i32 to index
        %parallel_loop3A_345 = tpu.vector_load %arg11[%parallel_loop3A_343, %parallel_loop3A_344] {strides = array<i32>} : memref<64x768xf32, #tpu.memory_space<vmem>>, vector<1x16xf32>,
        %parallel_loop3A_346 = vector.shape_cast %parallel_loop3A_345 : vector<1x16xf32> to vector<16xf32>
        %parallel_loop3A_347 = arith.addf %parallel_loop3A_340, %parallel_loop3A_346 : vector<16xf32>
        %parallel_loop3A_348 = arith.index_cast %get3A_256 : i32 to index
        %parallel_loop3A_349 = arith.index_cast %parallel_loop3A_335 : i32 to index
        %parallel_loop3A_350 = tpu.vector_load %arg12[%parallel_loop3A_348, %parallel_loop3A_349] {strides = array<i32>} : memref<4x768xf32, #tpu.memory_space<vmem>>, vector<1x16xf32>,
        %parallel_loop3A_351 = vector.shape_cast %parallel_loop3A_350 : vector<1x16xf32> to vector<16xf32>
        %parallel_loop3A_352 = arith.addf %parallel_loop3A_347, %parallel_loop3A_351 : vector<16xf32>
        %parallel_loop3A_353 = arith.constant 0 : i32
        %parallel_loop3A_354 = arith.index_cast %parallel_loop3A_353 : i32 to index
        %parallel_loop3A_355 = arith.index_cast %parallel_loop3A_335 : i32 to index
        %parallel_loop3A_356 = tpu.vector_load %arg10[%parallel_loop3A_354, %parallel_loop3A_355] {strides = array<i32>} : memref<16x768xf32, #tpu.memory_space<vmem>>, vector<1x16xf32>,
        %parallel_loop3A_357 = vector.shape_cast %parallel_loop3A_356 : vector<1x16xf32> to vector<16xf32>
        %parallel_loop3A_358 = vector.shape_cast %parallel_loop3A_352 : vector<16xf32> to vector<1x16xf32>
        tpu.vector_store %arg10[%parallel_loop3A_354, %parallel_loop3A_355], %parallel_loop3A_358 {strides = array<i32>} : memref<16x768xf32, #tpu.memory_space<vmem>>, vector<1x16xf32>,
        %parallel_loop3A_359 = arith.constant 1 : i32
        %parallel_loop3A_360 = arith.index_cast %parallel_loop3A_359 : i32 to index
        %parallel_loop3A_361 = arith.index_cast %parallel_loop3A_335 : i32 to index
        %parallel_loop3A_362 = tpu.vector_load %arg8[%parallel_loop3A_360, %parallel_loop3A_361] {strides = array<i32>} : memref<16x768xf32, #tpu.memory_space<vmem>>, vector<1x16xf32>,
        %parallel_loop3A_363 = vector.shape_cast %parallel_loop3A_362 : vector<1x16xf32> to vector<16xf32>
        %parallel_loop3A_364 = arith.constant 1 : i32
        %parallel_loop3A_365 = arith.addi %mul3A_318, %parallel_loop3A_364 : i32
        %parallel_loop3A_366 = arith.index_cast %parallel_loop3A_365 : i32 to index
        %parallel_loop3A_367 = arith.index_cast %parallel_loop3A_335 : i32 to index
        %parallel_loop3A_368 = tpu.vector_load %arg11[%parallel_loop3A_366, %parallel_loop3A_367] {strides = array<i32>} : memref<64x768xf32, #tpu.memory_space<vmem>>, vector<1x16xf32>,
        %parallel_loop3A_369 = vector.shape_cast %parallel_loop3A_368 : vector<1x16xf32> to vector<16xf32>
        %parallel_loop3A_370 = arith.addf %parallel_loop3A_363, %parallel_loop3A_369 : vector<16xf32>
        %parallel_loop3A_371 = arith.index_cast %get3A_260 : i32 to index
        %parallel_loop3A_372 = arith.index_cast %parallel_loop3A_335 : i32 to index
        %parallel_loop3A_373 = tpu.vector_load %arg12[%parallel_loop3A_371, %parallel_loop3A_372] {strides = array<i32>} : memref<4x768xf32, #tpu.memory_space<vmem>>, vector<1x16xf32>,
        %parallel_loop3A_374 = vector.shape_cast %parallel_loop3A_373 : vector<1x16xf32> to vector<16xf32>
        %parallel_loop3A_375 = arith.addf %parallel_loop3A_370, %parallel_loop3A_374 : vector<16xf32>
        %parallel_loop3A_376 = arith.constant 1 : i32
        %parallel_loop3A_377 = arith.index_cast %parallel_loop3A_376 : i32 to index
        %parallel_loop3A_378 = arith.index_cast %parallel_loop3A_335 : i32 to index
        %parallel_loop3A_379 = tpu.vector_load %arg10[%parallel_loop3A_377, %parallel_loop3A_378] {strides = array<i32>} : memref<16x768xf32, #tpu.memory_space<vmem>>, vector<1x16xf32>,
        %parallel_loop3A_380 = vector.shape_cast %parallel_loop3A_379 : vector<1x16xf32> to vector<16xf32>
        %parallel_loop3A_381 = vector.shape_cast %parallel_loop3A_375 : vector<16xf32> to vector<1x16xf32>
        tpu.vector_store %arg10[%parallel_loop3A_377, %parallel_loop3A_378], %parallel_loop3A_381 {strides = array<i32>} : memref<16x768xf32, #tpu.memory_space<vmem>>, vector<1x16xf32>,
        %parallel_loop3A_382 = arith.constant 2 : i32
        %parallel_loop3A_383 = arith.index_cast %parallel_loop3A_382 : i32 to index
        %parallel_loop3A_384 = arith.index_cast %parallel_loop3A_335 : i32 to index
        %parallel_loop3A_385 = tpu.vector_load %arg8[%parallel_loop3A_383, %parallel_loop3A_384] {strides = array<i32>} : memref<16x768xf32, #tpu.memory_space<vmem>>, vector<1x16xf32>,
        %parallel_loop3A_386 = vector.shape_cast %parallel_loop3A_385 : vector<1x16xf32> to vector<16xf32>
        %parallel_loop3A_387 = arith.constant 2 : i32
        %parallel_loop3A_388 = arith.addi %mul3A_318, %parallel_loop3A_387 : i32
        %parallel_loop3A_389 = arith.index_cast %parallel_loop3A_388 : i32 to index
        %parallel_loop3A_390 = arith.index_cast %parallel_loop3A_335 : i32 to index
        %parallel_loop3A_391 = tpu.vector_load %arg11[%parallel_loop3A_389, %parallel_loop3A_390] {strides = array<i32>} : memref<64x768xf32, #tpu.memory_space<vmem>>, vector<1x16xf32>,
        %parallel_loop3A_392 = vector.shape_cast %parallel_loop3A_391 : vector<1x16xf32> to vector<16xf32>
        %parallel_loop3A_393 = arith.addf %parallel_loop3A_386, %parallel_loop3A_392 : vector<16xf32>
        %parallel_loop3A_394 = arith.index_cast %get3A_264 : i32 to index
        %parallel_loop3A_395 = arith.index_cast %parallel_loop3A_335 : i32 to index
        %parallel_loop3A_396 = tpu.vector_load %arg12[%parallel_loop3A_394, %parallel_loop3A_395] {strides = array<i32>} : memref<4x768xf32, #tpu.memory_space<vmem>>, vector<1x16xf32>,
        %parallel_loop3A_397 = vector.shape_cast %parallel_loop3A_396 : vector<1x16xf32> to vector<16xf32>
        %parallel_loop3A_398 = arith.addf %parallel_loop3A_393, %parallel_loop3A_397 : vector<16xf32>
        %parallel_loop3A_399 = arith.constant 2 : i32
        %parallel_loop3A_400 = arith.index_cast %parallel_loop3A_399 : i32 to index
        %parallel_loop3A_401 = arith.index_cast %parallel_loop3A_335 : i32 to index
        %parallel_loop3A_402 = tpu.vector_load %arg10[%parallel_loop3A_400, %parallel_loop3A_401] {strides = array<i32>} : memref<16x768xf32, #tpu.memory_space<vmem>>, vector<1x16xf32>,
        %parallel_loop3A_403 = vector.shape_cast %parallel_loop3A_402 : vector<1x16xf32> to vector<16xf32>
        %parallel_loop3A_404 = vector.shape_cast %parallel_loop3A_398 : vector<16xf32> to vector<1x16xf32>
        tpu.vector_store %arg10[%parallel_loop3A_400, %parallel_loop3A_401], %parallel_loop3A_404 {strides = array<i32>} : memref<16x768xf32, #tpu.memory_space<vmem>>, vector<1x16xf32>,
        %parallel_loop3A_405 = arith.constant 3 : i32
        %parallel_loop3A_406 = arith.index_cast %parallel_loop3A_405 : i32 to index
        %parallel_loop3A_407 = arith.index_cast %parallel_loop3A_335 : i32 to index
        %parallel_loop3A_408 = tpu.vector_load %arg8[%parallel_loop3A_406, %parallel_loop3A_407] {strides = array<i32>} : memref<16x768xf32, #tpu.memory_space<vmem>>, vector<1x16xf32>,
        %parallel_loop3A_409 = vector.shape_cast %parallel_loop3A_408 : vector<1x16xf32> to vector<16xf32>
        %parallel_loop3A_410 = arith.constant 3 : i32
        %parallel_loop3A_411 = arith.addi %mul3A_318, %parallel_loop3A_410 : i32
        %parallel_loop3A_412 = arith.index_cast %parallel_loop3A_411 : i32 to index
        %parallel_loop3A_413 = arith.index_cast %parallel_loop3A_335 : i32 to index
        %parallel_loop3A_414 = tpu.vector_load %arg11[%parallel_loop3A_412, %parallel_loop3A_413] {strides = array<i32>} : memref<64x768xf32, #tpu.memory_space<vmem>>, vector<1x16xf32>,
        %parallel_loop3A_415 = vector.shape_cast %parallel_loop3A_414 : vector<1x16xf32> to vector<16xf32>
        %parallel_loop3A_416 = arith.addf %parallel_loop3A_409, %parallel_loop3A_415 : vector<16xf32>
        %parallel_loop3A_417 = arith.index_cast %get3A_268 : i32 to index
        %parallel_loop3A_418 = arith.index_cast %parallel_loop3A_335 : i32 to index
        %parallel_loop3A_419 = tpu.vector_load %arg12[%parallel_loop3A_417, %parallel_loop3A_418] {strides = array<i32>} : memref<4x768xf32, #tpu.memory_space<vmem>>, vector<1x16xf32>,
        %parallel_loop3A_420 = vector.shape_cast %parallel_loop3A_419 : vector<1x16xf32> to vector<16xf32>
        %parallel_loop3A_421 = arith.addf %parallel_loop3A_416, %parallel_loop3A_420 : vector<16xf32>
        %parallel_loop3A_422 = arith.constant 3 : i32
        %parallel_loop3A_423 = arith.index_cast %parallel_loop3A_422 : i32 to index
        %parallel_loop3A_424 = arith.index_cast %parallel_loop3A_335 : i32 to index
        %parallel_loop3A_425 = tpu.vector_load %arg10[%parallel_loop3A_423, %parallel_loop3A_424] {strides = array<i32>} : memref<16x768xf32, #tpu.memory_space<vmem>>, vector<1x16xf32>,
        %parallel_loop3A_426 = vector.shape_cast %parallel_loop3A_425 : vector<1x16xf32> to vector<16xf32>
        %parallel_loop3A_427 = vector.shape_cast %parallel_loop3A_421 : vector<16xf32> to vector<1x16xf32>
        tpu.vector_store %arg10[%parallel_loop3A_423, %parallel_loop3A_424], %parallel_loop3A_427 {strides = array<i32>} : memref<16x768xf32, #tpu.memory_space<vmem>>, vector<1x16xf32>,
        %parallel_loop3A_428 = arith.constant 4 : i32
        %parallel_loop3A_429 = arith.index_cast %parallel_loop3A_428 : i32 to index
        %parallel_loop3A_430 = arith.index_cast %parallel_loop3A_335 : i32 to index
        %parallel_loop3A_431 = tpu.vector_load %arg8[%parallel_loop3A_429, %parallel_loop3A_430] {strides = array<i32>} : memref<16x768xf32, #tpu.memory_space<vmem>>, vector<1x16xf32>,
        %parallel_loop3A_432 = vector.shape_cast %parallel_loop3A_431 : vector<1x16xf32> to vector<16xf32>
        %parallel_loop3A_433 = arith.constant 4 : i32
        %parallel_loop3A_434 = arith.addi %mul3A_318, %parallel_loop3A_433 : i32
        %parallel_loop3A_435 = arith.index_cast %parallel_loop3A_434 : i32 to index
        %parallel_loop3A_436 = arith.index_cast %parallel_loop3A_335 : i32 to index
        %parallel_loop3A_437 = tpu.vector_load %arg11[%parallel_loop3A_435, %parallel_loop3A_436] {strides = array<i32>} : memref<64x768xf32, #tpu.memory_space<vmem>>, vector<1x16xf32>,
        %parallel_loop3A_438 = vector.shape_cast %parallel_loop3A_437 : vector<1x16xf32> to vector<16xf32>
        %parallel_loop3A_439 = arith.addf %parallel_loop3A_432, %parallel_loop3A_438 : vector<16xf32>
        %parallel_loop3A_440 = arith.index_cast %get3A_272 : i32 to index
        %parallel_loop3A_441 = arith.index_cast %parallel_loop3A_335 : i32 to index
        %parallel_loop3A_442 = tpu.vector_load %arg12[%parallel_loop3A_440, %parallel_loop3A_441] {strides = array<i32>} : memref<4x768xf32, #tpu.memory_space<vmem>>, vector<1x16xf32>,
        %parallel_loop3A_443 = vector.shape_cast %parallel_loop3A_442 : vector<1x16xf32> to vector<16xf32>
        %parallel_loop3A_444 = arith.addf %parallel_loop3A_439, %parallel_loop3A_443 : vector<16xf32>
        %parallel_loop3A_445 = arith.constant 4 : i32
        %parallel_loop3A_446 = arith.index_cast %parallel_loop3A_445 : i32 to index
        %parallel_loop3A_447 = arith.index_cast %parallel_loop3A_335 : i32 to index
        %parallel_loop3A_448 = tpu.vector_load %arg10[%parallel_loop3A_446, %parallel_loop3A_447] {strides = array<i32>} : memref<16x768xf32, #tpu.memory_space<vmem>>, vector<1x16xf32>,
        %parallel_loop3A_449 = vector.shape_cast %parallel_loop3A_448 : vector<1x16xf32> to vector<16xf32>
        %parallel_loop3A_450 = vector.shape_cast %parallel_loop3A_444 : vector<16xf32> to vector<1x16xf32>
        tpu.vector_store %arg10[%parallel_loop3A_446, %parallel_loop3A_447], %parallel_loop3A_450 {strides = array<i32>} : memref<16x768xf32, #tpu.memory_space<vmem>>, vector<1x16xf32>,
        %parallel_loop3A_451 = arith.constant 5 : i32
        %parallel_loop3A_452 = arith.index_cast %parallel_loop3A_451 : i32 to index
        %parallel_loop3A_453 = arith.index_cast %parallel_loop3A_335 : i32 to index
        %parallel_loop3A_454 = tpu.vector_load %arg8[%parallel_loop3A_452, %parallel_loop3A_453] {strides = array<i32>} : memref<16x768xf32, #tpu.memory_space<vmem>>, vector<1x16xf32>,
        %parallel_loop3A_455 = vector.shape_cast %parallel_loop3A_454 : vector<1x16xf32> to vector<16xf32>
        %parallel_loop3A_456 = arith.constant 5 : i32
        %parallel_loop3A_457 = arith.addi %mul3A_318, %parallel_loop3A_456 : i32
        %parallel_loop3A_458 = arith.index_cast %parallel_loop3A_457 : i32 to index
        %parallel_loop3A_459 = arith.index_cast %parallel_loop3A_335 : i32 to index
        %parallel_loop3A_460 = tpu.vector_load %arg11[%parallel_loop3A_458, %parallel_loop3A_459] {strides = array<i32>} : memref<64x768xf32, #tpu.memory_space<vmem>>, vector<1x16xf32>,
        %parallel_loop3A_461 = vector.shape_cast %parallel_loop3A_460 : vector<1x16xf32> to vector<16xf32>
        %parallel_loop3A_462 = arith.addf %parallel_loop3A_455, %parallel_loop3A_461 : vector<16xf32>
        %parallel_loop3A_463 = arith.index_cast %get3A_276 : i32 to index
        %parallel_loop3A_464 = arith.index_cast %parallel_loop3A_335 : i32 to index
        %parallel_loop3A_465 = tpu.vector_load %arg12[%parallel_loop3A_463, %parallel_loop3A_464] {strides = array<i32>} : memref<4x768xf32, #tpu.memory_space<vmem>>, vector<1x16xf32>,
        %parallel_loop3A_466 = vector.shape_cast %parallel_loop3A_465 : vector<1x16xf32> to vector<16xf32>
        %parallel_loop3A_467 = arith.addf %parallel_loop3A_462, %parallel_loop3A_466 : vector<16xf32>
        %parallel_loop3A_468 = arith.constant 5 : i32
        %parallel_loop3A_469 = arith.index_cast %parallel_loop3A_468 : i32 to index
        %parallel_loop3A_470 = arith.index_cast %parallel_loop3A_335 : i32 to index
        %parallel_loop3A_471 = tpu.vector_load %arg10[%parallel_loop3A_469, %parallel_loop3A_470] {strides = array<i32>} : memref<16x768xf32, #tpu.memory_space<vmem>>, vector<1x16xf32>,
        %parallel_loop3A_472 = vector.shape_cast %parallel_loop3A_471 : vector<1x16xf32> to vector<16xf32>
        %parallel_loop3A_473 = vector.shape_cast %parallel_loop3A_467 : vector<16xf32> to vector<1x16xf32>
        tpu.vector_store %arg10[%parallel_loop3A_469, %parallel_loop3A_470], %parallel_loop3A_473 {strides = array<i32>} : memref<16x768xf32, #tpu.memory_space<vmem>>, vector<1x16xf32>,
        %parallel_loop3A_474 = arith.constant 6 : i32
        %parallel_loop3A_475 = arith.index_cast %parallel_loop3A_474 : i32 to index
        %parallel_loop3A_476 = arith.index_cast %parallel_loop3A_335 : i32 to index
        %parallel_loop3A_477 = tpu.vector_load %arg8[%parallel_loop3A_475, %parallel_loop3A_476] {strides = array<i32>} : memref<16x768xf32, #tpu.memory_space<vmem>>, vector<1x16xf32>,
        %parallel_loop3A_478 = vector.shape_cast %parallel_loop3A_477 : vector<1x16xf32> to vector<16xf32>
        %parallel_loop3A_479 = arith.constant 6 : i32
        %parallel_loop3A_480 = arith.addi %mul3A_318, %parallel_loop3A_479 : i32
        %parallel_loop3A_481 = arith.index_cast %parallel_loop3A_480 : i32 to index
        %parallel_loop3A_482 = arith.index_cast %parallel_loop3A_335 : i32 to index
        %parallel_loop3A_483 = tpu.vector_load %arg11[%parallel_loop3A_481, %parallel_loop3A_482] {strides = array<i32>} : memref<64x768xf32, #tpu.memory_space<vmem>>, vector<1x16xf32>,
        %parallel_loop3A_484 = vector.shape_cast %parallel_loop3A_483 : vector<1x16xf32> to vector<16xf32>
        %parallel_loop3A_485 = arith.addf %parallel_loop3A_478, %parallel_loop3A_484 : vector<16xf32>
        %parallel_loop3A_486 = arith.index_cast %get3A_280 : i32 to index
        %parallel_loop3A_487 = arith.index_cast %parallel_loop3A_335 : i32 to index
        %parallel_loop3A_488 = tpu.vector_load %arg12[%parallel_loop3A_486, %parallel_loop3A_487] {strides = array<i32>} : memref<4x768xf32, #tpu.memory_space<vmem>>, vector<1x16xf32>,
        %parallel_loop3A_489 = vector.shape_cast %parallel_loop3A_488 : vector<1x16xf32> to vector<16xf32>
        %parallel_loop3A_490 = arith.addf %parallel_loop3A_485, %parallel_loop3A_489 : vector<16xf32>
        %parallel_loop3A_491 = arith.constant 6 : i32
        %parallel_loop3A_492 = arith.index_cast %parallel_loop3A_491 : i32 to index
        %parallel_loop3A_493 = arith.index_cast %parallel_loop3A_335 : i32 to index
        %parallel_loop3A_494 = tpu.vector_load %arg10[%parallel_loop3A_492, %parallel_loop3A_493] {strides = array<i32>} : memref<16x768xf32, #tpu.memory_space<vmem>>, vector<1x16xf32>,
        %parallel_loop3A_495 = vector.shape_cast %parallel_loop3A_494 : vector<1x16xf32> to vector<16xf32>
        %parallel_loop3A_496 = vector.shape_cast %parallel_loop3A_490 : vector<16xf32> to vector<1x16xf32>
        tpu.vector_store %arg10[%parallel_loop3A_492, %parallel_loop3A_493], %parallel_loop3A_496 {strides = array<i32>} : memref<16x768xf32, #tpu.memory_space<vmem>>, vector<1x16xf32>,
        %parallel_loop3A_497 = arith.constant 7 : i32
        %parallel_loop3A_498 = arith.index_cast %parallel_loop3A_497 : i32 to index
        %parallel_loop3A_499 = arith.index_cast %parallel_loop3A_335 : i32 to index
        %parallel_loop3A_500 = tpu.vector_load %arg8[%parallel_loop3A_498, %parallel_loop3A_499] {strides = array<i32>} : memref<16x768xf32, #tpu.memory_space<vmem>>, vector<1x16xf32>,
        %parallel_loop3A_501 = vector.shape_cast %parallel_loop3A_500 : vector<1x16xf32> to vector<16xf32>
        %parallel_loop3A_502 = arith.constant 7 : i32
        %parallel_loop3A_503 = arith.addi %mul3A_318, %parallel_loop3A_502 : i32
        %parallel_loop3A_504 = arith.index_cast %parallel_loop3A_503 : i32 to index
        %parallel_loop3A_505 = arith.index_cast %parallel_loop3A_335 : i32 to index
        %parallel_loop3A_506 = tpu.vector_load %arg11[%parallel_loop3A_504, %parallel_loop3A_505] {strides = array<i32>} : memref<64x768xf32, #tpu.memory_space<vmem>>, vector<1x16xf32>,
        %parallel_loop3A_507 = vector.shape_cast %parallel_loop3A_506 : vector<1x16xf32> to vector<16xf32>
        %parallel_loop3A_508 = arith.addf %parallel_loop3A_501, %parallel_loop3A_507 : vector<16xf32>
        %parallel_loop3A_509 = arith.index_cast %get3A_284 : i32 to index
        %parallel_loop3A_510 = arith.index_cast %parallel_loop3A_335 : i32 to index
        %parallel_loop3A_511 = tpu.vector_load %arg12[%parallel_loop3A_509, %parallel_loop3A_510] {strides = array<i32>} : memref<4x768xf32, #tpu.memory_space<vmem>>, vector<1x16xf32>,
        %parallel_loop3A_512 = vector.shape_cast %parallel_loop3A_511 : vector<1x16xf32> to vector<16xf32>
        %parallel_loop3A_513 = arith.addf %parallel_loop3A_508, %parallel_loop3A_512 : vector<16xf32>
        %parallel_loop3A_514 = arith.constant 7 : i32
        %parallel_loop3A_515 = arith.index_cast %parallel_loop3A_514 : i32 to index
        %parallel_loop3A_516 = arith.index_cast %parallel_loop3A_335 : i32 to index
        %parallel_loop3A_517 = tpu.vector_load %arg10[%parallel_loop3A_515, %parallel_loop3A_516] {strides = array<i32>} : memref<16x768xf32, #tpu.memory_space<vmem>>, vector<1x16xf32>,
        %parallel_loop3A_518 = vector.shape_cast %parallel_loop3A_517 : vector<1x16xf32> to vector<16xf32>
        %parallel_loop3A_519 = vector.shape_cast %parallel_loop3A_513 : vector<16xf32> to vector<1x16xf32>
        tpu.vector_store %arg10[%parallel_loop3A_515, %parallel_loop3A_516], %parallel_loop3A_519 {strides = array<i32>} : memref<16x768xf32, #tpu.memory_space<vmem>>, vector<1x16xf32>,
        %parallel_loop3A_520 = arith.constant 8 : i32
        %parallel_loop3A_521 = arith.index_cast %parallel_loop3A_520 : i32 to index
        %parallel_loop3A_522 = arith.index_cast %parallel_loop3A_335 : i32 to index
        %parallel_loop3A_523 = tpu.vector_load %arg8[%parallel_loop3A_521, %parallel_loop3A_522] {strides = array<i32>} : memref<16x768xf32, #tpu.memory_space<vmem>>, vector<1x16xf32>,
        %parallel_loop3A_524 = vector.shape_cast %parallel_loop3A_523 : vector<1x16xf32> to vector<16xf32>
        %parallel_loop3A_525 = arith.constant 8 : i32
        %parallel_loop3A_526 = arith.addi %mul3A_318, %parallel_loop3A_525 : i32
        %parallel_loop3A_527 = arith.index_cast %parallel_loop3A_526 : i32 to index
        %parallel_loop3A_528 = arith.index_cast %parallel_loop3A_335 : i32 to index
        %parallel_loop3A_529 = tpu.vector_load %arg11[%parallel_loop3A_527, %parallel_loop3A_528] {strides = array<i32>} : memref<64x768xf32, #tpu.memory_space<vmem>>, vector<1x16xf32>,
        %parallel_loop3A_530 = vector.shape_cast %parallel_loop3A_529 : vector<1x16xf32> to vector<16xf32>
        %parallel_loop3A_531 = arith.addf %parallel_loop3A_524, %parallel_loop3A_530 : vector<16xf32>
        %parallel_loop3A_532 = arith.index_cast %get3A_288 : i32 to index
        %parallel_loop3A_533 = arith.index_cast %parallel_loop3A_335 : i32 to index
        %parallel_loop3A_534 = tpu.vector_load %arg12[%parallel_loop3A_532, %parallel_loop3A_533] {strides = array<i32>} : memref<4x768xf32, #tpu.memory_space<vmem>>, vector<1x16xf32>,
        %parallel_loop3A_535 = vector.shape_cast %parallel_loop3A_534 : vector<1x16xf32> to vector<16xf32>
        %parallel_loop3A_536 = arith.addf %parallel_loop3A_531, %parallel_loop3A_535 : vector<16xf32>
        %parallel_loop3A_537 = arith.constant 8 : i32
        %parallel_loop3A_538 = arith.index_cast %parallel_loop3A_537 : i32 to index
        %parallel_loop3A_539 = arith.index_cast %parallel_loop3A_335 : i32 to index
        %parallel_loop3A_540 = tpu.vector_load %arg10[%parallel_loop3A_538, %parallel_loop3A_539] {strides = array<i32>} : memref<16x768xf32, #tpu.memory_space<vmem>>, vector<1x16xf32>,
        %parallel_loop3A_541 = vector.shape_cast %parallel_loop3A_540 : vector<1x16xf32> to vector<16xf32>
        %parallel_loop3A_542 = vector.shape_cast %parallel_loop3A_536 : vector<16xf32> to vector<1x16xf32>
        tpu.vector_store %arg10[%parallel_loop3A_538, %parallel_loop3A_539], %parallel_loop3A_542 {strides = array<i32>} : memref<16x768xf32, #tpu.memory_space<vmem>>, vector<1x16xf32>,
        %parallel_loop3A_543 = arith.constant 9 : i32
        %parallel_loop3A_544 = arith.index_cast %parallel_loop3A_543 : i32 to index
        %parallel_loop3A_545 = arith.index_cast %parallel_loop3A_335 : i32 to index
        %parallel_loop3A_546 = tpu.vector_load %arg8[%parallel_loop3A_544, %parallel_loop3A_545] {strides = array<i32>} : memref<16x768xf32, #tpu.memory_space<vmem>>, vector<1x16xf32>,
        %parallel_loop3A_547 = vector.shape_cast %parallel_loop3A_546 : vector<1x16xf32> to vector<16xf32>
        %parallel_loop3A_548 = arith.constant 9 : i32
        %parallel_loop3A_549 = arith.addi %mul3A_318, %parallel_loop3A_548 : i32
        %parallel_loop3A_550 = arith.index_cast %parallel_loop3A_549 : i32 to index
        %parallel_loop3A_551 = arith.index_cast %parallel_loop3A_335 : i32 to index
        %parallel_loop3A_552 = tpu.vector_load %arg11[%parallel_loop3A_550, %parallel_loop3A_551] {strides = array<i32>} : memref<64x768xf32, #tpu.memory_space<vmem>>, vector<1x16xf32>,
        %parallel_loop3A_553 = vector.shape_cast %parallel_loop3A_552 : vector<1x16xf32> to vector<16xf32>
        %parallel_loop3A_554 = arith.addf %parallel_loop3A_547, %parallel_loop3A_553 : vector<16xf32>
        %parallel_loop3A_555 = arith.index_cast %get3A_292 : i32 to index
        %parallel_loop3A_556 = arith.index_cast %parallel_loop3A_335 : i32 to index
        %parallel_loop3A_557 = tpu.vector_load %arg12[%parallel_loop3A_555, %parallel_loop3A_556] {strides = array<i32>} : memref<4x768xf32, #tpu.memory_space<vmem>>, vector<1x16xf32>,
        %parallel_loop3A_558 = vector.shape_cast %parallel_loop3A_557 : vector<1x16xf32> to vector<16xf32>
        %parallel_loop3A_559 = arith.addf %parallel_loop3A_554, %parallel_loop3A_558 : vector<16xf32>
        %parallel_loop3A_560 = arith.constant 9 : i32
        %parallel_loop3A_561 = arith.index_cast %parallel_loop3A_560 : i32 to index
        %parallel_loop3A_562 = arith.index_cast %parallel_loop3A_335 : i32 to index
        %parallel_loop3A_563 = tpu.vector_load %arg10[%parallel_loop3A_561, %parallel_loop3A_562] {strides = array<i32>} : memref<16x768xf32, #tpu.memory_space<vmem>>, vector<1x16xf32>,
        %parallel_loop3A_564 = vector.shape_cast %parallel_loop3A_563 : vector<1x16xf32> to vector<16xf32>
        %parallel_loop3A_565 = vector.shape_cast %parallel_loop3A_559 : vector<16xf32> to vector<1x16xf32>
        tpu.vector_store %arg10[%parallel_loop3A_561, %parallel_loop3A_562], %parallel_loop3A_565 {strides = array<i32>} : memref<16x768xf32, #tpu.memory_space<vmem>>, vector<1x16xf32>,
        %parallel_loop3A_566 = arith.constant 10 : i32
        %parallel_loop3A_567 = arith.index_cast %parallel_loop3A_566 : i32 to index
        %parallel_loop3A_568 = arith.index_cast %parallel_loop3A_335 : i32 to index
        %parallel_loop3A_569 = tpu.vector_load %arg8[%parallel_loop3A_567, %parallel_loop3A_568] {strides = array<i32>} : memref<16x768xf32, #tpu.memory_space<vmem>>, vector<1x16xf32>,
        %parallel_loop3A_570 = vector.shape_cast %parallel_loop3A_569 : vector<1x16xf32> to vector<16xf32>
        %parallel_loop3A_571 = arith.constant 10 : i32
        %parallel_loop3A_572 = arith.addi %mul3A_318, %parallel_loop3A_571 : i32
        %parallel_loop3A_573 = arith.index_cast %parallel_loop3A_572 : i32 to index
        %parallel_loop3A_574 = arith.index_cast %parallel_loop3A_335 : i32 to index
        %parallel_loop3A_575 = tpu.vector_load %arg11[%parallel_loop3A_573, %parallel_loop3A_574] {strides = array<i32>} : memref<64x768xf32, #tpu.memory_space<vmem>>, vector<1x16xf32>,
        %parallel_loop3A_576 = vector.shape_cast %parallel_loop3A_575 : vector<1x16xf32> to vector<16xf32>
        %parallel_loop3A_577 = arith.addf %parallel_loop3A_570, %parallel_loop3A_576 : vector<16xf32>
        %parallel_loop3A_578 = arith.index_cast %get3A_296 : i32 to index
        %parallel_loop3A_579 = arith.index_cast %parallel_loop3A_335 : i32 to index
        %parallel_loop3A_580 = tpu.vector_load %arg12[%parallel_loop3A_578, %parallel_loop3A_579] {strides = array<i32>} : memref<4x768xf32, #tpu.memory_space<vmem>>, vector<1x16xf32>,
        %parallel_loop3A_581 = vector.shape_cast %parallel_loop3A_580 : vector<1x16xf32> to vector<16xf32>
        %parallel_loop3A_582 = arith.addf %parallel_loop3A_577, %parallel_loop3A_581 : vector<16xf32>
        %parallel_loop3A_583 = arith.constant 10 : i32
        %parallel_loop3A_584 = arith.index_cast %parallel_loop3A_583 : i32 to index
        %parallel_loop3A_585 = arith.index_cast %parallel_loop3A_335 : i32 to index
        %parallel_loop3A_586 = tpu.vector_load %arg10[%parallel_loop3A_584, %parallel_loop3A_585] {strides = array<i32>} : memref<16x768xf32, #tpu.memory_space<vmem>>, vector<1x16xf32>,
        %parallel_loop3A_587 = vector.shape_cast %parallel_loop3A_586 : vector<1x16xf32> to vector<16xf32>
        %parallel_loop3A_588 = vector.shape_cast %parallel_loop3A_582 : vector<16xf32> to vector<1x16xf32>
        tpu.vector_store %arg10[%parallel_loop3A_584, %parallel_loop3A_585], %parallel_loop3A_588 {strides = array<i32>} : memref<16x768xf32, #tpu.memory_space<vmem>>, vector<1x16xf32>,
        %parallel_loop3A_589 = arith.constant 11 : i32
        %parallel_loop3A_590 = arith.index_cast %parallel_loop3A_589 : i32 to index
        %parallel_loop3A_591 = arith.index_cast %parallel_loop3A_335 : i32 to index
        %parallel_loop3A_592 = tpu.vector_load %arg8[%parallel_loop3A_590, %parallel_loop3A_591] {strides = array<i32>} : memref<16x768xf32, #tpu.memory_space<vmem>>, vector<1x16xf32>,
        %parallel_loop3A_593 = vector.shape_cast %parallel_loop3A_592 : vector<1x16xf32> to vector<16xf32>
        %parallel_loop3A_594 = arith.constant 11 : i32
        %parallel_loop3A_595 = arith.addi %mul3A_318, %parallel_loop3A_594 : i32
        %parallel_loop3A_596 = arith.index_cast %parallel_loop3A_595 : i32 to index
        %parallel_loop3A_597 = arith.index_cast %parallel_loop3A_335 : i32 to index
        %parallel_loop3A_598 = tpu.vector_load %arg11[%parallel_loop3A_596, %parallel_loop3A_597] {strides = array<i32>} : memref<64x768xf32, #tpu.memory_space<vmem>>, vector<1x16xf32>,
        %parallel_loop3A_599 = vector.shape_cast %parallel_loop3A_598 : vector<1x16xf32> to vector<16xf32>
        %parallel_loop3A_600 = arith.addf %parallel_loop3A_593, %parallel_loop3A_599 : vector<16xf32>
        %parallel_loop3A_601 = arith.index_cast %get3A_300 : i32 to index
        %parallel_loop3A_602 = arith.index_cast %parallel_loop3A_335 : i32 to index
        %parallel_loop3A_603 = tpu.vector_load %arg12[%parallel_loop3A_601, %parallel_loop3A_602] {strides = array<i32>} : memref<4x768xf32, #tpu.memory_space<vmem>>, vector<1x16xf32>,
        %parallel_loop3A_604 = vector.shape_cast %parallel_loop3A_603 : vector<1x16xf32> to vector<16xf32>
        %parallel_loop3A_605 = arith.addf %parallel_loop3A_600, %parallel_loop3A_604 : vector<16xf32>
        %parallel_loop3A_606 = arith.constant 11 : i32
        %parallel_loop3A_607 = arith.index_cast %parallel_loop3A_606 : i32 to index
        %parallel_loop3A_608 = arith.index_cast %parallel_loop3A_335 : i32 to index
        %parallel_loop3A_609 = tpu.vector_load %arg10[%parallel_loop3A_607, %parallel_loop3A_608] {strides = array<i32>} : memref<16x768xf32, #tpu.memory_space<vmem>>, vector<1x16xf32>,
        %parallel_loop3A_610 = vector.shape_cast %parallel_loop3A_609 : vector<1x16xf32> to vector<16xf32>
        %parallel_loop3A_611 = vector.shape_cast %parallel_loop3A_605 : vector<16xf32> to vector<1x16xf32>
        tpu.vector_store %arg10[%parallel_loop3A_607, %parallel_loop3A_608], %parallel_loop3A_611 {strides = array<i32>} : memref<16x768xf32, #tpu.memory_space<vmem>>, vector<1x16xf32>,
        %parallel_loop3A_612 = arith.constant 12 : i32
        %parallel_loop3A_613 = arith.index_cast %parallel_loop3A_612 : i32 to index
        %parallel_loop3A_614 = arith.index_cast %parallel_loop3A_335 : i32 to index
        %parallel_loop3A_615 = tpu.vector_load %arg8[%parallel_loop3A_613, %parallel_loop3A_614] {strides = array<i32>} : memref<16x768xf32, #tpu.memory_space<vmem>>, vector<1x16xf32>,
        %parallel_loop3A_616 = vector.shape_cast %parallel_loop3A_615 : vector<1x16xf32> to vector<16xf32>
        %parallel_loop3A_617 = arith.constant 12 : i32
        %parallel_loop3A_618 = arith.addi %mul3A_318, %parallel_loop3A_617 : i32
        %parallel_loop3A_619 = arith.index_cast %parallel_loop3A_618 : i32 to index
        %parallel_loop3A_620 = arith.index_cast %parallel_loop3A_335 : i32 to index
        %parallel_loop3A_621 = tpu.vector_load %arg11[%parallel_loop3A_619, %parallel_loop3A_620] {strides = array<i32>} : memref<64x768xf32, #tpu.memory_space<vmem>>, vector<1x16xf32>,
        %parallel_loop3A_622 = vector.shape_cast %parallel_loop3A_621 : vector<1x16xf32> to vector<16xf32>
        %parallel_loop3A_623 = arith.addf %parallel_loop3A_616, %parallel_loop3A_622 : vector<16xf32>
        %parallel_loop3A_624 = arith.index_cast %get3A_304 : i32 to index
        %parallel_loop3A_625 = arith.index_cast %parallel_loop3A_335 : i32 to index
        %parallel_loop3A_626 = tpu.vector_load %arg12[%parallel_loop3A_624, %parallel_loop3A_625] {strides = array<i32>} : memref<4x768xf32, #tpu.memory_space<vmem>>, vector<1x16xf32>,
        %parallel_loop3A_627 = vector.shape_cast %parallel_loop3A_626 : vector<1x16xf32> to vector<16xf32>
        %parallel_loop3A_628 = arith.addf %parallel_loop3A_623, %parallel_loop3A_627 : vector<16xf32>
        %parallel_loop3A_629 = arith.constant 12 : i32
        %parallel_loop3A_630 = arith.index_cast %parallel_loop3A_629 : i32 to index
        %parallel_loop3A_631 = arith.index_cast %parallel_loop3A_335 : i32 to index
        %parallel_loop3A_632 = tpu.vector_load %arg10[%parallel_loop3A_630, %parallel_loop3A_631] {strides = array<i32>} : memref<16x768xf32, #tpu.memory_space<vmem>>, vector<1x16xf32>,
        %parallel_loop3A_633 = vector.shape_cast %parallel_loop3A_632 : vector<1x16xf32> to vector<16xf32>
        %parallel_loop3A_634 = vector.shape_cast %parallel_loop3A_628 : vector<16xf32> to vector<1x16xf32>
        tpu.vector_store %arg10[%parallel_loop3A_630, %parallel_loop3A_631], %parallel_loop3A_634 {strides = array<i32>} : memref<16x768xf32, #tpu.memory_space<vmem>>, vector<1x16xf32>,
        %parallel_loop3A_635 = arith.constant 13 : i32
        %parallel_loop3A_636 = arith.index_cast %parallel_loop3A_635 : i32 to index
        %parallel_loop3A_637 = arith.index_cast %parallel_loop3A_335 : i32 to index
        %parallel_loop3A_638 = tpu.vector_load %arg8[%parallel_loop3A_636, %parallel_loop3A_637] {strides = array<i32>} : memref<16x768xf32, #tpu.memory_space<vmem>>, vector<1x16xf32>,
        %parallel_loop3A_639 = vector.shape_cast %parallel_loop3A_638 : vector<1x16xf32> to vector<16xf32>
        %parallel_loop3A_640 = arith.constant 13 : i32
        %parallel_loop3A_641 = arith.addi %mul3A_318, %parallel_loop3A_640 : i32
        %parallel_loop3A_642 = arith.index_cast %parallel_loop3A_641 : i32 to index
        %parallel_loop3A_643 = arith.index_cast %parallel_loop3A_335 : i32 to index
        %parallel_loop3A_644 = tpu.vector_load %arg11[%parallel_loop3A_642, %parallel_loop3A_643] {strides = array<i32>} : memref<64x768xf32, #tpu.memory_space<vmem>>, vector<1x16xf32>,
        %parallel_loop3A_645 = vector.shape_cast %parallel_loop3A_644 : vector<1x16xf32> to vector<16xf32>
        %parallel_loop3A_646 = arith.addf %parallel_loop3A_639, %parallel_loop3A_645 : vector<16xf32>
        %parallel_loop3A_647 = arith.index_cast %get3A_308 : i32 to index
        %parallel_loop3A_648 = arith.index_cast %parallel_loop3A_335 : i32 to index
        %parallel_loop3A_649 = tpu.vector_load %arg12[%parallel_loop3A_647, %parallel_loop3A_648] {strides = array<i32>} : memref<4x768xf32, #tpu.memory_space<vmem>>, vector<1x16xf32>,
        %parallel_loop3A_650 = vector.shape_cast %parallel_loop3A_649 : vector<1x16xf32> to vector<16xf32>
        %parallel_loop3A_651 = arith.addf %parallel_loop3A_646, %parallel_loop3A_650 : vector<16xf32>
        %parallel_loop3A_652 = arith.constant 13 : i32
        %parallel_loop3A_653 = arith.index_cast %parallel_loop3A_652 : i32 to index
        %parallel_loop3A_654 = arith.index_cast %parallel_loop3A_335 : i32 to index
        %parallel_loop3A_655 = tpu.vector_load %arg10[%parallel_loop3A_653, %parallel_loop3A_654] {strides = array<i32>} : memref<16x768xf32, #tpu.memory_space<vmem>>, vector<1x16xf32>,
        %parallel_loop3A_656 = vector.shape_cast %parallel_loop3A_655 : vector<1x16xf32> to vector<16xf32>
        %parallel_loop3A_657 = vector.shape_cast %parallel_loop3A_651 : vector<16xf32> to vector<1x16xf32>
        tpu.vector_store %arg10[%parallel_loop3A_653, %parallel_loop3A_654], %parallel_loop3A_657 {strides = array<i32>} : memref<16x768xf32, #tpu.memory_space<vmem>>, vector<1x16xf32>,
        %parallel_loop3A_658 = arith.constant 14 : i32
        %parallel_loop3A_659 = arith.index_cast %parallel_loop3A_658 : i32 to index
        %parallel_loop3A_660 = arith.index_cast %parallel_loop3A_335 : i32 to index
        %parallel_loop3A_661 = tpu.vector_load %arg8[%parallel_loop3A_659, %parallel_loop3A_660] {strides = array<i32>} : memref<16x768xf32, #tpu.memory_space<vmem>>, vector<1x16xf32>,
        %parallel_loop3A_662 = vector.shape_cast %parallel_loop3A_661 : vector<1x16xf32> to vector<16xf32>
        %parallel_loop3A_663 = arith.constant 14 : i32
        %parallel_loop3A_664 = arith.addi %mul3A_318, %parallel_loop3A_663 : i32
        %parallel_loop3A_665 = arith.index_cast %parallel_loop3A_664 : i32 to index
        %parallel_loop3A_666 = arith.index_cast %parallel_loop3A_335 : i32 to index
        %parallel_loop3A_667 = tpu.vector_load %arg11[%parallel_loop3A_665, %parallel_loop3A_666] {strides = array<i32>} : memref<64x768xf32, #tpu.memory_space<vmem>>, vector<1x16xf32>,
        %parallel_loop3A_668 = vector.shape_cast %parallel_loop3A_667 : vector<1x16xf32> to vector<16xf32>
        %parallel_loop3A_669 = arith.addf %parallel_loop3A_662, %parallel_loop3A_668 : vector<16xf32>
        %parallel_loop3A_670 = arith.index_cast %get3A_312 : i32 to index
        %parallel_loop3A_671 = arith.index_cast %parallel_loop3A_335 : i32 to index
        %parallel_loop3A_672 = tpu.vector_load %arg12[%parallel_loop3A_670, %parallel_loop3A_671] {strides = array<i32>} : memref<4x768xf32, #tpu.memory_space<vmem>>, vector<1x16xf32>,
        %parallel_loop3A_673 = vector.shape_cast %parallel_loop3A_672 : vector<1x16xf32> to vector<16xf32>
        %parallel_loop3A_674 = arith.addf %parallel_loop3A_669, %parallel_loop3A_673 : vector<16xf32>
        %parallel_loop3A_675 = arith.constant 14 : i32
        %parallel_loop3A_676 = arith.index_cast %parallel_loop3A_675 : i32 to index
        %parallel_loop3A_677 = arith.index_cast %parallel_loop3A_335 : i32 to index
        %parallel_loop3A_678 = tpu.vector_load %arg10[%parallel_loop3A_676, %parallel_loop3A_677] {strides = array<i32>} : memref<16x768xf32, #tpu.memory_space<vmem>>, vector<1x16xf32>,
        %parallel_loop3A_679 = vector.shape_cast %parallel_loop3A_678 : vector<1x16xf32> to vector<16xf32>
        %parallel_loop3A_680 = vector.shape_cast %parallel_loop3A_674 : vector<16xf32> to vector<1x16xf32>
        tpu.vector_store %arg10[%parallel_loop3A_676, %parallel_loop3A_677], %parallel_loop3A_680 {strides = array<i32>} : memref<16x768xf32, #tpu.memory_space<vmem>>, vector<1x16xf32>,
        %parallel_loop3A_681 = arith.constant 15 : i32
        %parallel_loop3A_682 = arith.index_cast %parallel_loop3A_681 : i32 to index
        %parallel_loop3A_683 = arith.index_cast %parallel_loop3A_335 : i32 to index
        %parallel_loop3A_684 = tpu.vector_load %arg8[%parallel_loop3A_682, %parallel_loop3A_683] {strides = array<i32>} : memref<16x768xf32, #tpu.memory_space<vmem>>, vector<1x16xf32>,
        %parallel_loop3A_685 = vector.shape_cast %parallel_loop3A_684 : vector<1x16xf32> to vector<16xf32>
        %parallel_loop3A_686 = arith.constant 15 : i32
        %parallel_loop3A_687 = arith.addi %mul3A_318, %parallel_loop3A_686 : i32
        %parallel_loop3A_688 = arith.index_cast %parallel_loop3A_687 : i32 to index
        %parallel_loop3A_689 = arith.index_cast %parallel_loop3A_335 : i32 to index
        %parallel_loop3A_690 = tpu.vector_load %arg11[%parallel_loop3A_688, %parallel_loop3A_689] {strides = array<i32>} : memref<64x768xf32, #tpu.memory_space<vmem>>, vector<1x16xf32>,
        %parallel_loop3A_691 = vector.shape_cast %parallel_loop3A_690 : vector<1x16xf32> to vector<16xf32>
        %parallel_loop3A_692 = arith.addf %parallel_loop3A_685, %parallel_loop3A_691 : vector<16xf32>
        %parallel_loop3A_693 = arith.index_cast %get3A_316 : i32 to index
        %parallel_loop3A_694 = arith.index_cast %parallel_loop3A_335 : i32 to index
        %parallel_loop3A_695 = tpu.vector_load %arg12[%parallel_loop3A_693, %parallel_loop3A_694] {strides = array<i32>} : memref<4x768xf32, #tpu.memory_space<vmem>>, vector<1x16xf32>,
        %parallel_loop3A_696 = vector.shape_cast %parallel_loop3A_695 : vector<1x16xf32> to vector<16xf32>
        %parallel_loop3A_697 = arith.addf %parallel_loop3A_692, %parallel_loop3A_696 : vector<16xf32>
        %parallel_loop3A_698 = arith.constant 15 : i32
        %parallel_loop3A_699 = arith.index_cast %parallel_loop3A_698 : i32 to index
        %parallel_loop3A_700 = arith.index_cast %parallel_loop3A_335 : i32 to index
        %parallel_loop3A_701 = tpu.vector_load %arg10[%parallel_loop3A_699, %parallel_loop3A_700] {strides = array<i32>} : memref<16x768xf32, #tpu.memory_space<vmem>>, vector<1x16xf32>,
        %parallel_loop3A_702 = vector.shape_cast %parallel_loop3A_701 : vector<1x16xf32> to vector<16xf32>
        %parallel_loop3A_703 = vector.shape_cast %parallel_loop3A_697 : vector<16xf32> to vector<1x16xf32>
        tpu.vector_store %arg10[%parallel_loop3A_699, %parallel_loop3A_700], %parallel_loop3A_703 {strides = array<i32>} : memref<16x768xf32, #tpu.memory_space<vmem>>, vector<1x16xf32>,
      } {sc.loop_unroll_factor = 4 : i64, sc.parallel_access}
      %dma_start3A_322 = arith.constant 0 : i32
      %dma_start3A_323 = tpu.memref_slice %arg6[%add3A_236, %dma_start3A_322] : memref<8192x768xf32, #tpu.memory_space<hbm>> -> memref<16x768xf32, #tpu.memory_space<hbm>>
      %dma_start3A_324 = arith.constant 0 : i32
      %dma_start3A_325 = tpu.memref_slice %arg6[%add3A_236, %dma_start3A_324] : memref<8192x768xf32, #tpu.memory_space<hbm>> -> memref<16x768xf32, #tpu.memory_space<hbm>>
      tpu.enqueue_dma source(%arg10 : memref<16x768xf32, #tpu.memory_space<vmem>>) target(%dma_start3A_325 : memref<16x768xf32, #tpu.memory_space<hbm>>) target_semaphore(%arg18 : memref<!tpu.dma_semaphore, #tpu.memory_space<semaphore_mem>>)
      %add3A_326 = arith.constant 2 : i32
      %add3A_327 = arith.addi %add3A_190, %add3A_326 : i32
      %lt3A_328 = arith.constant 16 : i32
      %lt3A_329 = arith.cmpi slt, %add3A_327, %lt3A_328 : i32
      %convert_element_type3A_330 = arith.extui %lt3A_329 : i1 to i32
      %cond3A_331 = arith.constant 0 : i32
      %cond3A_332 = arith.cmpi ne, %convert_element_type3A_330, %cond3A_331 : i32
      scf.if %cond3A_332 {
        %add3A_333 = arith.constant 2 : i32
        %add3A_334 = arith.addi %add3A_190, %add3A_333 : i32
        %jit3A_335 = arith.constant 4 : i32
        %div3A_336 = arith.divsi %add3A_334, %jit3A_335 : i32
        %sign3A_337 = arith.constant 0 : i32
        %sign3A_338 = arith.cmpi sgt, %add3A_334, %sign3A_337 : i32
        %sign3A_339 = arith.extui %sign3A_338 : i1 to i32
        %sign3A_340 = arith.constant 0 : i32
        %sign3A_341 = arith.cmpi slt, %add3A_334, %sign3A_340 : i32
        %sign3A_342 = arith.extui %sign3A_341 : i1 to i32
        %sign3A_343 = arith.subi %sign3A_339, %sign3A_342 : i32
        %sign3A_344 = arith.constant 0 : i32
        %sign3A_345 = arith.cmpi sgt, %jit3A_335, %sign3A_344 : i32
        %sign3A_346 = arith.extui %sign3A_345 : i1 to i32
        %sign3A_347 = arith.constant 0 : i32
        %sign3A_348 = arith.cmpi slt, %jit3A_335, %sign3A_347 : i32
        %sign3A_349 = arith.extui %sign3A_348 : i1 to i32
        %sign3A_350 = arith.subi %sign3A_346, %sign3A_349 : i32
        %ne3A_351 = arith.cmpi ne, %sign3A_343, %sign3A_350 : i32
        %rem3A_352 = arith.remsi %add3A_334, %jit3A_335 : i32
        %ne3A_353 = arith.constant 0 : i32
        %ne3A_354 = arith.cmpi ne, %rem3A_352, %ne3A_353 : i32
        %and3A_355 = arith.andi %ne3A_351, %ne3A_354 : i1
        %sub3A_356 = arith.constant 1 : i32
        %sub3A_357 = arith.subi %div3A_336, %sub3A_356 : i32
        %select_n3A_358 = arith.select %and3A_355, %sub3A_357, %div3A_336 : i32
        %jit3A_359 = arith.constant 4 : i32
        %eq3A_360 = arith.constant 0 : i32
        %eq3A_361 = arith.cmpi eq, %jit3A_359, %eq3A_360 : i32
        %jit3A_362 = arith.constant 1 : i32
        %select_n3A_363 = arith.select %eq3A_361, %jit3A_362, %jit3A_359 : i32
        %rem3A_364 = arith.remsi %add3A_334, %select_n3A_363 : i32
        %ne3A_365 = arith.constant 0 : i32
        %ne3A_366 = arith.cmpi ne, %rem3A_364, %ne3A_365 : i32
        %lt3A_367 = arith.constant 0 : i32
        %lt3A_368 = arith.cmpi slt, %rem3A_364, %lt3A_367 : i32
        %lt3A_369 = arith.constant 0 : i32
        %lt3A_370 = arith.cmpi slt, %select_n3A_363, %lt3A_369 : i32
        %ne3A_371 = arith.xori %lt3A_368, %lt3A_370 : i1
        %and3A_372 = arith.andi %ne3A_371, %ne3A_366 : i1
        %add3A_373 = arith.addi %rem3A_364, %select_n3A_363 : i32
        %select_n3A_374 = arith.select %and3A_372, %add3A_373, %rem3A_364 : i32
        %mul3A_375 = arith.constant 2048 : i32
        %mul3A_376 = arith.muli %select_n3A_358, %mul3A_375 : i32
        %add3A_377 = arith.addi %mul3A_376, %mul3A_2 : i32
        %mul3A_378 = arith.constant 16 : i32
        %mul3A_379 = arith.muli %select_n3A_374, %mul3A_378 : i32
        %add3A_380 = arith.addi %add3A_377, %mul3A_379 : i32
        %mul3A_381 = arith.constant 64 : i32
        %mul3A_382 = arith.muli %select_n3A_358, %mul3A_381 : i32
        %mul3A_383 = arith.constant 16 : i32
        %mul3A_384 = arith.muli %select_n3A_374, %mul3A_383 : i32
        %add3A_385 = arith.addi %mul3A_382, %mul3A_384 : i32
        %dma_start3A_386 = arith.constant 0 : i32
        %dma_start3A_387 = tpu.memref_slice %arg2[%add3A_380, %dma_start3A_386] : memref<8192x768xf32, #tpu.memory_space<hbm>> -> memref<16x768xf32, #tpu.memory_space<hbm>>
        %dma_start3A_388 = arith.constant 0 : i32
        %dma_start3A_389 = tpu.memref_slice %arg2[%add3A_380, %dma_start3A_388] : memref<8192x768xf32, #tpu.memory_space<hbm>> -> memref<16x768xf32, #tpu.memory_space<hbm>>
        tpu.enqueue_dma source(%dma_start3A_389 : memref<16x768xf32, #tpu.memory_space<hbm>>) target(%arg8 : memref<16x768xf32, #tpu.memory_space<vmem>>) target_semaphore(%arg16 : memref<!tpu.dma_semaphore, #tpu.memory_space<semaphore_mem>>)
      } else {
      }
    }
    %scan3A_39 = arith.constant 8 : i32
    %dma_wait3A_40 = arith.constant 0 : i32
    %dma_wait3A_41 = arith.constant 0 : i32
    %dma_wait3A_42 = tpu.memref_slice %arg6[%dma_wait3A_40, %dma_wait3A_41] : memref<8192x768xf32, #tpu.memory_space<hbm>> -> memref<16x768xf32, #tpu.memory_space<hbm>>
    %dma_wait3A_43 = arith.constant 0 : i32
    %dma_wait3A_44 = arith.constant 0 : i32
    %dma_wait3A_45 = tpu.memref_slice %arg6[%dma_wait3A_43, %dma_wait3A_44] : memref<8192x768xf32, #tpu.memory_space<hbm>> -> memref<16x768xf32, #tpu.memory_space<hbm>>
    tpu.wait_dma2 semaphore(%arg17 : memref<!tpu.dma_semaphore, #tpu.memory_space<semaphore_mem>>) src(%arg9 : memref<16x768xf32, #tpu.memory_space<vmem>>) dst(%dma_wait3A_45 : memref<16x768xf32, #tpu.memory_space<hbm>>)
    %dma_wait3A_46 = arith.constant 0 : i32
    %dma_wait3A_47 = arith.constant 0 : i32
    %dma_wait3A_48 = tpu.memref_slice %arg6[%dma_wait3A_46, %dma_wait3A_47] : memref<8192x768xf32, #tpu.memory_space<hbm>> -> memref<16x768xf32, #tpu.memory_space<hbm>>
    %dma_wait3A_49 = arith.constant 0 : i32
    %dma_wait3A_50 = arith.constant 0 : i32
    %dma_wait3A_51 = tpu.memref_slice %arg6[%dma_wait3A_49, %dma_wait3A_50] : memref<8192x768xf32, #tpu.memory_space<hbm>> -> memref<16x768xf32, #tpu.memory_space<hbm>>
    tpu.wait_dma2 semaphore(%arg18 : memref<!tpu.dma_semaphore, #tpu.memory_space<semaphore_mem>>) src(%arg10 : memref<16x768xf32, #tpu.memory_space<vmem>>) dst(%dma_wait3A_51 : memref<16x768xf32, #tpu.memory_space<hbm>>)
    return
  }
}

</mosaic_0001>

<sc_bundles>
// kernel: kernel.3.cloned.1.call-start
scs
__scs_entry_jumppad:
0x0: {  	(pc) =	sbr.rel $0x88, $3  }
0x1: {  	(tag) =	ssettag $0x0;
	lr =	simm.s32 $0x1  }
0x2: {  	[smem:$0x3F9D] =	sst lr;
	_ =	strace $0xD0000000  }
0x3: {  	_ = 	snop  }
0x4: {  	_ = 	snop  }
0x5: {  	_ = 	snop  }
0x6: {  	_ = 	snop  }
0x7: {  	_ = 	snop  }
__scs_overlays_trampoline_lowered:
0x8: {  	[smem:$0x3FAC] =	sst s0  }
0x9: {  	[smem:$0x3FAD] =	sst s1  }
0xa: {  	[smem:$0x3FAE] =	sst s2  }
0xb: {  	[smem:$0x3FAF] =	sst s3  }
0xc: {  	[smem:$0x3FB0] =	sst s4  }
0xd: {  	[smem:$0x3FB1] =	sst s5  }
0xe: {  	[smem:$0x3FB2] =	sst s6  }
0xf: {  	[smem:$0x3FB3] =	sst s7  }
0x10: {  	[smem:$0x3FB4] =	sst s8  }
0x11: {  	[smem:$0x3FB5] =	sst s9;
	s0 =	simm.s32 @!p0 $0x0  }
0x12: {  	s1 =	sld [smem:$0x3F9B];
	s0 =	simm.s32 @p0 $0x1  }
0x13: {  	[smem:$0x3FB6] =	sst s0;
	s0 =	simm.s32 @!p1 $0x0  }
0x14: {  	s2 =	sld [smem:$0x3F9A];
	s0 =	simm.s32 @p1 $0x1  }
0x15: {  	[smem:$0x3FB7] =	sst s0;
	s0 =	simm.s32 @!p2 $0x0  }
0x16: {  	s3 =	sld [smem:$0x3FDB];
	s0 =	simm.s32 @p2 $0x1  }
0x17: {  	s4 =	simm.s32 $0x1BF5;
	[smem:$0x3FB9] =	sst s0  }
0x18: {  	s0 =	sld [smem:$0x3F9C];
	_ =	swait.ge [sflag:s4], $0x0  }
0x19: {  	s7 =	sld [smem:$0x3F9D]  }
0x1a: {  	s8 =	sadd.s32 $0xFFFFE003, lr  }
0x1b: {  	s9 =	sadd.s32 $0xFFFFFEF7, lr;
	s5 =	simm.s32 $0xFFFFFFFF;
	p2 =	slt.u32 s8, $0xFFFFF086  }
0x1c: {  	p1 =	slt.u32 s9, $0xF7A;
	s5 =	simm.s32 @!p2 $0x0  }
0x1d: {  	s5 =	simm.s32 @p1 $0x1;
	p0 =	seq.s32 s7, s2  }
0x1e: {  	s7 =	smul.u32 @!p0 $0xF7A, s2;
	p2 =	seq.s32 @!p0 s5, $0x0  }
0x1f: {  	s9 =	smul.u32 $0xF7A, s1;
	s8 =	simm.s32 @!p0 $0x1BF5;
	p2 =	por !p2, p0  }
0x20: {  	[sflag:s8] =	ssyncset.s32 @!p0 $0xFFFFF086;
	s6 =	sadd.s32 @!p0 s3, s7;
	s7 =	simm.s32 @!p0 $0x108  }
0x21: {  	s3 =	sadd.s32 s3, s9;
	s6 =	sadd.s32 @!p0 $0x88, s6;
	s7 =	simm.s32 @p2 $0x1082  }
0x22: {  	[simem:s7], [sflag:s8] =	dma.local @!p0 [hbm:s6], $0xF7A  }
0x23: {  	s9 =	sor.u32 $0xD0000000, s2;
	s6 =	simm.s32 $0x108;
	_ =	swait.ge @!p0 [sflag:s8], $0x0  }
0x24: {  	s3 =	sadd.s32 $0x88, s3;
	s6 =	simm.s32 @!p1 $0x1082;
	[sflag:s4] =	ssyncset.s32 $0xFFFFF086  }
0x25: {  	[simem:s6], [sflag:s4] =	dma.local [hbm:s3], $0xF7A  }
0x26: {  	[smem:$0x3F9D] =	sst s1;
	(tag) =	ssettag s2;
	_ =	strace s9  }
0x27: {  	s1 =	sld [smem:$0x3FAD]  }
0x28: {  	s2 =	sld [smem:$0x3FAE]  }
0x29: {  	s4 =	sld [smem:$0x3FB0]  }
0x2a: {  	p0 =	seq.s32 s5, $0x0;
	s5 =	sld [smem:$0x3FB1]  }
0x2b: {  	s6 =	sld [smem:$0x3FB2]  }
0x2c: {  	s7 =	sld [smem:$0x3FB3]  }
0x2d: {  	s3 =	simm.s32 $0x108;
	s8 =	sld [smem:$0x3FB4]  }
0x2e: {  	s3 =	simm.s32 @!p0 $0x1082;
	s9 =	sld [smem:$0x3FB5]  }
0x2f: {  	lr =	sadd.s32 s0, s3;
	s0 =	sld [smem:$0x3FAC]  }
0x30: {  	s3 =	sld [smem:$0x3FAF]  }
0x31: {  	[smem:$0x3FB8] =	sst s10  }
0x32: {  	s10 =	sld [smem:$0x3FB6];
	_ =	sdelay $0x3  }
0x33: {  	p0 =	seq.s32 s10, $0x1;
	s10 =	sld [smem:$0x3FB8];
	_ =	sdelay $0x3  }
0x34: {  	[smem:$0x3FB8] =	sst s10  }
0x35: {  	s10 =	sld [smem:$0x3FB7];
	_ =	sdelay $0x3  }
0x36: {  	p1 =	seq.s32 s10, $0x1;
	s10 =	sld [smem:$0x3FB8];
	_ =	sdelay $0x3  }
0x37: {  	[smem:$0x3FB8] =	sst s10  }
0x38: {  	s10 =	sld [smem:$0x3FB9]  }
0x39: {  	_ = 	snop;
	(pc) =	sbr.ind lr, $3  }
0x3a: {  	_ = 	snop  }
0x3b: {  	_ = 	snop  }
0x3c: {  	p2 =	seq.s32 s10, $0x1;
	s10 =	sld [smem:$0x3FB8]  }
0x3d: {  	_ =	shalt  }
0x3e: {  	_ =	shalt  }
0x3f: {  	_ =	shalt  }
0x40: {  	_ =	shalt  }
0x41: {  	_ =	shalt  }
0x42: {  	_ =	shalt  }
0x43: {  	_ =	shalt  }
0x44: {  	_ =	shalt  }
0x45: {  	_ =	shalt  }
0x46: {  	_ =	shalt  }
0x47: {  	_ =	shalt  }
0x48: {  	_ =	shalt  }
0x49: {  	_ =	shalt  }
0x4a: {  	_ =	shalt  }
0x4b: {  	_ =	shalt  }
0x4c: {  	_ =	shalt  }
0x4d: {  	_ =	shalt  }
0x4e: {  	_ =	shalt  }
0x4f: {  	_ =	shalt  }
0x50: {  	_ =	shalt  }
0x51: {  	_ =	shalt  }
0x52: {  	_ =	shalt  }
0x53: {  	_ =	shalt  }
0x54: {  	_ =	shalt  }
0x55: {  	_ =	shalt  }
0x56: {  	_ =	shalt  }
0x57: {  	_ =	shalt  }
0x58: {  	_ =	shalt  }
0x59: {  	_ =	shalt  }
0x5a: {  	_ =	shalt  }
0x5b: {  	_ =	shalt  }
0x5c: {  	_ =	shalt  }
0x5d: {  	_ =	shalt  }
0x5e: {  	_ =	shalt  }
0x5f: {  	_ =	shalt  }
0x60: {  	_ =	shalt  }
0x61: {  	_ =	shalt  }
0x62: {  	_ =	shalt  }
0x63: {  	_ =	shalt  }
0x64: {  	_ =	shalt  }
0x65: {  	_ =	shalt  }
0x66: {  	_ =	shalt  }
0x67: {  	_ =	shalt  }
0x68: {  	_ =	shalt  }
0x69: {  	_ =	shalt  }
0x6a: {  	_ =	shalt  }
0x6b: {  	_ =	shalt  }
0x6c: {  	_ =	shalt  }
0x6d: {  	_ =	shalt  }
0x6e: {  	_ =	shalt  }
0x6f: {  	_ =	shalt  }
0x70: {  	_ =	shalt  }
0x71: {  	_ =	shalt  }
0x72: {  	_ =	shalt  }
0x73: {  	_ =	shalt  }
0x74: {  	_ =	shalt  }
0x75: {  	_ =	shalt  }
0x76: {  	_ =	shalt  }
0x77: {  	_ =	shalt  }
0x78: {  	_ =	shalt  }
0x79: {  	_ =	shalt  }
0x7a: {  	_ =	shalt  }
0x7b: {  	_ =	shalt  }
0x7c: {  	_ =	shalt  }
0x7d: {  	_ =	shalt  }
0x7e: {  	_ =	shalt  }
0x7f: {  	_ =	shalt  }
0x80: {  	_ =	shalt  }
0x81: {  	_ =	shalt  }
0x82: {  	_ =	shalt  }
0x83: {  	_ =	shalt  }
0x84: {  	_ =	shalt  }
0x85: {  	_ =	shalt  }
0x86: {  	_ =	shalt  }
0x87: {  	_ =	shalt  }
.Lfunc_end0:
.L_simem_size_0:
called_computation_lowered:
.L_overlay_start_0:
0x88: {  	s2 =	sld [smem:$0x3FD9]  }
0x89: {  	s3 =	sld [smem:$0x3FFE];
	_ =	sdelay $0x1  }
0x8a: {  	s1 =	srdreg.scid  }
0x8b: {  	s0 =	sand.u32 $0x1, s1  }
0x8c: {  	s17 =	sshll.u32 s0, $0xA;
	s2 =	sadd.s32 s3, s2  }
0x8d: {  	s2 =	sadd.s32 s2, s17  }
0x8e: {  	[smem:$0x3FC4] =	sst s2  }
0x8f: {  	_ = 	snop  }
0x90: {  	s2 =	sld [smem:$0x3FC9]  }
0x91: {  	s18 =	sld [smem:$0x3FC7]  }
0x92: {  	s4 =	sld [smem:$0x3FC6]  }
0x93: {  	s5 =	sld [smem:$0x3FD0];
	(tm) =	ssettm $0x1  }
0x94: {  	s6 =	sld [smem:$0x3FFB];
	_ =	sdelay $0x3  }
0x95: {  	_ =	strace s6  }
0x96: {  	s6 =	sld [smem:$0x3FFC];
	_ =	sdelay $0x3  }
0x97: {  	_ =	strace s6  }
0x98: {  	s6 =	sld [smem:$0x3FFD];
	_ =	sdelay $0x3  }
0x99: {  	_ =	strace s6  }
0x9a: {  	_ =	strace $0x8FFFFFFF  }
0x9b: {  	s19 =	sld [smem:$0x3FDB];
	_ =	sdelay $0x1  }
0x9c: {  	s7 =	simm.s32 $_scs_section_size  }
0x9d: {  	s8 =	simm.s32 $_size__tile_overlayer_lowered;
	s9 =	simm.s32 $_tile_overlayer_lowered  }
0x9e: {  	s22 =	simm.s32 $0x1BFF;
	s21 =	sshll.u32 s9, $0x1;
	s6 =	sadd.s32 s7, s19  }
0x9f: {  	s10 =	simm.s32 $0x0;
	s20 =	sshll.u32 s8, $0x1;
	s8 =	sadd.s32 s21, s6  }
0xa0: {  	[timem:s10], [sflag:s22] =	dma.local [hbm:s8], s20  }
0xa1: {  	_ =	swait.ge [sflag:s22], s20  }
0xa2: {  	s7 =	ssub.s32 $0x0, s20;
	[sflag:s22] =	ssyncset.done $0x0  }
0xa3: {  	[sflag:s22] =	ssyncadd.s32 s7;
	_ =	sdelay $0x1  }
0xa4: {  	s23 =	simm.s32 $0x1B8B  }
0xa5: {  	_ =	swait.ge [sflag:s23], $0x1  }
0xa6: {  	[sflag:s23] =	ssyncset.done $0x0  }
0xa7: {  	s25 =	simm.s32 $0x1B8E;
	s24 =	sld [smem:$0x3FFE];
	[sflag:s23] =	ssyncadd.s32 $0xFFFFFFFF  }
0xa8: {  	s26 =	simm.s32 $execute0_lowered;
	[smem:$0x3FD2] =	sst s25  }
0xa9: {  	s8 =	sshll.u32 s26, $0x1;
	_ =	strace $0x80000046;
	[dreg:$0x1] =	wrdreg $0xFFFFFFFF  }
0xaa: {  	s28 =	simm.s32 $_size_execute0_lowered;
	s6 =	sadd.s32 s6, s8;
	[dreg:$0x0] =	wrdreg $0x0  }
0xab: {  	s8 =	sshll.u32 s28, $0x1;
	[dreg:$0x2] =	wrdreg s6  }
0xac: {  	[dreg:$0x3] =	wrdreg s8  }
0xad: {  	[dreg:$0x4] =	wrdreg $0xC0  }
0xae: {  	_ =	task [dreg:s10], $0x5FFFF  }
0xaf: {  	[dreg:$0x1] =	wrdreg $0xFFFFFFFF  }
0xb0: {  	[dreg:$0x0] =	wrdreg $0x60  }
0xb1: {  	[dreg:$0x2] =	wrdreg s2  }
0xb2: {  	[dreg:$0x3] =	wrdreg s24  }
0xb3: {  	[dreg:$0x4] =	wrdreg s18  }
0xb4: {  	[dreg:$0x5] =	wrdreg s4  }
0xb5: {  	[dreg:$0x6] =	wrdreg s5  }
0xb6: {  	[dreg:$0x7] =	wrdreg $0x18C000  }
0xb7: {  	[dreg:$0x8] =	wrdreg $0x9  }
0xb8: {  	_ =	task.clear_ibuf [dreg:s10], $0x9FFFF;
	_ =	strace $0x90000046  }
0xb9: {  	s29 =	simm.s32 $0x9;
	_ =	strace $0x80000048  }
0xba: {  	_ =	swait.ge [sflag:s29], $0x1  }
0xbb: {  	[sflag:s29] =	ssyncadd.s32 $0xFFFFFFFF  }
0xbc: {  	_ =	strace $0x90000048  }
0xbd: {  	_ =	sfence  }
0xbe: {  	s30 =	sld [smem:$0x0];
	_ =	sdelay $0x2  }
0xbf: {  	s31 =	sshll.u32 s1, $0xD;
	s1 =	sshrl.u32 s1, $0x2  }
0xc0: {  	s3 =	sand.u32 $0x4000, s31;
	s1 =	sadd.s32 s1, s30  }
0xc1: {  	s0 =	sor.u32 s3, s0;
	s1 =	sshll.u32 s1, $0x11  }
0xc2: {  	s0 =	sor.u32 s1, s0  }
0xc3: {  	s0 =	sadd.s32 $0x8F2B, s0  }
0xc4: {  	[sflag:s0] =	ssyncadd.remote.s32 $0x1  }
0xc5: {  	_ =	sfence.sel $0xFFFF  }
0xc6: {  	[dreg:$0x0] =	wrdreg $0xFFFFFFFF;
	(pc) =	sbr.abs _section_cstart, $3  }
0xc7: {  	[dreg:$0x1] =	wrdreg $0xFFFFFFFF  }
0xc8: {  	_ =	task.clear_ibuf [dreg:s10], $0x2FFFF;
	_ =	strace $0x9FFFFFFF  }
0xc9: {  	(tm) =	ssettm $0x7FFFFFFF  }
tec
execute0_lowered:
.L_overlay_start_1:
0x0: {  	(tag) =	ssettag $0x1  }
0x1: {  	s7 =	rddreg [dreg:$0x0]  }
0x2: {  	s0 =	rddreg [dreg:$0x1]  }
0x3: {  	s1 =	rddreg [dreg:$0x2];
	s2 =	srdreg.scid  }
0x4: {  	s3 =	stileid.u32;
	s4 =	rddreg [dreg:$0x5];
	s8 =	simm.s32 $0x0  }
0x5: {  	s2 =	sand.u32 $0x1, s2;
	s5 =	sshll.u32 s3, $0x7;
	[smem:$0x7FF] =	sst s8  }
0x6: {  	s0 =	sadd.s32 $0x400, s0;
	p0 =	sne.s32 s3, $0x0;
	s6 =	sshll.u32 s2, $0x6  }
0x7: {  	_ =	strace $0x80000047;
	[smem:$0x7F3] =	sst s0;
	s9 =	sor.u32 s6, s5  }
0x8: {  	s2 =	ssub.s32 $0x2, s2;
	s28 =	sadd.s32 s9, s4;
	[smem:$0x7FD] =	sst s9  }
0x9: {  	s25 =	sshrl.u32 s2, $0x1;
	s29 =	sadd.s32 $0x800, s28;
	[smem:$0x7F7] =	sst s28  }
0xa: {  	s5 =	sshrl.u32 s9, $0x3;
	s31 =	sadd.s32 $0x1000, s28;
	[smem:$0x7F5] =	sst s29  }
0xb: {  	s26 =	ssub.s32 s2, s25;
	s2 =	sadd.s32 $0x1800, s28;
	[smem:$0x7F6] =	sst s31  }
0xc: {  	s5 =	smul.u32 $0x300, s5;
	s0 =	smax.u32 s26, $0x1;
	[smem:$0x7F8] =	sst s2  }
.Ltmp0:
0xd: {  	[smem:$0x7FB] =	sst s0;
	s0 =	sshrl.u32 @!p0 s4, $0x3;
	(pc) =	sbr.rel .LBB2_1-.Ltmp0, $4  }
0xe: {  	s1 =	sadd.s32 s1, s5;
	[smem:$0x7FC] =	sst s0  }
0xf: {  	s30 =	sadd.s32 s7, s5;
	[smem:$0x7F4] =	sst s1  }
0x10: {  	[smem:$0x7F9] =	sst s30;
	s1 =	sadd.s32 $0x600, s30  }
0x11: {  	s2 =	simm.s32 $0x0;
	[smem:$0x7FA] =	sst s1  }
.LBB2_8:
0x12: {  	s0 =	simm.s32 $0x3  }
0x13: {  	_ =	swait.ge [sflag:s0], $0x3000  }
0x14: {  	[sflag:s0] =	ssyncset.done $0x0  }
0x15: {  	s1 =	simm.s32 $0x4;
	[sflag:s0] =	ssyncadd.s32 $0xFFFFD000  }
0x16: {  	_ =	swait.ge [sflag:s1], $0x3000  }
0x17: {  	s2 =	sld [smem:$0x7F2]  }
0x18: {  	s31 =	sld [smem:$0x7FB];
	_ =	sdelay $0x1  }
0x19: {  	s2 =	sadd.s32 $0x1, s2  }
0x1a: {  	p1 =	sne.s32 s2, s31  }
.Ltmp1:
0x1b: {  	_ = 	snop;
	(pc) =	sbr.rel @!p1 .LBB2_9-.Ltmp1, $3  }
0x1c: {  	_ =	sdelay $0x1  }
0x1d: {  	[sflag:s1] =	ssyncset.done $0x0  }
0x1e: {  	[sflag:s1] =	ssyncadd.s32 $0xFFFFD000  }
.LBB2_1:
0x1f: {  	s0 =	sld [smem:$0x7F4];
	_ =	sdelay $0x1  }
0x20: {  	[smem:$0x7F2] =	sst s2;
	s1 =	simm.s32 $0xC000  }
0x21: {  	[tilespmem:s1], [sflag:$0x5] =	stream.linear.gather [hbm4b:s0+s8], $0xC000, $0x38;
	[tilespmem:$0x18E00] =	vst v63  }
0x22: {  	s17 =	rddreg [dreg:$0x3];
	s18 =	simm.s32 $0x18000;
	s19 =	simm.s32 $0x6  }
0x23: {  	[tilespmem:s18], [sflag:$0x6] =	stream.linear.gather [hbm4b:s17+s8], $0xC00, $0x38;
	[tilespmem:$0x18E00] =	vst v63  }
0x24: {  	_ =	swait.ge [sflag:s19], $0xC00  }
0x25: {  	s1 =	sld [smem:$0x7F3]  }
0x26: {  	s3 =	sld [smem:$0x7FC]  }
0x27: {  	[sflag:s19] =	ssyncset.done $0x0  }
0x28: {  	s0 =	simm.s32 @!p0 $0x1C06;
	[sflag:s19] =	ssyncadd.s32 $0xFFFFF400  }
0x29: {  	[spmem:s3], [sflag:s0] =	dma.local @!p0 [hbm:s1], $0x400  }
0x2a: {  	s0 =	simm.s32 @!p0 $0x6  }
0x2b: {  	_ =	swait.ge @!p0 [sflag:s0], $0x400  }
0x2c: {  	[sflag:s0] =	ssyncset.done @!p0 $0x0  }
0x2d: {  	[sflag:s0] =	ssyncadd.s32 @!p0 $0xFFFFFC00  }
0x2e: {  	[bflag:$0x0] =	sbarrier.arrive $0xFFFF  }
0x2f: {  	s20 =	sld [smem:$0x7F7];
	_ =	sdelay $0x2  }
0x30: {  	[smem:s8], [sflag:$0x6] =	stream.linear.gather [spmem:s20], $0x40, $0x38;
	[tilespmem:$0x18E00] =	vst v63  }
0x31: {  	_ =	swait.ge [sflag:s19], $0x40  }
0x32: {  	s21 =	sld [smem:$0x7F5]  }
0x33: {  	[sflag:s19] =	ssyncset.done $0x0  }
0x34: {  	s22 =	simm.s32 $0x40;
	[sflag:s19] =	ssyncadd.s32 $0xFFFFFFC0  }
0x35: {  	[smem:s22], [sflag:$0x6] =	stream.linear.gather [spmem:s21], $0x40, $0x38;
	[tilespmem:$0x18E00] =	vst v63  }
0x36: {  	_ =	swait.ge [sflag:s19], $0x40  }
0x37: {  	s23 =	sld [smem:$0x7F6]  }
0x38: {  	[sflag:s19] =	ssyncset.done $0x0  }
0x39: {  	s24 =	simm.s32 $0x80;
	[sflag:s19] =	ssyncadd.s32 $0xFFFFFFC0  }
0x3a: {  	[smem:s24], [sflag:$0x6] =	stream.linear.gather [spmem:s23], $0x40, $0x38;
	[tilespmem:$0x18E00] =	vst v63  }
0x3b: {  	_ =	swait.ge [sflag:s19], $0x40  }
0x3c: {  	s25 =	sld [smem:$0x7F8]  }
0x3d: {  	[sflag:s19] =	ssyncset.done $0x0  }
0x3e: {  	s26 =	simm.s32 $0xC0;
	[sflag:s19] =	ssyncadd.s32 $0xFFFFFFC0  }
0x3f: {  	[smem:s26], [sflag:$0x6] =	stream.linear.gather [spmem:s25], $0x40, $0x38;
	[tilespmem:$0x18E00] =	vst v63  }
0x40: {  	_ =	swait.ge [sflag:s19], $0x40  }
0x41: {  	[sflag:s19] =	ssyncset.done $0x0  }
0x42: {  	s28 =	simm.s32 $0x5;
	[sflag:s19] =	ssyncadd.s32 $0xFFFFFFC0  }
0x43: {  	_ =	swait.ge [sflag:s28], $0xC000  }
0x44: {  	s29 =	sld [smem:$0x7F9]  }
0x45: {  	[sflag:s28] =	ssyncset.done $0x0  }
0x46: {  	s30 =	sld [smem:$0x7FA];
	[sflag:s28] =	ssyncadd.s32 $0xFFFF4000  }
0x47: {  	[tilespmem:s8], [sflag:$0x1] =	stream.linear.gather [hbm4b:s29+s8], $0x3000, $0x38;
	[tilespmem:$0x18E00] =	vst v63  }
0x48: {  	s31 =	simm.s32 $0x3000;
	s2 =	simm.s32 $0x0  }
0x49: {  	[tilespmem:s31], [sflag:$0x2] =	stream.linear.gather [hbm4b:s30+s8], $0x3000, $0x38;
	[tilespmem:$0x18E00] =	vst v63  }
.LBB2_2:
0x4a: {  	[smem:$0x7ED] =	sst s2;
	s3 =	sshrl.u32 s2, $0x1  }
0x4b: {  	s1 =	simm.s32 $0x1;
	[smem:$0x7E5] =	sst s3  }
0x4c: {  	s0 =	sshll.u32 s2, $0x5;
	p1 =	seq.s32 s2, $0x0;
	_ =	swait.ge [sflag:s1], $0x3000  }
0x4d: {  	s10 =	sand.u32 $0x20, s0;
	s22 =	sshll.u32 s3, $0x6;
	[sflag:s1] =	ssyncset.done $0x0  }
0x4e: {  	s0 =	simm.s32 @!p1 $0x3;
	[smem:$0x7EF] =	sst s10;
	[sflag:s1] =	ssyncadd.s32 $0xFFFFD000  }
0x4f: {  	s23 =	sor.u32 s10, s22;
	s4 =	sand.u32 $0x80, s22;
	_ =	swait.ge @!p1 [sflag:s0], $0x3000  }
0x50: {  	s24 =	sand.u32 $0x60, s23;
	[sflag:s0] =	ssyncset.done @!p1 $0x0;
	[smem:$0x7DD] =	sst s22  }
0x51: {  	s25 =	sor.u32 s24, s4;
	[smem:$0x7DE] =	sst s4;
	[sflag:s0] =	ssyncadd.s32 @!p1 $0xFFFFD000  }
0x52: {  	s26 =	sor.u32 $0x1, s25;
	s12 =	sld [smem:s23+$0x0]  }
0x53: {  	s28 =	sor.u32 $0x2, s25;
	s13 =	sld [smem:s26+$0x0]  }
0x54: {  	s29 =	sor.u32 $0x3, s25;
	s14 =	sld [smem:s28+$0x0]  }
0x55: {  	s31 =	sor.u32 $0x4, s25;
	s15 =	sld [smem:s29+$0x0]  }
0x56: {  	s2 =	sor.u32 $0x5, s25;
	s16 =	sld [smem:s31+$0x0]  }
0x57: {  	s3 =	sor.u32 $0x6, s25;
	s11 =	sld [smem:s2+$0x0]  }
0x58: {  	s4 =	sor.u32 $0x7, s25;
	s9 =	sld [smem:s3+$0x0]  }
0x59: {  	s5 =	sor.u32 $0x8, s25;
	s8 =	sld [smem:s4+$0x0]  }
0x5a: {  	s6 =	sor.u32 $0x9, s25;
	s7 =	sld [smem:s5+$0x0]  }
0x5b: {  	s17 =	sor.u32 $0xA, s25;
	s6 =	sld [smem:s6+$0x0]  }
0x5c: {  	s18 =	sor.u32 $0xB, s25;
	s5 =	sld [smem:s17+$0x0]  }
0x5d: {  	s10 =	sshrl.u32 s10, $0x3;
	s19 =	sor.u32 $0xC, s25;
	s4 =	sld [smem:s18+$0x0]  }
0x5e: {  	s10 =	smul.u32 $0x6000, s10;
	s20 =	sor.u32 $0xD, s25;
	s3 =	sld [smem:s19+$0x0]  }
0x5f: {  	s21 =	sor.u32 $0xE, s25;
	s2 =	sld [smem:s20+$0x0]  }
0x60: {  	s10 =	sshrl.u32 s10, $0x2;
	s0 =	sor.u32 $0xF, s25;
	s1 =	sld [smem:s21+$0x0]  }
0x61: {  	s0 =	sld [smem:s0+$0x0];
	s18 =	sadd.s32 $0xC000, s10  }
0x62: {  	[dreg:$0x7] =	wrdreg s18;
	s17 =	sshrl.u32 s12, $0x2;
	s12 =	sshll.u32 s12, $0x7  }
0x63: {  	s19 =	sshrl.u32 s13, $0x2;
	s13 =	sshll.u32 s13, $0x7;
	s23 =	sshrl.u32 s14, $0x2  }
0x64: {  	s25 =	sshll.u32 s14, $0x7;
	s29 =	sshrl.u32 s15, $0x2;
	s17 =	smul.u32 $0x3000, s17  }
0x65: {  	s31 =	sshrl.u32 s16, $0x2;
	s15 =	sshll.u32 s15, $0x7;
	s22 =	smul.u32 $0x3000, s19  }
0x66: {  	s16 =	sshll.u32 s16, $0x7;
	s12 =	sand.u32 $0x180, s12;
	s18 =	smul.u32 $0x3000, s23  }
0x67: {  	s14 =	smul.u32 $0x3000, s31;
	s31 =	sshrl.u32 s6, $0x2;
	s6 =	sshll.u32 s6, $0x7  }
0x68: {  	s13 =	sand.u32 $0x180, s13;
	s6 =	sand.u32 $0x180, s6;
	s17 =	sshra.s32 s17, $0x2  }
0x69: {  	s26 =	sshra.s32 s18, $0x2;
	s14 =	sshra.s32 s14, $0x2;
	s18 =	sshrl.u32 s11, $0x2  }
0x6a: {  	s11 =	sshll.u32 s11, $0x7;
	s12 =	sor.u32 s12, s17;
	s17 =	sshra.s32 s22, $0x2  }
0x6b: {  	s20 =	smul.u32 $0x3000, s18;
	s11 =	sand.u32 $0x180, s11;
	s22 =	sshrl.u32 s9, $0x2  }
0x6c: {  	s9 =	sshll.u32 s9, $0x7;
	s12 =	sadd.s32 $0x18000, s12;
	s24 =	sor.u32 s13, s17  }
0x6d: {  	s13 =	sand.u32 $0x180, s25;
	s17 =	sand.u32 $0x180, s16;
	s23 =	smul.u32 $0x3000, s22  }
0x6e: {  	s9 =	sand.u32 $0x180, s9;
	s22 =	sshrl.u32 s0, $0x2;
	s0 =	sshll.u32 s0, $0x7  }
0x6f: {  	[dreg:$0x8] =	wrdreg s12;
	s12 =	sadd.s32 $0x18000, s24;
	s28 =	sor.u32 s13, s26  }
0x70: {  	s13 =	smul.u32 $0x3000, s29;
	s21 =	sshra.s32 s20, $0x2;
	s24 =	sshrl.u32 s8, $0x2  }
0x71: {  	s8 =	sshll.u32 s8, $0x7;
	s26 =	sshrl.u32 s7, $0x2;
	s29 =	sadd.s32 $0xD800, s10  }
0x72: {  	s7 =	sshll.u32 s7, $0x7;
	s10 =	smul.u32 $0x3000, s31;
	s20 =	sshrl.u32 s1, $0x2  }
0x73: {  	s1 =	sshll.u32 s1, $0x7;
	s0 =	sand.u32 $0x180, s0;
	[dreg:$0x9] =	wrdreg s12  }
0x74: {  	s12 =	sadd.s32 $0x18000, s28;
	s11 =	sor.u32 s11, s21;
	s8 =	sand.u32 $0x180, s8  }
0x75: {  	s28 =	smul.u32 $0x3000, s26;
	s7 =	sand.u32 $0x180, s7;
	[dreg:$0x10] =	wrdreg s29  }
0x76: {  	s21 =	smul.u32 $0x3000, s20;
	s1 =	sand.u32 $0x180, s1;
	[dreg:$0xa] =	wrdreg s12  }
0x77: {  	s12 =	sand.u32 $0x180, s15;
	s13 =	sshra.s32 s13, $0x2;
	s11 =	sadd.s32 $0x18000, s11  }
0x78: {  	s15 =	sshrl.u32 s3, $0x2;
	s3 =	sshll.u32 s3, $0x7;
	s12 =	sor.u32 s12, s13  }
0x79: {  	s13 =	sor.u32 s17, s14;
	[dreg:$0xd] =	wrdreg s11;
	s3 =	sand.u32 $0x180, s3  }
0x7a: {  	s17 =	sshrl.u32 s2, $0x2;
	s2 =	sshll.u32 s2, $0x7;
	s12 =	sadd.s32 $0x18000, s12  }
0x7b: {  	s19 =	sadd.s32 $0x18000, s13;
	s13 =	smul.u32 $0x3000, s24;
	s24 =	rddreg [dreg:$0x7]  }
0x7c: {  	s18 =	smul.u32 $0x3000, s17;
	[dreg:$0xb] =	wrdreg s12;
	s12 =	sshra.s32 s23, $0x2  }
0x7d: {  	s2 =	sand.u32 $0x180, s2;
	[dreg:$0xc] =	wrdreg s19;
	s9 =	sor.u32 s9, s12  }
0x7e: {  	s25 =	sshra.s32 s13, $0x2;
	s13 =	sshrl.u32 s4, $0x2;
	s4 =	sshll.u32 s4, $0x7  }
0x7f: {  	s19 =	sshra.s32 s18, $0x2;
	s9 =	sadd.s32 $0x18000, s9;
	s8 =	sor.u32 s8, s25  }
0x80: {  	s14 =	smul.u32 $0x3000, s13;
	s4 =	sand.u32 $0x180, s4;
	s2 =	sor.u32 s2, s19  }
0x81: {  	[dreg:$0xe] =	wrdreg s9;
	s8 =	sadd.s32 $0x18000, s8;
	s9 =	sshra.s32 s10, $0x2  }
0x82: {  	s10 =	sshrl.u32 s5, $0x2;
	s5 =	sshll.u32 s5, $0x7;
	s2 =	sadd.s32 $0x18000, s2  }
0x83: {  	[dreg:$0xf] =	wrdreg s8;
	s8 =	sshra.s32 s28, $0x2;
	s6 =	sor.u32 s6, s9  }
0x84: {  	s11 =	smul.u32 $0x3000, s10;
	s5 =	sand.u32 $0x180, s5;
	s7 =	sor.u32 s7, s8  }
0x85: {  	[dreg:$0x16] =	wrdreg s2;
	s6 =	sadd.s32 $0x18000, s6;
	s7 =	sadd.s32 $0x18000, s7  }
0x86: {  	s12 =	sshra.s32 s11, $0x2;
	[dreg:$0x12] =	wrdreg s6;
	s6 =	sshra.s32 s14, $0x2  }
0x87: {  	[dreg:$0x11] =	wrdreg s7;
	s7 =	smul.u32 $0x3000, s15;
	s4 =	sor.u32 s4, s6  }
0x88: {  	s5 =	sor.u32 s5, s12;
	s6 =	simm.s32 $0x0;
	s4 =	sadd.s32 $0x18000, s4  }
0x89: {  	s16 =	sshra.s32 s7, $0x2;
	[dreg:$0x14] =	wrdreg s4;
	s4 =	smul.u32 $0x3000, s22  }
0x8a: {  	s5 =	sadd.s32 $0x18000, s5;
	s20 =	sand.u32 $0x40, s6;
	s3 =	sor.u32 s3, s16  }
0x8b: {  	[dreg:$0x13] =	wrdreg s5;
	s3 =	sadd.s32 $0x18000, s3;
	s23 =	sshra.s32 s4, $0x2  }
0x8c: {  	[dreg:$0x15] =	wrdreg s3;
	s3 =	sshra.s32 s21, $0x2;
	s0 =	sor.u32 s0, s23  }
0x8d: {  	s7 =	simm.s32 $0x0;
	s1 =	sor.u32 s1, s3;
	s0 =	sadd.s32 $0x18000, s0  }
0x8e: {  	s13 =	sor.u32 $0x30, s20;
	s1 =	sadd.s32 $0x18000, s1;
	[dreg:$0x18] =	wrdreg s0  }
0x8f: {  	s26 =	sadd.s32 $0x0, s24;
	s3 =	sor.u32 s7, s13;
	[dreg:$0x17] =	wrdreg s1  }
0x90: {  	s25 =	rddreg [dreg:$0x8];
	s10 =	sadd.s32 s13, s26;
	v0 =	vld [tilespmem:s3+$0x0]  }
0x91: {  	s0 =	sadd.s32 s20, s26;
	s1 =	sadd.s32 $0x0, s25;
	v1 =	vld [tilespmem:s10+$0x0]  }
0x92: {  	s29 =	sor.u32 $0x10, s20;
	v2 =	vld [tilespmem:s0+$0x0];
	s28 =	sadd.s32 s13, s1  }
0x93: {  	s19 =	sor.u32 $0x20, s20;
	s18 =	sadd.s32 s29, s26;
	v3 =	vld [tilespmem:s28+$0x0]  }
0x94: {  	s9 =	sadd.s32 s19, s26;
	v4 =	vld [tilespmem:s18+$0x0]  }
0x95: {  	s8 =	sor.u32 s20, s7;
	v5 =	vld [tilespmem:s9+$0x0]  }
0x96: {  	s5 =	sor.u32 s7, s19;
	v6 =	vld [tilespmem:s8+$0x0];
	v0 =	vadd.f32 v1, v0  }
0x97: {  	s4 =	sor.u32 s7, s29;
	v7 =	vld [tilespmem:s5+$0x0]  }
0x98: {  	s31 =	sadd.s32 s20, s1;
	v1 =	vld [tilespmem:s4+$0x0];
	v0 =	vadd.f32 v3, v0  }
0x99: {  	v3 =	vld [tilespmem:s31+$0x0]  }
0x9a: {  	s2 =	rddreg [dreg:$0x9];
	[tilespmem:s3+$0x6000] =	vst v0;
	v0 =	vld [tilespmem:s3+$0x80]  }
0x9b: {  	s15 =	sadd.s32 $0x0, s2;
	s11 =	sadd.s32 s29, s1;
	v8 =	vld [tilespmem:s10+$0x80]  }
0x9c: {  	s12 =	sadd.s32 s13, s15;
	v2 =	vadd.f32 v2, v6;
	v6 =	vld [tilespmem:s11+$0x0]  }
0x9d: {  	v9 =	vld [tilespmem:s12+$0x0]  }
0x9e: {  	s1 =	sadd.s32 s19, s1;
	v10 =	vld [tilespmem:s8+$0x80];
	v2 =	vadd.f32 v3, v2  }
0x9f: {  	v1 =	vadd.f32 v4, v1;
	v3 =	vld [tilespmem:s1+$0x0]  }
0xa0: {  	[tilespmem:s8+$0x6000] =	vst v2;
	v2 =	vld [tilespmem:s4+$0x80];
	v0 =	vadd.f32 v8, v0  }
0xa1: {  	v1 =	vadd.f32 v6, v1;
	v4 =	vld [tilespmem:s0+$0x80]  }
0xa2: {  	s16 =	sadd.s32 s20, s15;
	v5 =	vadd.f32 v5, v7;
	v8 =	vld [tilespmem:s5+$0x80];
	v0 =	vadd.f32 v9, v0  }
0xa3: {  	s17 =	rddreg [dreg:$0xa];
	v6 =	vld [tilespmem:s16+$0x0];
	[tilespmem:s4+$0x6000] =	vst v1  }
0xa4: {  	v1 =	vadd.f32 v3, v5;
	[tilespmem:s3+$0x6080] =	vst v0;
	v0 =	vld [tilespmem:s3+$0x100]  }
0xa5: {  	s21 =	sadd.s32 $0x0, s17;
	v3 =	vld [tilespmem:s10+$0x100]  }
0xa6: {  	v5 =	vld [tilespmem:s18+$0x80];
	s14 =	sadd.s32 s13, s21;
	[tilespmem:s5+$0x6000] =	vst v1  }
0xa7: {  	s22 =	sadd.s32 s29, s15;
	v4 =	vadd.f32 v4, v10;
	v1 =	vld [tilespmem:s14+$0x0]  }
0xa8: {  	v7 =	vld [tilespmem:s22+$0x0]  }
0xa9: {  	v9 =	vld [tilespmem:s8+$0x100];
	v4 =	vadd.f32 v6, v4  }
0xaa: {  	s15 =	sadd.s32 s19, s15;
	v6 =	vld [tilespmem:s9+$0x80];
	v0 =	vadd.f32 v3, v0  }
0xab: {  	[tilespmem:s8+$0x6080] =	vst v4;
	v4 =	vld [tilespmem:s15+$0x0]  }
0xac: {  	v3 =	vld [tilespmem:s0+$0x100];
	v0 =	vadd.f32 v1, v0  }
0xad: {  	v1 =	vadd.f32 v5, v2;
	v2 =	vld [tilespmem:s4+$0x100]  }
0xae: {  	s23 =	rddreg [dreg:$0xb];
	[tilespmem:s3+$0x6100] =	vst v0;
	v0 =	vld [tilespmem:s3+$0x180]  }
0xaf: {  	s25 =	sadd.s32 s20, s21;
	s14 =	sadd.s32 $0x0, s23;
	v5 =	vadd.f32 v6, v8;
	v1 =	vadd.f32 v7, v1;
	v6 =	vld [tilespmem:s10+$0x180]  }
0xb0: {  	s24 =	sadd.s32 s13, s14;
	v8 =	vld [tilespmem:s25+$0x0]  }
0xb1: {  	v4 =	vadd.f32 v4, v5;
	[tilespmem:s4+$0x6080] =	vst v1;
	v1 =	vld [tilespmem:s24+$0x0]  }
0xb2: {  	v5 =	vld [tilespmem:s5+$0x100]  }
0xb3: {  	[tilespmem:s5+$0x6080] =	vst v4;
	v4 =	vld [tilespmem:s18+$0x100]  }
0xb4: {  	s26 =	sadd.s32 s29, s21;
	v7 =	vld [tilespmem:s9+$0x100];
	v0 =	vadd.f32 v6, v0  }
0xb5: {  	s1 =	sadd.s32 s19, s21;
	v6 =	vld [tilespmem:s26+$0x0]  }
0xb6: {  	v10 =	vld [tilespmem:s1+$0x0];
	v0 =	vadd.f32 v1, v0  }
0xb7: {  	v1 =	vadd.f32 v3, v9;
	v3 =	vld [tilespmem:s8+$0x180]  }
0xb8: {  	s28 =	rddreg [dreg:$0xc];
	v2 =	vadd.f32 v4, v2;
	[tilespmem:s3+$0x6180] =	vst v0;
	v0 =	vld [tilespmem:s3+$0x200]  }
0xb9: {  	s31 =	sadd.s32 $0x0, s28;
	v4 =	vadd.f32 v7, v5;
	v1 =	vadd.f32 v8, v1;
	v5 =	vld [tilespmem:s10+$0x200]  }
0xba: {  	s15 =	sadd.s32 s13, s31;
	v2 =	vadd.f32 v6, v2;
	v6 =	vld [tilespmem:s4+$0x180]  }
0xbb: {  	[tilespmem:s8+$0x6100] =	vst v1;
	v1 =	vadd.f32 v10, v4;
	v4 =	vld [tilespmem:s15+$0x0]  }
0xbc: {  	v7 =	vld [tilespmem:s0+$0x180];
	[tilespmem:s4+$0x6100] =	vst v2  }
0xbd: {  	s2 =	sadd.s32 s20, s14;
	v2 =	vld [tilespmem:s18+$0x180]  }
0xbe: {  	v8 =	vld [tilespmem:s2+$0x0];
	[tilespmem:s5+$0x6100] =	vst v1  }
0xbf: {  	v1 =	vld [tilespmem:s9+$0x180];
	v0 =	vadd.f32 v5, v0  }
0xc0: {  	s11 =	sadd.s32 s29, s14;
	v5 =	vld [tilespmem:s5+$0x180]  }
0xc1: {  	s14 =	sadd.s32 s19, s14;
	v0 =	vadd.f32 v4, v0;
	v4 =	vld [tilespmem:s11+$0x0]  }
0xc2: {  	v2 =	vadd.f32 v2, v6;
	v6 =	vld [tilespmem:s14+$0x0]  }
0xc3: {  	s12 =	rddreg [dreg:$0xd];
	[tilespmem:s3+$0x6200] =	vst v0;
	v0 =	vld [tilespmem:s3+$0x280]  }
0xc4: {  	s15 =	sadd.s32 $0x0, s12;
	v3 =	vadd.f32 v7, v3;
	v7 =	vld [tilespmem:s10+$0x280]  }
0xc5: {  	v9 =	vld [tilespmem:s8+$0x200];
	s16 =	sadd.s32 s13, s15  }
0xc6: {  	v3 =	vadd.f32 v8, v3;
	v8 =	vld [tilespmem:s16+$0x0]  }
0xc7: {  	v1 =	vadd.f32 v1, v5;
	v5 =	vld [tilespmem:s5+$0x200]  }
0xc8: {  	[tilespmem:s8+$0x6180] =	vst v3;
	v3 =	vld [tilespmem:s4+$0x200];
	v2 =	vadd.f32 v4, v2  }
0xc9: {  	s17 =	sadd.s32 s20, s31;
	v4 =	vld [tilespmem:s0+$0x200];
	v1 =	vadd.f32 v6, v1;
	v0 =	vadd.f32 v7, v0  }
0xca: {  	v6 =	vld [tilespmem:s17+$0x0];
	[tilespmem:s4+$0x6180] =	vst v2  }
0xcb: {  	v2 =	vld [tilespmem:s18+$0x200];
	s21 =	rddreg [dreg:$0xe];
	[tilespmem:s5+$0x6180] =	vst v1;
	v0 =	vadd.f32 v8, v0  }
0xcc: {  	v7 =	vld [tilespmem:s9+$0x200]  }
0xcd: {  	[tilespmem:s3+$0x6280] =	vst v0;
	v0 =	vld [tilespmem:s3+$0x300]  }
0xce: {  	s1 =	sadd.s32 s19, s31;
	s22 =	sadd.s32 $0x0, s21;
	v1 =	vld [tilespmem:s10+$0x300]  }
0xcf: {  	v4 =	vadd.f32 v4, v9;
	s16 =	sadd.s32 s13, s22;
	v9 =	vld [tilespmem:s1+$0x0]  }
0xd0: {  	s23 =	sadd.s32 s29, s31;
	v8 =	vld [tilespmem:s16+$0x0]  }
0xd1: {  	v4 =	vadd.f32 v6, v4;
	v6 =	vld [tilespmem:s23+$0x0];
	_ =	sdelay $0x1  }
0xd2: {  	v5 =	vadd.f32 v7, v5;
	v0 =	vadd.f32 v1, v0  }
0xd3: {  	s26 =	sadd.s32 s20, s15;
	[tilespmem:s8+$0x6200] =	vst v4;
	v4 =	vld [tilespmem:s8+$0x280];
	v1 =	vadd.f32 v2, v3  }
0xd4: {  	v5 =	vadd.f32 v9, v5;
	v9 =	vld [tilespmem:s26+$0x0];
	v0 =	vadd.f32 v8, v0  }
0xd5: {  	v2 =	vld [tilespmem:s0+$0x280];
	v1 =	vadd.f32 v6, v1  }
0xd6: {  	s24 =	rddreg [dreg:$0xf];
	[tilespmem:s3+$0x6300] =	vst v0;
	v0 =	vld [tilespmem:s3+$0x380]  }
0xd7: {  	s1 =	sadd.s32 $0x0, s24;
	[tilespmem:s4+$0x6200] =	vst v1;
	v1 =	vld [tilespmem:s10+$0x380]  }
0xd8: {  	s25 =	sadd.s32 s13, s1;
	v3 =	vld [tilespmem:s4+$0x280]  }
0xd9: {  	[tilespmem:s5+$0x6200] =	vst v5;
	v5 =	vld [tilespmem:s25+$0x0]  }
0xda: {  	v6 =	vld [tilespmem:s5+$0x280]  }
0xdb: {  	v7 =	vld [tilespmem:s18+$0x280]  }
0xdc: {  	s28 =	sadd.s32 s29, s15;
	v8 =	vld [tilespmem:s9+$0x280];
	v0 =	vadd.f32 v1, v0  }
0xdd: {  	v10 =	vld [tilespmem:s28+$0x0]  }
0xde: {  	s31 =	sadd.s32 s19, s15;
	v2 =	vadd.f32 v2, v4;
	v4 =	vld [tilespmem:s8+$0x300];
	v0 =	vadd.f32 v5, v0  }
0xdf: {  	s24 =	simm.s32 $0x1800;
	s2 =	rddreg [dreg:$0x10];
	v1 =	vld [tilespmem:s31+$0x0]  }
0xe0: {  	s12 =	sor.u32 s13, s24;
	s11 =	rddreg [dreg:$0x11];
	s25 =	sadd.s32 $0x0, s2;
	v2 =	vadd.f32 v9, v2;
	v3 =	vadd.f32 v7, v3;
	v7 =	vld [tilespmem:s5+$0x300];
	[tilespmem:s3+$0x6380] =	vst v0  }
0xe1: {  	s23 =	sadd.s32 s13, s25;
	v0 =	vadd.f32 v8, v6;
	v6 =	vld [tilespmem:s12+$0x0]  }
0xe2: {  	s17 =	sadd.s32 s20, s22;
	[tilespmem:s8+$0x6280] =	vst v2;
	v3 =	vadd.f32 v10, v3;
	s3 =	sadd.s32 $0x0, s11;
	v2 =	vld [tilespmem:s23+$0x0]  }
0xe3: {  	v9 =	vld [tilespmem:s17+$0x0];
	s10 =	sadd.s32 s13, s3  }
0xe4: {  	[tilespmem:s4+$0x6280] =	vst v3;
	v3 =	vld [tilespmem:s10+$0x0]  }
0xe5: {  	v0 =	vadd.f32 v1, v0;
	v1 =	vld [tilespmem:s0+$0x300]  }
0xe6: {  	v5 =	vld [tilespmem:s4+$0x300]  }
0xe7: {  	[tilespmem:s5+$0x6280] =	vst v0;
	v0 =	vld [tilespmem:s18+$0x300];
	v2 =	vadd.f32 v2, v6  }
0xe8: {  	s21 =	sadd.s32 s29, s22;
	v8 =	vld [tilespmem:s9+$0x300]  }
0xe9: {  	v6 =	vld [tilespmem:s21+$0x0];
	v2 =	vadd.f32 v3, v2  }
0xea: {  	s22 =	sadd.s32 s19, s22;
	s28 =	simm.s32 $0x1880;
	v1 =	vadd.f32 v1, v4  }
0xeb: {  	s14 =	sor.u32 s13, s28;
	v10 =	vld [tilespmem:s22+$0x0];
	s26 =	rddreg [dreg:$0x12];
	[tilespmem:s12+$0x6000] =	vst v2  }
0xec: {  	s15 =	simm.s32 $0x40;
	s2 =	sadd.s32 $0x0, s26;
	v0 =	vadd.f32 v0, v5;
	v1 =	vadd.f32 v9, v1;
	v4 =	vld [tilespmem:s14+$0x0]  }
0xed: {  	s11 =	sand.u32 $0x40, s15;
	s10 =	sadd.s32 s13, s2;
	v5 =	vld [tilespmem:s23+$0x80]  }
0xee: {  	s16 =	simm.s32 $0x0;
	s31 =	rddreg [dreg:$0x7];
	v2 =	vadd.f32 v8, v7;
	s12 =	sor.u32 $0x30, s11;
	v0 =	vadd.f32 v6, v0;
	[tilespmem:s8+$0x6300] =	vst v1;
	v6 =	vld [tilespmem:s10+$0x0]  }
0xef: {  	s8 =	sadd.s32 $0x0, s31;
	s26 =	sor.u32 s16, s12;
	v1 =	vld [tilespmem:s0+$0x380]  }
0xf0: {  	v2 =	vadd.f32 v10, v2;
	v7 =	vld [tilespmem:s26+$0x0];
	s30 =	sadd.s32 s12, s8  }
0xf1: {  	[tilespmem:s4+$0x6300] =	vst v0;
	v8 =	vld [tilespmem:s30+$0x0]  }
0xf2: {  	s17 =	rddreg [dreg:$0x8];
	[tilespmem:s5+$0x6300] =	vst v2;
	v2 =	vld [tilespmem:s18+$0x380]  }
0xf3: {  	s21 =	sadd.s32 s20, s1;
	v3 =	vld [tilespmem:s9+$0x380];
	s9 =	sadd.s32 $0x0, s17  }
0xf4: {  	s16 =	rddreg [dreg:$0x13];
	v0 =	vadd.f32 v5, v4;
	v5 =	vld [tilespmem:s21+$0x0];
	s22 =	sadd.s32 s12, s9  }
0xf5: {  	s28 =	sadd.s32 s29, s1;
	s31 =	sadd.s32 $0x0, s16;
	v9 =	vld [tilespmem:s22+$0x0]  }
0xf6: {  	s1 =	sadd.s32 s19, s1;
	v0 =	vadd.f32 v6, v0;
	v6 =	vld [tilespmem:s28+$0x0];
	[smem:$0x7DF] =	sst s31  }
0xf7: {  	s15 =	sadd.s32 s11, s9;
	v4 =	vld [tilespmem:s1+$0x0]  }
0xf8: {  	s10 =	sor.u32 $0x10, s11;
	s17 =	sadd.s32 s11, s8;
	v7 =	vadd.f32 v8, v7;
	v8 =	vld [tilespmem:s15+$0x0]  }
0xf9: {  	s21 =	sadd.s32 s10, s9;
	v10 =	vld [tilespmem:s17+$0x0]  }
0xfa: {  	s18 =	simm.s32 $0x0;
	v11 =	vld [tilespmem:s21+$0x0]  }
0xfb: {  	s18 =	sor.u32 s11, s18;
	v12 =	vld [tilespmem:s26+$0x80]  }
0xfc: {  	v60 =	vld [tilespmem:s18+$0x80]  }
0xfd: {  	v22 =	vld [tilespmem:s18+$0x100]  }
0xfe: {  	v27 =	vld [tilespmem:s4+$0x380]  }
0xff: {  	s16 =	rddreg [dreg:$0x9];
	v28 =	vld [tilespmem:s26+$0x200];
	v7 =	vadd.f32 v9, v7  }
0x100: {  	s1 =	sadd.s32 $0x0, s16;
	[tilespmem:s14+$0x6000] =	vst v0;
	s14 =	sadd.s32 s13, s31;
	v9 =	vld [tilespmem:s18+$0x0]  }
0x101: {  	s22 =	sadd.s32 s12, s1;
	v0 =	vld [tilespmem:s14+$0x0];
	[tilespmem:s26+$0x6000] =	vst v7  }
0x102: {  	v7 =	vld [tilespmem:s22+$0x0];
	s22 =	sor.u32 $0x20, s11  }
0x103: {  	v13 =	vld [tilespmem:s30+$0x80];
	s9 =	sadd.s32 s22, s9  }
0x104: {  	s21 =	sadd.s32 s10, s8;
	v14 =	vld [tilespmem:s9+$0x0]  }
0x105: {  	s28 =	simm.s32 $0x0;
	s16 =	sadd.s32 s22, s8;
	v9 =	vadd.f32 v10, v9;
	v10 =	vld [tilespmem:s21+$0x0]  }
0x106: {  	s14 =	sor.u32 s28, s10;
	v15 =	vld [tilespmem:s16+$0x0]  }
0x107: {  	s6 =	sor.u32 s7, s6;
	s9 =	sor.u32 s28, s22;
	v8 =	vadd.f32 v8, v9;
	v9 =	vld [tilespmem:s14+$0x0]  }
0x108: {  	s6 =	sor.u32 $0x380, s6;
	v16 =	vld [tilespmem:s9+$0x0]  }
0x109: {  	v30 =	vld [tilespmem:s6+$0x0];
	[tilespmem:s18+$0x6000] =	vst v8;
	v8 =	vadd.f32 v13, v12  }
0x10a: {  	v19 =	vld [tilespmem:s9+$0x80]  }
0x10b: {  	s28 =	sadd.s32 s11, s1;
	v61 =	vld [tilespmem:s17+$0x80];
	v7 =	vadd.f32 v7, v8  }
0x10c: {  	s31 =	rddreg [dreg:$0xa];
	v8 =	vld [tilespmem:s28+$0x0];
	v9 =	vadd.f32 v10, v9  }
0x10d: {  	s8 =	sadd.s32 $0x0, s31;
	v10 =	vadd.f32 v15, v16;
	[tilespmem:s26+$0x6080] =	vst v7;
	v7 =	vld [tilespmem:s26+$0x100]  }
0x10e: {  	s0 =	sadd.s32 s12, s8;
	v62 =	vld [tilespmem:s30+$0x100];
	v9 =	vadd.f32 v11, v9  }
0x10f: {  	v63 =	vld [tilespmem:s0+$0x0];
	v10 =	vadd.f32 v14, v10  }
0x110: {  	v11 =	vld [tilespmem:s14+$0x80];
	v12 =	vadd.f32 v61, v60;
	[tilespmem:s14+$0x6000] =	vst v9  }
0x111: {  	[tilespmem:s9+$0x6000] =	vst v10;
	v9 =	vld [tilespmem:s21+$0x80]  }
0x112: {  	s15 =	sadd.s32 s10, s1;
	v8 =	vadd.f32 v8, v12;
	v10 =	vld [tilespmem:s16+$0x80]  }
0x113: {  	s1 =	sadd.s32 s22, s1;
	v20 =	vld [tilespmem:s15+$0x0];
	v7 =	vadd.f32 v62, v7  }
0x114: {  	[tilespmem:s18+$0x6080] =	vst v8;
	v8 =	vld [tilespmem:s1+$0x0]  }
0x115: {  	v24 =	vld [tilespmem:s9+$0x100];
	v7 =	vadd.f32 v63, v7  }
0x116: {  	v21 =	vld [tilespmem:s17+$0x100];
	v9 =	vadd.f32 v9, v11  }
0x117: {  	s28 =	rddreg [dreg:$0xb];
	v10 =	vadd.f32 v10, v19;
	[tilespmem:s26+$0x6100] =	vst v7;
	v7 =	vld [tilespmem:s26+$0x180]  }
0x118: {  	s0 =	sadd.s32 s11, s8;
	s1 =	sadd.s32 $0x0, s28;
	v11 =	vld [tilespmem:s30+$0x180];
	v9 =	vadd.f32 v20, v9  }
0x119: {  	s31 =	sadd.s32 s12, s1;
	v8 =	vadd.f32 v8, v10;
	v10 =	vld [tilespmem:s0+$0x0]  }
0x11a: {  	s15 =	sadd.s32 s10, s8;
	v23 =	vld [tilespmem:s31+$0x0];
	[tilespmem:s14+$0x6080] =	vst v9  }
0x11b: {  	v9 =	vld [tilespmem:s15+$0x0]  }
0x11c: {  	v13 =	vadd.f32 v21, v22;
	v25 =	vld [tilespmem:s21+$0x100]  }
0x11d: {  	[tilespmem:s9+$0x6080] =	vst v8;
	v7 =	vadd.f32 v11, v7;
	v11 =	vld [tilespmem:s14+$0x100]  }
0x11e: {  	s8 =	sadd.s32 s22, s8;
	v26 =	vld [tilespmem:s16+$0x100];
	s15 =	simm.s32 $0x1900;
	v10 =	vadd.f32 v10, v13  }
0x11f: {  	v8 =	vld [tilespmem:s8+$0x0];
	s7 =	sor.u32 s13, s15  }
0x120: {  	s0 =	sadd.s32 s11, s1;
	s28 =	rddreg [dreg:$0xc];
	v31 =	vld [tilespmem:s7+$0x0];
	v7 =	vadd.f32 v23, v7;
	[tilespmem:s18+$0x6100] =	vst v10  }
0x121: {  	v10 =	vld [tilespmem:s0+$0x0]  }
0x122: {  	v32 =	vld [tilespmem:s17+$0x180];
	[tilespmem:s26+$0x6180] =	vst v7;
	v11 =	vadd.f32 v25, v11  }
0x123: {  	s8 =	sadd.s32 $0x0, s28;
	v13 =	vadd.f32 v26, v24;
	v29 =	vld [tilespmem:s30+$0x200]  }
0x124: {  	s31 =	sadd.s32 s12, s8;
	v9 =	vadd.f32 v9, v11;
	v11 =	vld [tilespmem:s5+$0x380]  }
0x125: {  	v7 =	vld [tilespmem:s31+$0x0];
	v8 =	vadd.f32 v8, v13  }
0x126: {  	v1 =	vadd.f32 v1, v30;
	[tilespmem:s14+$0x6100] =	vst v9;
	v9 =	vld [tilespmem:s18+$0x180]  }
0x127: {  	v2 =	vadd.f32 v2, v27;
	[tilespmem:s9+$0x6100] =	vst v8;
	v8 =	vld [tilespmem:s14+$0x180]  }
0x128: {  	v1 =	vadd.f32 v5, v1;
	s28 =	sadd.s32 s10, s1;
	v12 =	vadd.f32 v29, v28;
	v33 =	vld [tilespmem:s21+$0x180]  }
0x129: {  	v2 =	vadd.f32 v6, v2;
	v5 =	vld [tilespmem:s28+$0x0];
	v3 =	vadd.f32 v3, v11  }
0x12a: {  	[tilespmem:s6+$0x6000] =	vst v1;
	s31 =	rddreg [dreg:$0xd];
	v7 =	vadd.f32 v7, v12;
	v11 =	vld [tilespmem:s23+$0x100]  }
0x12b: {  	[tilespmem:s4+$0x6380] =	vst v2;
	s31 =	sadd.s32 $0x0, s31;
	v3 =	vadd.f32 v4, v3;
	v2 =	vadd.f32 v32, v9;
	v4 =	vld [tilespmem:s26+$0x280]  }
0x12c: {  	s0 =	sadd.s32 s12, s31;
	[tilespmem:s26+$0x6200] =	vst v7;
	v9 =	vld [tilespmem:s9+$0x180]  }
0x12d: {  	v1 =	vld [tilespmem:s0+$0x0];
	[tilespmem:s5+$0x6380] =	vst v3;
	v2 =	vadd.f32 v10, v2  }
0x12e: {  	v6 =	vld [tilespmem:s30+$0x280];
	s4 =	rddreg [dreg:$0x14]  }
0x12f: {  	s1 =	sadd.s32 s22, s1;
	v3 =	vadd.f32 v33, v8;
	v8 =	vld [tilespmem:s16+$0x180];
	[tilespmem:s18+$0x6180] =	vst v2;
	s5 =	sadd.s32 $0x0, s4  }
0x130: {  	s0 =	sadd.s32 s29, s3;
	v2 =	vld [tilespmem:s1+$0x0];
	[smem:$0x7E1] =	sst s5  }
0x131: {  	v3 =	vadd.f32 v5, v3;
	v5 =	vld [tilespmem:s0+$0x0]  }
0x132: {  	v7 =	vadd.f32 v11, v31;
	v11 =	vld [tilespmem:s18+$0x200]  }
0x133: {  	v34 =	vld [tilespmem:s17+$0x200]  }
0x134: {  	v35 =	vld [tilespmem:s26+$0x300]  }
0x135: {  	v0 =	vadd.f32 v0, v7;
	v39 =	vld [tilespmem:s14+$0x200]  }
0x136: {  	s6 =	sadd.s32 s20, s3;
	v41 =	vld [tilespmem:s18+$0x280]  }
0x137: {  	s0 =	sor.u32 s20, s24;
	[tilespmem:s7+$0x6000] =	vst v0;
	v0 =	vld [tilespmem:s6+$0x0]  }
0x138: {  	[tilespmem:s14+$0x6180] =	vst v3;
	v3 =	vadd.f32 v6, v4;
	v6 =	vadd.f32 v8, v9;
	v8 =	vld [tilespmem:s0+$0x0]  }
0x139: {  	s15 =	sadd.s32 s13, s5;
	v18 =	vld [tilespmem:s21+$0x200]  }
0x13a: {  	s5 =	sadd.s32 s19, s3;
	v4 =	vld [tilespmem:s15+$0x0]  }
0x13b: {  	s3 =	simm.s32 $0x1980;
	s6 =	sadd.s32 s11, s8;
	v1 =	vadd.f32 v1, v3;
	v3 =	vld [tilespmem:s5+$0x0]  }
0x13c: {  	s4 =	sor.u32 s13, s3;
	v7 =	vld [tilespmem:s6+$0x0]  }
0x13d: {  	s28 =	rddreg [dreg:$0xe];
	v38 =	vld [tilespmem:s4+$0x0]  }
0x13e: {  	s5 =	sadd.s32 $0x0, s28;
	v17 =	vld [tilespmem:s23+$0x180];
	[tilespmem:s26+$0x6280] =	vst v1  }
0x13f: {  	s7 =	sadd.s32 s12, s5;
	v36 =	vld [tilespmem:s30+$0x300]  }
0x140: {  	v1 =	vld [tilespmem:s7+$0x0];
	s7 =	sadd.s32 s20, s25  }
0x141: {  	s15 =	sadd.s32 s10, s8;
	v9 =	vld [tilespmem:s7+$0x0]  }
0x142: {  	s6 =	sadd.s32 s29, s25;
	v2 =	vadd.f32 v2, v6;
	v6 =	vld [tilespmem:s15+$0x0];
	v11 =	vadd.f32 v34, v11  }
0x143: {  	s15 =	sor.u32 s29, s24;
	v37 =	vld [tilespmem:s6+$0x0]  }
0x144: {  	s28 =	sadd.s32 s22, s8;
	v10 =	vld [tilespmem:s15+$0x0];
	[tilespmem:s9+$0x6180] =	vst v2;
	v7 =	vadd.f32 v7, v11;
	v11 =	vadd.f32 v36, v35  }
0x145: {  	v2 =	vld [tilespmem:s28+$0x0]  }
0x146: {  	v40 =	vld [tilespmem:s16+$0x200];
	v8 =	vadd.f32 v9, v8;
	v1 =	vadd.f32 v1, v11  }
0x147: {  	s24 =	sor.u32 s19, s24;
	[tilespmem:s18+$0x6200] =	vst v7;
	v9 =	vld [tilespmem:s9+$0x200]  }
0x148: {  	v7 =	vld [tilespmem:s24+$0x0];
	s1 =	rddreg [dreg:$0xf];
	v0 =	vadd.f32 v0, v8;
	[tilespmem:s26+$0x6300] =	vst v1;
	v1 =	vadd.f32 v17, v38  }
0x149: {  	s28 =	sadd.s32 s19, s25;
	v42 =	vld [tilespmem:s17+$0x280]  }
0x14a: {  	v8 =	vld [tilespmem:s28+$0x0];
	[tilespmem:s0+$0x6000] =	vst v0;
	v1 =	vadd.f32 v4, v1  }
0x14b: {  	s8 =	sadd.s32 $0x0, s1;
	v11 =	vadd.f32 v18, v39;
	v0 =	vld [tilespmem:s30+$0x380];
	s30 =	rddreg [dreg:$0x15]  }
0x14c: {  	s25 =	sadd.s32 s12, s8;
	v4 =	vadd.f32 v40, v9;
	v9 =	vld [tilespmem:s26+$0x380];
	s3 =	sadd.s32 $0x0, s30;
	[tilespmem:s4+$0x6000] =	vst v1  }
0x14d: {  	v6 =	vadd.f32 v6, v11;
	v1 =	vld [tilespmem:s25+$0x0];
	s4 =	sadd.s32 s11, s31;
	[smem:$0x7E2] =	sst s3  }
0x14e: {  	v2 =	vadd.f32 v2, v4;
	s25 =	sadd.s32 s13, s3;
	v4 =	vld [tilespmem:s4+$0x0]  }
0x14f: {  	v10 =	vadd.f32 v37, v10;
	s1 =	sadd.s32 s20, s2;
	[tilespmem:s14+$0x6200] =	vst v6;
	v6 =	vld [tilespmem:s25+$0x0]  }
0x150: {  	[tilespmem:s9+$0x6200] =	vst v2;
	v2 =	vld [tilespmem:s1+$0x0]  }
0x151: {  	v5 =	vadd.f32 v5, v10;
	v10 =	vld [tilespmem:s23+$0x200]  }
0x152: {  	v11 =	vld [tilespmem:s7+$0x80]  }
0x153: {  	v45 =	vld [tilespmem:s14+$0x280]  }
0x154: {  	v46 =	vld [tilespmem:s9+$0x280]  }
0x155: {  	v20 =	vld [tilespmem:s18+$0x300]  }
0x156: {  	v7 =	vadd.f32 v8, v7;
	[tilespmem:s15+$0x6000] =	vst v5;
	v50 =	vld [tilespmem:s14+$0x300]  }
0x157: {  	v44 =	vld [tilespmem:s6+$0x80]  }
0x158: {  	v3 =	vadd.f32 v3, v7;
	v47 =	vld [tilespmem:s21+$0x280]  }
0x159: {  	s3 =	sadd.s32 s29, s2;
	v48 =	vld [tilespmem:s16+$0x280]  }
0x15a: {  	s25 =	sadd.s32 s19, s2;
	v0 =	vadd.f32 v0, v9;
	[tilespmem:s24+$0x6000] =	vst v3;
	v3 =	vld [tilespmem:s3+$0x0]  }
0x15b: {  	s1 =	sadd.s32 s10, s31;
	v7 =	vld [tilespmem:s25+$0x0]  }
0x15c: {  	v5 =	vadd.f32 v42, v41;
	v0 =	vadd.f32 v1, v0;
	v1 =	vld [tilespmem:s1+$0x0]  }
0x15d: {  	s2 =	sadd.s32 s22, s31;
	s4 =	rddreg [dreg:$0x11];
	s25 =	simm.s32 $0x1A00;
	v19 =	vld [tilespmem:s28+$0x80]  }
0x15e: {  	s30 =	sadd.s32 $0x0, s4;
	s0 =	sor.u32 s13, s25;
	v4 =	vadd.f32 v4, v5;
	v5 =	vld [tilespmem:s2+$0x0]  }
0x15f: {  	s31 =	simm.s32 $0x1800;
	s15 =	rddreg [dreg:$0x10];
	s3 =	sadd.s32 s12, s30;
	[tilespmem:s26+$0x6380] =	vst v0;
	v9 =	vld [tilespmem:s0+$0x0]  }
0x160: {  	s24 =	simm.s32 $0x1880;
	s1 =	sor.u32 s12, s31;
	v0 =	vld [tilespmem:s3+$0x0]  }
0x161: {  	s26 =	simm.s32 $0x1880;
	s3 =	sor.u32 s29, s24;
	v52 =	vld [tilespmem:s1+$0x0]  }
0x162: {  	s2 =	sor.u32 s19, s26;
	v43 =	vld [tilespmem:s3+$0x0]  }
0x163: {  	s4 =	sadd.s32 s11, s5;
	v14 =	vadd.f32 v47, v45;
	[tilespmem:s18+$0x6280] =	vst v4;
	v49 =	vld [tilespmem:s2+$0x0]  }
0x164: {  	v15 =	vadd.f32 v48, v46;
	s26 =	sadd.s32 $0x0, s15;
	v4 =	vld [tilespmem:s4+$0x0];
	s4 =	sor.u32 s20, s24  }
0x165: {  	s15 =	sadd.s32 s12, s26;
	v1 =	vadd.f32 v1, v14;
	v8 =	vld [tilespmem:s4+$0x0]  }
0x166: {  	v53 =	vld [tilespmem:s15+$0x0];
	v5 =	vadd.f32 v5, v15  }
0x167: {  	v9 =	vadd.f32 v10, v9;
	[tilespmem:s14+$0x6280] =	vst v1;
	v1 =	vld [tilespmem:s17+$0x300]  }
0x168: {  	[tilespmem:s9+$0x6280] =	vst v5;
	v5 =	vld [tilespmem:s21+$0x300]  }
0x169: {  	v51 =	vld [tilespmem:s9+$0x300];
	v6 =	vadd.f32 v6, v9;
	v9 =	vadd.f32 v44, v43  }
0x16a: {  	s25 =	smov.u32 s6;
	s6 =	sadd.s32 s10, s5;
	v10 =	vld [tilespmem:s16+$0x300];
	v8 =	vadd.f32 v11, v8  }
0x16b: {  	s5 =	sadd.s32 s22, s5;
	s24 =	rddreg [dreg:$0x16];
	v54 =	vadd.f32 v19, v49;
	v11 =	vld [tilespmem:s6+$0x0];
	v3 =	vadd.f32 v3, v9  }
0x16c: {  	s24 =	sadd.s32 $0x0, s24;
	[tilespmem:s0+$0x6000] =	vst v6;
	v6 =	vld [tilespmem:s5+$0x0];
	v1 =	vadd.f32 v1, v20;
	v2 =	vadd.f32 v2, v8  }
0x16d: {  	s31 =	sadd.s32 s13, s24;
	v8 =	vadd.f32 v53, v52;
	v5 =	vadd.f32 v5, v50  }
0x16e: {  	v9 =	vld [tilespmem:s31+$0x0];
	v1 =	vadd.f32 v4, v1;
	[tilespmem:s4+$0x6000] =	vst v2;
	v2 =	vadd.f32 v7, v54  }
0x16f: {  	s5 =	rddreg [dreg:$0x12];
	v55 =	vld [tilespmem:s23+$0x280];
	v0 =	vadd.f32 v0, v8;
	v7 =	vadd.f32 v10, v51  }
0x170: {  	s4 =	sld [smem:$0x7DF];
	[tilespmem:s18+$0x6300] =	vst v1;
	s18 =	simm.s32 $0x1A80;
	v59 =	vld [tilespmem:s7+$0x100]  }
0x171: {  	[tilespmem:s1+$0x6000] =	vst v0;
	v0 =	vadd.f32 v11, v5;
	v5 =	vadd.f32 v6, v7;
	v6 =	vld [tilespmem:s17+$0x380];
	s1 =	sor.u32 s13, s18  }
0x172: {  	v11 =	vld [tilespmem:s1+$0x0]  }
0x173: {  	v57 =	vld [tilespmem:s15+$0x80];
	s6 =	sadd.s32 s20, s4  }
0x174: {  	[tilespmem:s3+$0x6000] =	vst v3;
	s31 =	sadd.s32 s29, s4;
	v3 =	vld [tilespmem:s6+$0x0]  }
0x175: {  	[tilespmem:s2+$0x6000] =	vst v2;
	s3 =	sadd.s32 s19, s4;
	v2 =	vld [tilespmem:s31+$0x0]  }
0x176: {  	[tilespmem:s14+$0x6300] =	vst v0;
	v4 =	vld [tilespmem:s3+$0x0]  }
0x177: {  	[tilespmem:s9+$0x6300] =	vst v5;
	v0 =	vld [tilespmem:s21+$0x380]  }
0x178: {  	s17 =	sadd.s32 s22, s8;
	v5 =	vld [tilespmem:s16+$0x380]  }
0x179: {  	s6 =	sadd.s32 $0x0, s5;
	s5 =	sadd.s32 s11, s8;
	v10 =	vld [tilespmem:s17+$0x0];
	s21 =	simm.s32 $0x1880  }
0x17a: {  	v7 =	vld [tilespmem:s5+$0x0];
	s2 =	sor.u32 s12, s21  }
0x17b: {  	s16 =	sadd.s32 s10, s8;
	v56 =	vld [tilespmem:s2+$0x0]  }
0x17c: {  	s31 =	simm.s32 $0x1900;
	s8 =	simm.s32 $0x40;
	s4 =	sadd.s32 s12, s6;
	v8 =	vld [tilespmem:s16+$0x0]  }
0x17d: {  	s17 =	simm.s32 $0x0;
	s3 =	sor.u32 s20, s31;
	s16 =	simm.s32 $0x40;
	v1 =	vld [tilespmem:s4+$0x0]  }
0x17e: {  	v58 =	vld [tilespmem:s3+$0x0];
	[smem:$0x7E0] =	sst s8;
	s0 =	sor.u32 s17, s16  }
0x17f: {  	s5 =	sor.u32 $0x380, s0;
	v62 =	vld [tilespmem:s14+$0x380]  }
0x180: {  	v61 =	vld [tilespmem:s5+$0x0];
	v13 =	vadd.f32 v57, v56  }
0x181: {  	v63 =	vld [tilespmem:s9+$0x380]  }
0x182: {  	v11 =	vadd.f32 v55, v11;
	v1 =	vadd.f32 v1, v13  }
0x183: {  	s18 =	simm.s32 $0x1900;
	v21 =	vadd.f32 v59, v58  }
0x184: {  	s17 =	sor.u32 s29, s31;
	s0 =	smov.u32 s25;
	v20 =	vld [tilespmem:s25+$0x100];
	s25 =	rddreg [dreg:$0x13];
	v0 =	vadd.f32 v0, v62;
	[tilespmem:s2+$0x6000] =	vst v1;
	v1 =	vadd.f32 v9, v11  }
0x185: {  	s18 =	sor.u32 s19, s18;
	v60 =	vld [tilespmem:s17+$0x0];
	v6 =	vadd.f32 v6, v61;
	v3 =	vadd.f32 v3, v21  }
0x186: {  	s21 =	simm.s32 $0x1900;
	s8 =	rddreg [dreg:$0x17];
	v22 =	vld [tilespmem:s18+$0x0];
	v0 =	vadd.f32 v8, v0;
	[tilespmem:s1+$0x6000] =	vst v1;
	v1 =	vadd.f32 v5, v63  }
0x187: {  	v9 =	vld [tilespmem:s28+$0x100];
	s2 =	sor.u32 s12, s21;
	v6 =	vadd.f32 v7, v6;
	[tilespmem:s3+$0x6000] =	vst v3  }
0x188: {  	s21 =	sadd.s32 $0x0, s25;
	v11 =	vld [tilespmem:s2+$0x0];
	[tilespmem:s14+$0x6380] =	vst v0;
	v1 =	vadd.f32 v10, v1  }
0x189: {  	s25 =	sadd.s32 s12, s21;
	v5 =	vld [tilespmem:s15+$0x100];
	[tilespmem:s5+$0x6000] =	vst v6  }
0x18a: {  	v3 =	vld [tilespmem:s25+$0x0];
	v6 =	vadd.f32 v20, v60;
	s25 =	sadd.s32 $0x0, s8;
	s3 =	rddreg [dreg:$0x18];
	[tilespmem:s9+$0x6380] =	vst v1  }
0x18b: {  	s16 =	smov.u32 s28;
	s28 =	sadd.s32 s13, s25;
	[smem:$0x7E3] =	sst s3  }
0x18c: {  	v0 =	vadd.f32 v9, v22;
	v1 =	vadd.f32 v2, v6;
	v2 =	vld [tilespmem:s28+$0x0]  }
0x18d: {  	v7 =	vld [tilespmem:s23+$0x300]  }
0x18e: {  	v0 =	vadd.f32 v4, v0;
	s31 =	sld [smem:$0x7E1];
	[tilespmem:s17+$0x6000] =	vst v1;
	s17 =	simm.s32 $0x1B00;
	v9 =	vld [tilespmem:s7+$0x180]  }
0x18f: {  	v4 =	vadd.f32 v5, v11;
	s1 =	sor.u32 s13, s17;
	v11 =	vld [tilespmem:s0+$0x180]  }
0x190: {  	[tilespmem:s18+$0x6000] =	vst v0;
	v6 =	vld [tilespmem:s1+$0x0]  }
0x191: {  	s5 =	rddreg [dreg:$0x14];
	v3 =	vadd.f32 v3, v4;
	s3 =	sadd.s32 s20, s31;
	v26 =	vld [tilespmem:s16+$0x180]  }
0x192: {  	s14 =	sadd.s32 s11, s30;
	s18 =	sadd.s32 $0x0, s5;
	s8 =	sadd.s32 s29, s31;
	v1 =	vld [tilespmem:s3+$0x0]  }
0x193: {  	s9 =	sadd.s32 s19, s31;
	s28 =	sadd.s32 s12, s18;
	s31 =	simm.s32 $0x1980;
	[tilespmem:s2+$0x6000] =	vst v3;
	v3 =	vld [tilespmem:s14+$0x0]  }
0x194: {  	s5 =	smov.u32 s7;
	s7 =	simm.s32 $0x1800;
	s3 =	sor.u32 s20, s31;
	v5 =	vld [tilespmem:s28+$0x0]  }
0x195: {  	s14 =	smov.u32 s23;
	s23 =	sor.u32 s11, s7;
	v8 =	vld [tilespmem:s3+$0x0]  }
0x196: {  	v23 =	vld [tilespmem:s23+$0x0];
	s28 =	sadd.s32 s11, s26  }
0x197: {  	v24 =	vld [tilespmem:s28+$0x0]  }
0x198: {  	v0 =	vld [tilespmem:s8+$0x0]  }
0x199: {  	s4 =	simm.s32 $0x1980;
	v4 =	vld [tilespmem:s9+$0x0];
	s17 =	sor.u32 s29, s31  }
0x19a: {  	s31 =	sor.u32 s19, s4;
	v10 =	vld [tilespmem:s17+$0x0];
	v6 =	vadd.f32 v7, v6  }
0x19b: {  	s4 =	sor.u32 s10, s7;
	v25 =	vld [tilespmem:s31+$0x0];
	v8 =	vadd.f32 v9, v8  }
0x19c: {  	s8 =	simm.s32 $0x1980;
	v27 =	vld [tilespmem:s4+$0x0];
	v2 =	vadd.f32 v2, v6;
	v12 =	vadd.f32 v24, v23  }
0x19d: {  	s9 =	smov.u32 s0;
	s0 =	sor.u32 s12, s8;
	v29 =	vld [tilespmem:s15+$0x180];
	v1 =	vadd.f32 v1, v8  }
0x19e: {  	s7 =	sadd.s32 s10, s26;
	v28 =	vld [tilespmem:s0+$0x0];
	[tilespmem:s1+$0x6000] =	vst v2;
	v3 =	vadd.f32 v3, v12  }
0x19f: {  	s8 =	sadd.s32 s22, s26;
	s26 =	sadd.s32 s10, s30;
	v7 =	vld [tilespmem:s7+$0x0];
	v6 =	vadd.f32 v11, v10;
	[tilespmem:s3+$0x6000] =	vst v1  }
0x1a0: {  	s2 =	simm.s32 $0x1800;
	v11 =	vld [tilespmem:s26+$0x0];
	[tilespmem:s23+$0x6000] =	vst v3  }
0x1a1: {  	s2 =	sor.u32 s22, s2;
	v6 =	vadd.f32 v0, v6;
	v0 =	vld [tilespmem:s14+$0x380];
	v3 =	vadd.f32 v26, v25;
	s14 =	sld [smem:$0x7E2]  }
0x1a2: {  	v9 =	vld [tilespmem:s2+$0x0]  }
0x1a3: {  	v10 =	vld [tilespmem:s8+$0x0];
	s26 =	sadd.s32 s22, s30;
	v1 =	vadd.f32 v4, v3  }
0x1a4: {  	v2 =	vld [tilespmem:s26+$0x0];
	s1 =	rddreg [dreg:$0x15];
	[tilespmem:s17+$0x6000] =	vst v6;
	v4 =	vadd.f32 v7, v27;
	s23 =	sadd.s32 s20, s14  }
0x1a5: {  	s1 =	sadd.s32 $0x0, s1;
	s26 =	sadd.s32 s29, s14;
	[tilespmem:s31+$0x6000] =	vst v1;
	v3 =	vld [tilespmem:s23+$0x0]  }
0x1a6: {  	s31 =	sadd.s32 s19, s14;
	v4 =	vadd.f32 v11, v4;
	v1 =	vld [tilespmem:s26+$0x0];
	[smem:$0x7E4] =	sst s1  }
0x1a7: {  	s3 =	sadd.s32 s11, s6;
	v7 =	vld [tilespmem:s31+$0x0]  }
0x1a8: {  	v8 =	vadd.f32 v29, v28;
	[tilespmem:s4+$0x6000] =	vst v4;
	v4 =	vld [tilespmem:s3+$0x0]  }
0x1a9: {  	v11 =	vld [tilespmem:s5+$0x200]  }
0x1aa: {  	v5 =	vadd.f32 v5, v8;
	v31 =	vld [tilespmem:s9+$0x200]  }
0x1ab: {  	v33 =	vld [tilespmem:s28+$0x80]  }
0x1ac: {  	s1 =	sadd.s32 s12, s1;
	[tilespmem:s0+$0x6000] =	vst v5;
	v36 =	vld [tilespmem:s16+$0x200]  }
0x1ad: {  	v6 =	vadd.f32 v10, v9;
	s17 =	simm.s32 $0x1A00;
	v5 =	vld [tilespmem:s1+$0x0]  }
0x1ae: {  	s14 =	simm.s32 $0x1A00;
	s1 =	sor.u32 s12, s17;
	v10 =	vld [tilespmem:s15+$0x200]  }
0x1af: {  	v2 =	vadd.f32 v2, v6;
	s0 =	sor.u32 s20, s14;
	v9 =	vld [tilespmem:s1+$0x0]  }
0x1b0: {  	s23 =	simm.s32 $0x1880;
	s4 =	sadd.s32 s10, s6;
	v8 =	vld [tilespmem:s0+$0x0]  }
0x1b1: {  	[tilespmem:s2+$0x6000] =	vst v2;
	s3 =	sor.u32 s11, s23;
	v2 =	vld [tilespmem:s4+$0x0]  }
0x1b2: {  	s6 =	sadd.s32 s22, s6;
	v32 =	vld [tilespmem:s3+$0x0]  }
0x1b3: {  	s2 =	sor.u32 s29, s14;
	v6 =	vld [tilespmem:s6+$0x0]  }
0x1b4: {  	v30 =	vld [tilespmem:s2+$0x0];
	v9 =	vadd.f32 v10, v9  }
0x1b5: {  	s26 =	simm.s32 $0x1880;
	s6 =	sor.u32 s10, s23;
	v34 =	vld [tilespmem:s7+$0x80];
	v8 =	vadd.f32 v11, v8  }
0x1b6: {  	s31 =	rddreg [dreg:$0x16];
	s23 =	sor.u32 s22, s26;
	v10 =	vld [tilespmem:s6+$0x0];
	v5 =	vadd.f32 v5, v9  }
0x1b7: {  	s31 =	sadd.s32 $0x0, s31;
	v3 =	vadd.f32 v3, v8;
	v8 =	vadd.f32 v33, v32;
	v9 =	vld [tilespmem:s23+$0x0]  }
0x1b8: {  	s4 =	smov.u32 s5;
	s5 =	simm.s32 $0x1A00;
	s26 =	sadd.s32 s12, s31;
	[tilespmem:s1+$0x6000] =	vst v5;
	v5 =	vld [tilespmem:s8+$0x80]  }
0x1b9: {  	s14 =	simm.s32 $0x1A80;
	v4 =	vadd.f32 v4, v8;
	s1 =	sor.u32 s19, s5;
	v35 =	vld [tilespmem:s26+$0x0]  }
0x1ba: {  	s17 =	sor.u32 s12, s14;
	v12 =	vadd.f32 v31, v30;
	v11 =	vld [tilespmem:s1+$0x0]  }
0x1bb: {  	s26 =	smov.u32 s16;
	v37 =	vld [tilespmem:s17+$0x0];
	s16 =	simm.s32 $0x1A80;
	[tilespmem:s3+$0x6000] =	vst v4  }
0x1bc: {  	v1 =	vadd.f32 v1, v12;
	[tilespmem:s0+$0x6000] =	vst v3;
	v10 =	vadd.f32 v34, v10;
	s0 =	sor.u32 s20, s16;
	v39 =	vld [tilespmem:s28+$0x100]  }
0x1bd: {  	v8 =	vld [tilespmem:s0+$0x0]  }
0x1be: {  	[tilespmem:s2+$0x6000] =	vst v1;
	s2 =	sor.u32 s29, s16;
	v1 =	vadd.f32 v2, v10;
	v2 =	vld [tilespmem:s4+$0x280];
	v3 =	vadd.f32 v5, v9  }
0x1bf: {  	v4 =	vld [tilespmem:s2+$0x0]  }
0x1c0: {  	v5 =	vld [tilespmem:s15+$0x280];
	[tilespmem:s6+$0x6000] =	vst v1;
	s6 =	sadd.s32 s29, s24;
	v3 =	vadd.f32 v6, v3  }
0x1c1: {  	v1 =	vadd.f32 v36, v11;
	v9 =	vld [tilespmem:s6+$0x0]  }
0x1c2: {  	v41 =	vld [tilespmem:s7+$0x100];
	[tilespmem:s23+$0x6000] =	vst v3  }
0x1c3: {  	v7 =	vadd.f32 v7, v1;
	v3 =	vld [tilespmem:s9+$0x280];
	s23 =	sadd.s32 s20, s24;
	s5 =	sld [smem:$0x7E3]  }
0x1c4: {  	v6 =	vld [tilespmem:s23+$0x0]  }
0x1c5: {  	s6 =	sadd.s32 s19, s24;
	v5 =	vadd.f32 v5, v37;
	[tilespmem:s1+$0x6000] =	vst v7;
	v47 =	vld [tilespmem:s8+$0x100]  }
0x1c6: {  	v7 =	vld [tilespmem:s6+$0x0];
	s23 =	sadd.s32 $0x0, s5  }
0x1c7: {  	v2 =	vadd.f32 v2, v8;
	v10 =	vld [tilespmem:s26+$0x280];
	v5 =	vadd.f32 v35, v5;
	s16 =	sadd.s32 s13, s23  }
0x1c8: {  	s24 =	sadd.s32 s10, s21;
	v1 =	vld [tilespmem:s16+$0x0]  }
0x1c9: {  	s14 =	rddreg [dreg:$0x17];
	[tilespmem:s17+$0x6000] =	vst v5;
	v2 =	vadd.f32 v6, v2;
	v6 =	vld [tilespmem:s24+$0x0]  }
0x1ca: {  	s16 =	sadd.s32 $0x0, s14;
	s14 =	sadd.s32 s11, s21;
	v45 =	vld [tilespmem:s15+$0x300]  }
0x1cb: {  	v5 =	vld [tilespmem:s14+$0x0];
	s17 =	sadd.s32 s12, s16  }
0x1cc: {  	s1 =	sadd.s32 s22, s21;
	v3 =	vadd.f32 v3, v4;
	s21 =	simm.s32 $0x1900;
	v4 =	vld [tilespmem:s17+$0x0]  }
0x1cd: {  	s24 =	simm.s32 $0x1900;
	s3 =	sor.u32 s11, s21;
	[tilespmem:s0+$0x6000] =	vst v2;
	v2 =	vld [tilespmem:s1+$0x0]  }
0x1ce: {  	v3 =	vadd.f32 v9, v3;
	s24 =	sor.u32 s22, s24;
	v38 =	vld [tilespmem:s3+$0x0]  }
0x1cf: {  	s30 =	simm.s32 $0x1A80;
	s5 =	sadd.s32 s20, s25;
	v46 =	vld [tilespmem:s24+$0x0]  }
0x1d0: {  	s0 =	sor.u32 s19, s30;
	[tilespmem:s2+$0x6000] =	vst v3;
	v3 =	vld [tilespmem:s5+$0x0]  }
0x1d1: {  	v9 =	vld [tilespmem:s0+$0x0];
	s5 =	sor.u32 s10, s21  }
0x1d2: {  	v40 =	vld [tilespmem:s5+$0x0]  }
0x1d3: {  	s6 =	sadd.s32 s29, s25;
	s14 =	smov.u32 s25;
	s17 =	simm.s32 $0x1B00;
	v42 =	vld [tilespmem:s4+$0x300]  }
0x1d4: {  	s25 =	smov.u32 s26;
	s26 =	simm.s32 $0x1B00;
	s2 =	sor.u32 s20, s17;
	v8 =	vld [tilespmem:s6+$0x0];
	v12 =	vadd.f32 v39, v38  }
0x1d5: {  	v11 =	vld [tilespmem:s2+$0x0];
	s6 =	sor.u32 s29, s17;
	s17 =	sor.u32 s12, s26  }
0x1d6: {  	v44 =	vld [tilespmem:s17+$0x0];
	v5 =	vadd.f32 v5, v12  }
0x1d7: {  	s1 =	simm.s32 $0x1980;
	v43 =	vld [tilespmem:s6+$0x0];
	v14 =	vadd.f32 v41, v40  }
0x1d8: {  	[tilespmem:s3+$0x6000] =	vst v5;
	v5 =	vld [tilespmem:s9+$0x300];
	s3 =	sor.u32 s11, s1  }
0x1d9: {  	v9 =	vadd.f32 v10, v9;
	v6 =	vadd.f32 v6, v14;
	v48 =	vld [tilespmem:s3+$0x0]  }
0x1da: {  	s30 =	sadd.s32 s11, s18;
	v49 =	vld [tilespmem:s28+$0x180]  }
0x1db: {  	v7 =	vadd.f32 v7, v9;
	s21 =	rddreg [dreg:$0x18];
	v51 =	vld [tilespmem:s30+$0x0];
	[tilespmem:s5+$0x6000] =	vst v6;
	v6 =	vadd.f32 v45, v44;
	s5 =	sor.u32 s10, s1  }
0x1dc: {  	v12 =	vadd.f32 v47, v46;
	v50 =	vld [tilespmem:s5+$0x0]  }
0x1dd: {  	[tilespmem:s0+$0x6000] =	vst v7;
	v4 =	vadd.f32 v4, v6;
	v6 =	vld [tilespmem:s7+$0x180]  }
0x1de: {  	v10 =	vadd.f32 v42, v11;
	v2 =	vadd.f32 v2, v12;
	s30 =	sadd.s32 s10, s18;
	v54 =	vld [tilespmem:s25+$0x300]  }
0x1df: {  	s21 =	sadd.s32 $0x0, s21;
	v5 =	vadd.f32 v5, v43;
	[tilespmem:s17+$0x6000] =	vst v4;
	v4 =	vld [tilespmem:s30+$0x0]  }
0x1e0: {  	[tilespmem:s24+$0x6000] =	vst v2;
	v2 =	vadd.f32 v3, v10;
	s30 =	smov.u32 s7;
	s7 =	sadd.s32 s12, s21;
	v3 =	vadd.f32 v49, v48;
	v11 =	vld [tilespmem:s15+$0x380]  }
0x1e1: {  	s17 =	sadd.s32 s22, s18;
	v9 =	vld [tilespmem:s7+$0x0];
	v5 =	vadd.f32 v8, v5  }
0x1e2: {  	s1 =	simm.s32 $0x1980;
	[tilespmem:s2+$0x6000] =	vst v2;
	s18 =	sadd.s32 s19, s14;
	v7 =	vld [tilespmem:s17+$0x0];
	v3 =	vadd.f32 v51, v3;
	v6 =	vadd.f32 v6, v50  }
0x1e3: {  	s2 =	sor.u32 s22, s1;
	v2 =	vld [tilespmem:s18+$0x0];
	[tilespmem:s6+$0x6000] =	vst v5  }
0x1e4: {  	[tilespmem:s3+$0x6000] =	vst v3;
	v3 =	vld [tilespmem:s2+$0x0];
	v4 =	vadd.f32 v4, v6  }
0x1e5: {  	v6 =	vld [tilespmem:s9+$0x380]  }
0x1e6: {  	s7 =	sld [smem:$0x7E4];
	s9 =	simm.s32 $0x1B80;
	[tilespmem:s5+$0x6000] =	vst v4;
	v4 =	vld [tilespmem:s8+$0x180]  }
0x1e7: {  	v8 =	vld [tilespmem:s4+$0x380];
	s3 =	sor.u32 s13, s9  }
0x1e8: {  	s13 =	simm.s32 $0x1B00;
	s1 =	sor.u32 s20, s9;
	v52 =	vld [tilespmem:s3+$0x0]  }
0x1e9: {  	s14 =	simm.s32 $0x1A00;
	s5 =	sor.u32 s19, s13;
	v56 =	vld [tilespmem:s1+$0x0]  }
0x1ea: {  	s17 =	sor.u32 s10, s14;
	v53 =	vld [tilespmem:s5+$0x0]  }
0x1eb: {  	v57 =	vld [tilespmem:s17+$0x0];
	v3 =	vadd.f32 v4, v3  }
0x1ec: {  	s24 =	sadd.s32 s11, s7;
	v58 =	vld [tilespmem:s30+$0x200]  }
0x1ed: {  	s26 =	smov.u32 s28;
	s6 =	simm.s32 $0x1B80;
	s28 =	sadd.s32 s10, s7;
	v5 =	vld [tilespmem:s24+$0x0];
	v3 =	vadd.f32 v7, v3  }
0x1ee: {  	s15 =	simm.s32 $0x1A00;
	v10 =	vld [tilespmem:s28+$0x0];
	s28 =	sor.u32 s12, s6  }
0x1ef: {  	s0 =	sadd.s32 s20, s23;
	s15 =	sor.u32 s22, s15;
	s12 =	sor.u32 s11, s14;
	v55 =	vld [tilespmem:s28+$0x0];
	[tilespmem:s2+$0x6000] =	vst v3  }
0x1f0: {  	s14 =	sor.u32 s19, s9;
	s24 =	sadd.s32 s19, s23;
	v4 =	vld [tilespmem:s12+$0x0];
	s19 =	sld [smem:$0x7E5]  }
0x1f1: {  	s18 =	sor.u32 s29, s9;
	s20 =	simm.s32 $0x1A80;
	s4 =	sadd.s32 s22, s7;
	v7 =	vld [tilespmem:s26+$0x200]  }
0x1f2: {  	v3 =	vadd.f32 v54, v53;
	s2 =	sadd.s32 s29, s23;
	s23 =	smov.u32 s18;
	s29 =	sor.u32 s10, s20;
	v59 =	vld [tilespmem:s15+$0x0]  }
0x1f3: {  	v60 =	vld [tilespmem:s8+$0x200];
	[smem:$0x7E6] =	sst s29;
	s18 =	sshll.u32 s19, $0xB;
	s19 =	sor.u32 s22, s20  }
0x1f4: {  	s7 =	sor.u32 s11, s20;
	v2 =	vadd.f32 v2, v3;
	s20 =	sadd.s32 s11, s31;
	[smem:$0x7E7] =	sst s19  }
0x1f5: {  	v61 =	vld [tilespmem:s23+$0x0];
	[smem:$0x7E8] =	sst s20  }
0x1f6: {  	s29 =	sadd.s32 s10, s31;
	[tilespmem:s5+$0x6000] =	vst v2  }
0x1f7: {  	v0 =	vadd.f32 v0, v52;
	s31 =	sadd.s32 s22, s31;
	v62 =	vld [tilespmem:s4+$0x0];
	[smem:$0x7E9] =	sst s29  }
0x1f8: {  	s9 =	sadd.s32 s11, s16;
	v11 =	vadd.f32 v11, v55;
	[smem:$0x7EA] =	sst s31  }
0x1f9: {  	s13 =	sadd.s32 s10, s16;
	v0 =	vadd.f32 v1, v0;
	v1 =	vadd.f32 v7, v4;
	v2 =	vld [tilespmem:s25+$0x380];
	[smem:$0x7EB] =	sst s9  }
0x1fa: {  	v7 =	vadd.f32 v9, v11;
	v3 =	vld [tilespmem:s0+$0x0];
	[smem:$0x7EC] =	sst s13  }
0x1fb: {  	v63 =	vadd.f32 v5, v1;
	[tilespmem:s3+$0x6000] =	vst v0  }
0x1fc: {  	s16 =	sadd.s32 s22, s16;
	s5 =	simm.s32 $0x1B00;
	[tilespmem:s28+$0x6000] =	vst v7  }
0x1fd: {  	s4 =	sor.u32 s22, s6;
	s19 =	sor.u32 s11, s5;
	s25 =	sld [smem:$0x7FD];
	[tilespmem:s12+$0x6000] =	vst v63  }
0x1fe: {  	s20 =	sor.u32 s10, s5;
	s5 =	sor.u32 s22, s5;
	s29 =	sld [smem:$0x7ED]  }
0x1ff: {  	s9 =	sor.u32 s11, s6;
	s13 =	sor.u32 s10, s6;
	v4 =	vld [tilespmem:s2+$0x0];
	s31 =	sld [smem:$0x7EF]  }
0x200: {  	v9 =	vadd.f32 v58, v57;
	s6 =	sadd.s32 s11, s21;
	s11 =	smov.u32 s1;
	v5 =	vld [tilespmem:s24+$0x0];
	s28 =	sor.u32 s25, s18  }
0x201: {  	v11 =	vadd.f32 v60, v59;
	s1 =	simm.s32 $0x4;
	v1 =	vadd.f32 v6, v61;
	v6 =	vld [tilespmem:s14+$0x0];
	s0 =	sshll.u32 s29, $0x1;
	[smem:$0x7F0] =	sst s28  }
0x202: {  	s3 =	sadd.s32 s10, s21;
	v0 =	vadd.f32 v8, v56;
	[smem:$0x7EE] =	sst s0;
	s0 =	sor.u32 s31, s28  }
0x203: {  	s10 =	smov.u32 s14;
	s2 =	sadd.s32 s22, s21;
	v8 =	vadd.f32 v10, v9;
	v7 =	vadd.f32 v62, v11;
	[smem:$0x7F1] =	sst s0  }
.LBB2_3:
0x204: {  	[smem:$0x7C0] =	sst s19  }
0x205: {  	[smem:$0x7C3] =	sst s20  }
0x206: {  	[smem:$0x7C4] =	sst s30  }
0x207: {  	[smem:$0x7CA] =	sst s5  }
0x208: {  	s25 =	sld [smem:$0x7E0]  }
0x209: {  	[smem:$0x7D2] =	sst s16  }
0x20a: {  	s31 =	sld [smem:$0x7E6]  }
0x20b: {  	[smem:$0x7BF] =	sst s7;
	v9 =	vld [tilespmem:s7+$0x0];
	s1 =	sadd.s32 $0x4, s1;
	s7 =	sadd.s32 $0x40, s25  }
0x20c: {  	[smem:$0x7DA] =	sst s3;
	[tilespmem:s17+$0x6000] =	vst v8;
	v8 =	vld [tilespmem:s26+$0x280];
	s28 =	sshrl.u32 s1, $0x3;
	s5 =	sand.u32 $0x40, s7  }
0x20d: {  	s0 =	rddreg [dreg:$0x7];
	v2 =	vadd.f32 v2, v6;
	s16 =	sshll.u32 s28, $0xA;
	v6 =	vld [tilespmem:s31+$0x0];
	s3 =	sor.u32 $0x30, s5  }
0x20e: {  	[smem:$0x7DB] =	sst s2;
	v0 =	vadd.f32 v3, v0;
	v3 =	vld [tilespmem:s30+$0x280];
	s0 =	sadd.s32 s16, s0;
	s21 =	sor.u32 s16, s3  }
0x20f: {  	s29 =	rddreg [dreg:$0x8];
	v1 =	vadd.f32 v4, v1;
	s14 =	sshll.u32 s28, $0x9;
	s22 =	sadd.s32 s3, s0;
	v4 =	vld [tilespmem:s21+$0x0]  }
0x210: {  	[smem:$0x7DC] =	sst s1;
	s2 =	sadd.s32 s14, s29;
	[tilespmem:s11+$0x6000] =	vst v0;
	v0 =	vadd.f32 v5, v2;
	s30 =	sadd.s32 s5, s0;
	v2 =	vld [tilespmem:s22+$0x0]  }
0x211: {  	[tilespmem:s15+$0x6000] =	vst v7;
	p2 =	slt.u32 s1, $0x2C;
	s19 =	sor.u32 $0x10, s5;
	s1 =	sadd.s32 s3, s2;
	v5 =	vld [tilespmem:s30+$0x0]  }
0x212: {  	[smem:$0x7E6] =	sst s31;
	s20 =	sor.u32 $0x20, s5;
	s31 =	sadd.s32 s19, s0;
	[tilespmem:s23+$0x6000] =	vst v1;
	v7 =	vld [tilespmem:s1+$0x0]  }
0x213: {  	s17 =	sadd.s32 s20, s0;
	v1 =	vadd.f32 v8, v9;
	v8 =	vld [tilespmem:s31+$0x0];
	[tilespmem:s10+$0x6000] =	vst v0  }
0x214: {  	s24 =	sor.u32 s5, s16;
	v0 =	vadd.f32 v3, v6;
	v3 =	vld [tilespmem:s17+$0x0]  }
0x215: {  	s15 =	sor.u32 s16, s19;
	v6 =	vld [tilespmem:s24+$0x0];
	v2 =	vadd.f32 v2, v4  }
0x216: {  	[smem:$0x7BE] =	sst s8;
	s10 =	sor.u32 s16, s20;
	v4 =	vld [tilespmem:s15+$0x0]  }
0x217: {  	[smem:$0x7D9] =	sst s6;
	s6 =	sadd.s32 s5, s2;
	v9 =	vld [tilespmem:s10+$0x0];
	v2 =	vadd.f32 v7, v2  }
0x218: {  	[smem:$0x7E0] =	sst s7;
	s7 =	sor.u32 s16, s7;
	v7 =	vld [tilespmem:s6+$0x0]  }
0x219: {  	s18 =	rddreg [dreg:$0x9];
	s0 =	sor.u32 $0x380, s7;
	[tilespmem:s21+$0x6000] =	vst v2;
	v2 =	vld [tilespmem:s21+$0x80]  }
0x21a: {  	s8 =	sadd.s32 s19, s2;
	[smem:$0x7BB] =	sst s0;
	s0 =	sadd.s32 s14, s18;
	v5 =	vadd.f32 v5, v6;
	v6 =	vld [tilespmem:s22+$0x80]  }
0x21b: {  	[smem:$0x7C1] =	sst s26;
	s26 =	sadd.s32 s3, s0;
	v4 =	vadd.f32 v8, v4;
	v8 =	vld [tilespmem:s8+$0x0]  }
0x21c: {  	s2 =	sadd.s32 s20, s2;
	v3 =	vadd.f32 v3, v9;
	v9 =	vld [tilespmem:s26+$0x0]  }
0x21d: {  	v5 =	vadd.f32 v7, v5;
	v7 =	vld [tilespmem:s2+$0x0]  }
0x21e: {  	v10 =	vld [tilespmem:s24+$0x80]  }
0x21f: {  	[tilespmem:s24+$0x6000] =	vst v5;
	v5 =	vld [tilespmem:s15+$0x80];
	v2 =	vadd.f32 v6, v2  }
0x220: {  	v6 =	vld [tilespmem:s30+$0x80];
	v4 =	vadd.f32 v8, v4  }
0x221: {  	s23 =	sadd.s32 s5, s0;
	v8 =	vld [tilespmem:s10+$0x80];
	v2 =	vadd.f32 v9, v2  }
0x222: {  	v9 =	vld [tilespmem:s23+$0x0];
	[tilespmem:s15+$0x6000] =	vst v4;
	v3 =	vadd.f32 v7, v3  }
0x223: {  	s28 =	rddreg [dreg:$0xa];
	[tilespmem:s21+$0x6080] =	vst v2;
	v2 =	vld [tilespmem:s21+$0x100]  }
0x224: {  	s2 =	sadd.s32 s14, s28;
	[tilespmem:s10+$0x6000] =	vst v3;
	v3 =	vld [tilespmem:s22+$0x100]  }
0x225: {  	s11 =	smov.u32 s9;
	s9 =	sadd.s32 s3, s2;
	v4 =	vadd.f32 v6, v10;
	v6 =	vld [tilespmem:s31+$0x80]  }
0x226: {  	v7 =	vld [tilespmem:s9+$0x0]  }
0x227: {  	s25 =	sadd.s32 s19, s0;
	v4 =	vadd.f32 v9, v4;
	v9 =	vld [tilespmem:s17+$0x80]  }
0x228: {  	s0 =	sadd.s32 s20, s0;
	v10 =	vld [tilespmem:s25+$0x0]  }
0x229: {  	[tilespmem:s24+$0x6080] =	vst v4;
	v4 =	vld [tilespmem:s0+$0x0];
	v2 =	vadd.f32 v3, v2  }
0x22a: {  	v3 =	vld [tilespmem:s30+$0x100]  }
0x22b: {  	v5 =	vadd.f32 v6, v5;
	v6 =	vld [tilespmem:s24+$0x100];
	v2 =	vadd.f32 v7, v2  }
0x22c: {  	[smem:$0x7CD] =	sst s11;
	v7 =	vld [tilespmem:s15+$0x100];
	v8 =	vadd.f32 v9, v8  }
0x22d: {  	s11 =	rddreg [dreg:$0xb];
	[tilespmem:s21+$0x6100] =	vst v2;
	v2 =	vld [tilespmem:s21+$0x180]  }
0x22e: {  	s29 =	sadd.s32 s5, s2;
	s0 =	sadd.s32 s14, s11;
	v4 =	vadd.f32 v4, v8;
	v8 =	vld [tilespmem:s22+$0x180]  }
0x22f: {  	s18 =	sadd.s32 s3, s0;
	v5 =	vadd.f32 v10, v5;
	v10 =	vld [tilespmem:s29+$0x0]  }
0x230: {  	[tilespmem:s10+$0x6080] =	vst v4;
	v4 =	vld [tilespmem:s18+$0x0]  }
0x231: {  	[tilespmem:s15+$0x6080] =	vst v5;
	v5 =	vld [tilespmem:s10+$0x100]  }
0x232: {  	v9 =	vld [tilespmem:s17+$0x100]  }
0x233: {  	s1 =	sadd.s32 s19, s2;
	s2 =	sadd.s32 s20, s2;
	v3 =	vadd.f32 v3, v6;
	v6 =	vld [tilespmem:s31+$0x100];
	v2 =	vadd.f32 v8, v2  }
0x234: {  	v11 =	vld [tilespmem:s2+$0x0]  }
0x235: {  	v8 =	vld [tilespmem:s1+$0x0];
	v2 =	vadd.f32 v4, v2  }
0x236: {  	v3 =	vadd.f32 v10, v3;
	v4 =	vld [tilespmem:s24+$0x180]  }
0x237: {  	s25 =	rddreg [dreg:$0xc];
	v5 =	vadd.f32 v9, v5;
	[tilespmem:s21+$0x6180] =	vst v2;
	v2 =	vld [tilespmem:s21+$0x200]  }
0x238: {  	s26 =	sadd.s32 s14, s25;
	[tilespmem:s24+$0x6100] =	vst v3;
	v6 =	vadd.f32 v6, v7;
	v7 =	vld [tilespmem:s22+$0x200]  }
0x239: {  	s29 =	sadd.s32 s3, s26;
	v9 =	vld [tilespmem:s30+$0x180];
	v3 =	vadd.f32 v11, v5  }
0x23a: {  	v6 =	vadd.f32 v8, v6;
	v5 =	vld [tilespmem:s29+$0x0]  }
0x23b: {  	v8 =	vld [tilespmem:s15+$0x180];
	[tilespmem:s10+$0x6100] =	vst v3  }
0x23c: {  	[tilespmem:s15+$0x6100] =	vst v6;
	v3 =	vld [tilespmem:s17+$0x180]  }
0x23d: {  	s12 =	smov.u32 s13;
	v6 =	vld [tilespmem:s31+$0x180];
	v2 =	vadd.f32 v7, v2  }
0x23e: {  	s13 =	smov.u32 s4;
	[smem:$0x7D3] =	sst s12;
	s12 =	sadd.s32 s5, s0;
	v7 =	vld [tilespmem:s10+$0x180]  }
0x23f: {  	[smem:$0x7D5] =	sst s13;
	s13 =	sadd.s32 s19, s0;
	v10 =	vld [tilespmem:s12+$0x0];
	v2 =	vadd.f32 v5, v2  }
0x240: {  	v5 =	vld [tilespmem:s13+$0x0]  }
0x241: {  	s8 =	rddreg [dreg:$0xd];
	[tilespmem:s21+$0x6200] =	vst v2;
	v2 =	vld [tilespmem:s21+$0x280]  }
0x242: {  	s23 =	sadd.s32 s20, s0;
	s12 =	sadd.s32 s14, s8;
	v4 =	vadd.f32 v9, v4;
	v6 =	vadd.f32 v6, v8;
	v8 =	vld [tilespmem:s22+$0x280]  }
0x243: {  	s13 =	sadd.s32 s3, s12;
	v3 =	vadd.f32 v3, v7;
	v7 =	vld [tilespmem:s23+$0x0]  }
0x244: {  	v4 =	vadd.f32 v10, v4;
	v9 =	vld [tilespmem:s13+$0x0]  }
0x245: {  	v10 =	vld [tilespmem:s24+$0x200];
	v5 =	vadd.f32 v5, v6  }
0x246: {  	[tilespmem:s24+$0x6180] =	vst v4;
	v4 =	vld [tilespmem:s15+$0x200]  }
0x247: {  	v6 =	vld [tilespmem:s30+$0x200];
	[tilespmem:s15+$0x6180] =	vst v5;
	v2 =	vadd.f32 v8, v2  }
0x248: {  	v5 =	vld [tilespmem:s31+$0x200]  }
0x249: {  	s28 =	sadd.s32 s5, s26;
	v3 =	vadd.f32 v7, v3;
	v7 =	vld [tilespmem:s10+$0x200];
	v2 =	vadd.f32 v9, v2  }
0x24a: {  	v8 =	vld [tilespmem:s28+$0x0]  }
0x24b: {  	s18 =	rddreg [dreg:$0xe];
	[tilespmem:s21+$0x6280] =	vst v2;
	v2 =	vld [tilespmem:s21+$0x300]  }
0x24c: {  	s23 =	sadd.s32 s14, s18;
	[tilespmem:s10+$0x6180] =	vst v3;
	v3 =	vadd.f32 v6, v10;
	v6 =	vld [tilespmem:s22+$0x300]  }
0x24d: {  	s25 =	sadd.s32 s3, s23;
	v4 =	vadd.f32 v5, v4;
	v5 =	vld [tilespmem:s17+$0x200]  }
0x24e: {  	s0 =	sadd.s32 s19, s26;
	v9 =	vld [tilespmem:s25+$0x0]  }
0x24f: {  	s1 =	sadd.s32 s20, s26;
	v3 =	vadd.f32 v8, v3;
	v8 =	vld [tilespmem:s0+$0x0]  }
0x250: {  	v10 =	vld [tilespmem:s1+$0x0]  }
0x251: {  	[tilespmem:s24+$0x6200] =	vst v3;
	v3 =	vld [tilespmem:s24+$0x280];
	v2 =	vadd.f32 v6, v2  }
0x252: {  	v6 =	vld [tilespmem:s30+$0x280]  }
0x253: {  	v5 =	vadd.f32 v5, v7;
	v7 =	vld [tilespmem:s15+$0x280];
	v2 =	vadd.f32 v9, v2  }
0x254: {  	v4 =	vadd.f32 v8, v4;
	v8 =	vld [tilespmem:s10+$0x280]  }
0x255: {  	s26 =	rddreg [dreg:$0xf];
	[tilespmem:s21+$0x6300] =	vst v2;
	v2 =	vld [tilespmem:s21+$0x380]  }
0x256: {  	s0 =	sadd.s32 s14, s26;
	v5 =	vadd.f32 v10, v5;
	[tilespmem:s15+$0x6200] =	vst v4;
	v4 =	vld [tilespmem:s22+$0x380]  }
0x257: {  	s1 =	sadd.s32 s3, s0;
	v3 =	vadd.f32 v6, v3;
	v6 =	vld [tilespmem:s31+$0x280]  }
0x258: {  	[tilespmem:s10+$0x6200] =	vst v5;
	v5 =	vld [tilespmem:s1+$0x0]  }
0x259: {  	s7 =	sadd.s32 s5, s12;
	v9 =	vld [tilespmem:s17+$0x280]  }
0x25a: {  	s2 =	sadd.s32 s19, s12;
	v10 =	vld [tilespmem:s7+$0x0]  }
0x25b: {  	s8 =	sadd.s32 s20, s12;
	v11 =	vld [tilespmem:s2+$0x0];
	v2 =	vadd.f32 v4, v2  }
0x25c: {  	v4 =	vadd.f32 v6, v7;
	v6 =	vld [tilespmem:s8+$0x0]  }
0x25d: {  	s4 =	rddreg [dreg:$0x10];
	v7 =	vld [tilespmem:s24+$0x300];
	v2 =	vadd.f32 v5, v2  }
0x25e: {  	s12 =	sadd.s32 s5, s23;
	s28 =	sadd.s32 s19, s0;
	s7 =	sadd.s32 $0x1800, s16;
	v8 =	vadd.f32 v9, v8;
	v9 =	vld [tilespmem:s10+$0x300]  }
0x25f: {  	s25 =	sadd.s32 s16, s4;
	[smem:$0x7BC] =	sst s28;
	s28 =	sor.u32 s3, s7;
	v3 =	vadd.f32 v10, v3;
	v5 =	vld [tilespmem:s15+$0x300];
	[tilespmem:s21+$0x6380] =	vst v2  }
0x260: {  	s6 =	sadd.s32 s19, s23;
	s26 =	sadd.s32 s3, s25;
	s22 =	rddreg [dreg:$0x11];
	v2 =	vadd.f32 v11, v4;
	v4 =	vld [tilespmem:s28+$0x0]  }
0x261: {  	s13 =	sadd.s32 s20, s23;
	s23 =	sadd.s32 s5, s25;
	s11 =	sadd.s32 s14, s22;
	[tilespmem:s24+$0x6280] =	vst v3;
	v3 =	vadd.f32 v6, v8;
	v6 =	vld [tilespmem:s26+$0x0]  }
0x262: {  	s22 =	sadd.s32 s20, s25;
	s21 =	sadd.s32 s19, s25;
	s25 =	sadd.s32 s3, s11;
	v8 =	vld [tilespmem:s30+$0x300]  }
0x263: {  	[tilespmem:s15+$0x6280] =	vst v2;
	v2 =	vld [tilespmem:s25+$0x0]  }
0x264: {  	v11 =	vld [tilespmem:s12+$0x0]  }
0x265: {  	[tilespmem:s10+$0x6280] =	vst v3;
	v3 =	vld [tilespmem:s31+$0x300]  }
0x266: {  	v10 =	vld [tilespmem:s17+$0x300];
	v4 =	vadd.f32 v6, v4  }
0x267: {  	v6 =	vadd.f32 v8, v7;
	v7 =	vld [tilespmem:s6+$0x0]  }
0x268: {  	s4 =	rddreg [dreg:$0x12];
	s29 =	sadd.s32 s5, s0;
	s0 =	sadd.s32 s20, s0;
	v8 =	vld [tilespmem:s13+$0x0];
	v2 =	vadd.f32 v2, v4  }
0x269: {  	[smem:$0x7BD] =	sst s0;
	s0 =	sadd.s32 $0x1880, s16  }
0x26a: {  	s1 =	sor.u32 s3, s0;
	s12 =	sadd.s32 s14, s4;
	s4 =	sld [smem:$0x7E7];
	v3 =	vadd.f32 v3, v5;
	[tilespmem:s28+$0x6000] =	vst v2  }
0x26b: {  	v5 =	vadd.f32 v10, v9;
	v2 =	vadd.f32 v11, v6;
	v6 =	vld [tilespmem:s1+$0x0]  }
0x26c: {  	s25 =	sor.u32 s5, s0;
	v3 =	vadd.f32 v7, v3;
	v7 =	vld [tilespmem:s26+$0x80]  }
0x26d: {  	s13 =	sor.u32 s19, s0;
	s6 =	sor.u32 s20, s0;
	s0 =	sadd.s32 s3, s12;
	[tilespmem:s24+$0x6300] =	vst v2;
	v2 =	vadd.f32 v8, v5;
	v5 =	vld [tilespmem:s4+$0x0]  }
0x26e: {  	[tilespmem:s15+$0x6300] =	vst v3;
	v3 =	vld [tilespmem:s0+$0x0]  }
0x26f: {  	v11 =	vld [tilespmem:s29+$0x0]  }
0x270: {  	s0 =	sld [smem:$0x7BB];
	[tilespmem:s10+$0x6300] =	vst v2;
	v2 =	vld [tilespmem:s30+$0x380]  }
0x271: {  	s24 =	sadd.s32 s19, s12;
	v10 =	vld [tilespmem:s31+$0x380]  }
0x272: {  	[smem:$0x7C2] =	sst s24;
	v6 =	vadd.f32 v7, v6;
	v7 =	vld [tilespmem:s17+$0x380];
	s17 =	sadd.s32 $0x1900, s16  }
0x273: {  	s31 =	sld [smem:$0x7BC];
	v8 =	vld [tilespmem:s0+$0x0];
	s29 =	sor.u32 s19, s17  }
0x274: {  	[smem:$0x7C5] =	sst s29  }
0x275: {  	v9 =	vld [tilespmem:s10+$0x380];
	s29 =	sld [smem:$0x7BD]  }
0x276: {  	v4 =	vld [tilespmem:s15+$0x380];
	s24 =	rddreg [dreg:$0x13]  }
0x277: {  	s30 =	sld [smem:$0x7BE];
	v3 =	vadd.f32 v3, v6;
	v6 =	vld [tilespmem:s31+$0x0]  }
0x278: {  	s31 =	sor.u32 s5, s17;
	v2 =	vadd.f32 v2, v8;
	v8 =	vld [tilespmem:s29+$0x0];
	s29 =	sor.u32 s3, s17;
	s17 =	sor.u32 s20, s17  }
0x279: {  	[tilespmem:s1+$0x6000] =	vst v3;
	[smem:$0x7C6] =	sst s17;
	s17 =	sadd.s32 s14, s24  }
0x27a: {  	s1 =	sld [smem:$0x7E8];
	v7 =	vadd.f32 v7, v9;
	v9 =	vld [tilespmem:s26+$0x100];
	s24 =	sadd.s32 s5, s17  }
0x27b: {  	v3 =	vadd.f32 v10, v4;
	v4 =	vld [tilespmem:s29+$0x0];
	v2 =	vadd.f32 v11, v2;
	[smem:$0x7C7] =	sst s24;
	s24 =	sadd.s32 s19, s17  }
0x27c: {  	v10 =	vld [tilespmem:s30+$0x280];
	[smem:$0x7C8] =	sst s24;
	s24 =	sadd.s32 s3, s17  }
0x27d: {  	v3 =	vadd.f32 v6, v3;
	[tilespmem:s0+$0x6000] =	vst v2;
	v6 =	vld [tilespmem:s24+$0x0]  }
0x27e: {  	s18 =	sor.u32 s5, s7;
	v2 =	vadd.f32 v8, v7;
	v7 =	vld [tilespmem:s1+$0x0]  }
0x27f: {  	[tilespmem:s15+$0x6380] =	vst v3;
	v8 =	vld [tilespmem:s18+$0x0]  }
0x280: {  	s9 =	sor.u32 s19, s7;
	v3 =	vld [tilespmem:s23+$0x0];
	[tilespmem:s10+$0x6380] =	vst v2;
	v2 =	vadd.f32 v9, v4  }
0x281: {  	s7 =	sor.u32 s20, s7;
	s24 =	sadd.s32 $0x1980, s16;
	v4 =	vld [tilespmem:s9+$0x0]  }
0x282: {  	s17 =	sadd.s32 s20, s17;
	s1 =	sor.u32 s5, s24;
	s0 =	sor.u32 s3, s24;
	v9 =	vld [tilespmem:s21+$0x0];
	v2 =	vadd.f32 v6, v2  }
0x283: {  	s15 =	sor.u32 s20, s24;
	s10 =	sor.u32 s19, s24;
	s24 =	sld [smem:$0x7BF];
	v6 =	vld [tilespmem:s7+$0x0]  }
0x284: {  	[smem:$0x7C9] =	sst s17;
	v1 =	vadd.f32 v7, v1;
	v7 =	vld [tilespmem:s22+$0x0];
	[tilespmem:s29+$0x6000] =	vst v2  }
0x285: {  	s17 =	rddreg [dreg:$0x14];
	v2 =	vadd.f32 v3, v8;
	v3 =	vld [tilespmem:s0+$0x0]  }
0x286: {  	s2 =	sadd.s32 s5, s11;
	[tilespmem:s24+$0x6000] =	vst v1;
	s29 =	sadd.s32 s14, s17;
	v1 =	vld [tilespmem:s26+$0x180]  }
0x287: {  	s8 =	sadd.s32 s19, s11;
	[smem:$0x7CC] =	sst s10;
	v8 =	vld [tilespmem:s2+$0x0];
	s10 =	sadd.s32 s5, s29  }
0x288: {  	v5 =	vadd.f32 v10, v5;
	v10 =	vld [tilespmem:s8+$0x0];
	s24 =	sadd.s32 s3, s29;
	[smem:$0x7CF] =	sst s10  }
0x289: {  	s11 =	sadd.s32 s20, s11;
	v4 =	vadd.f32 v9, v4;
	v9 =	vld [tilespmem:s24+$0x0];
	s10 =	sld [smem:$0x7E9]  }
0x28a: {  	v6 =	vadd.f32 v7, v6;
	v7 =	vld [tilespmem:s11+$0x0];
	s11 =	sld [smem:$0x7EA]  }
0x28b: {  	s24 =	sld [smem:$0x7C0]  }
0x28c: {  	v1 =	vadd.f32 v1, v3;
	v3 =	vld [tilespmem:s10+$0x0];
	v2 =	vadd.f32 v8, v2;
	s10 =	sld [smem:$0x7C1]  }
0x28d: {  	v8 =	vld [tilespmem:s11+$0x0]  }
0x28e: {  	[smem:$0x7CB] =	sst s1;
	v1 =	vadd.f32 v9, v1;
	v9 =	vld [tilespmem:s24+$0x0];
	[tilespmem:s18+$0x6000] =	vst v2  }
0x28f: {  	[smem:$0x7CE] =	sst s15;
	s15 =	sadd.s32 $0x1A00, s16;
	v2 =	vadd.f32 v10, v4;
	v4 =	vld [tilespmem:s10+$0x300]  }
0x290: {  	s1 =	sld [smem:$0x7E6];
	v10 =	vld [tilespmem:s25+$0x0];
	[tilespmem:s0+$0x6000] =	vst v1;
	s0 =	sor.u32 s3, s15  }
0x291: {  	s18 =	rddreg [dreg:$0x15];
	v6 =	vadd.f32 v7, v6;
	v1 =	vld [tilespmem:s0+$0x0]  }
0x292: {  	s11 =	sadd.s32 s14, s18;
	[tilespmem:s9+$0x6000] =	vst v2;
	v0 =	vadd.f32 v3, v0;
	v2 =	vld [tilespmem:s26+$0x200]  }
0x293: {  	s17 =	sadd.s32 s19, s29;
	s29 =	sadd.s32 s20, s29;
	[tilespmem:s7+$0x6000] =	vst v6;
	s8 =	sadd.s32 s3, s11;
	v3 =	vadd.f32 v8, v5;
	v5 =	vld [tilespmem:s23+$0x80]  }
0x294: {  	[smem:$0x7D1] =	sst s29;
	s29 =	sor.u32 s5, s15;
	v6 =	vld [tilespmem:s8+$0x0];
	[tilespmem:s1+$0x6000] =	vst v0  }
0x295: {  	[smem:$0x7D4] =	sst s29;
	[tilespmem:s4+$0x6000] =	vst v3;
	v3 =	vld [tilespmem:s13+$0x0]  }
0x296: {  	s18 =	sadd.s32 s5, s11;
	s9 =	rddreg [dreg:$0x16];
	v0 =	vadd.f32 v4, v9;
	v4 =	vld [tilespmem:s21+$0x80]  }
0x297: {  	s29 =	sadd.s32 s19, s11;
	s7 =	sadd.s32 s20, s11;
	s11 =	sld [smem:$0x7C2];
	v7 =	vld [tilespmem:s6+$0x0];
	v1 =	vadd.f32 v2, v1  }
0x298: {  	s28 =	sadd.s32 s5, s12;
	[smem:$0x7D6] =	sst s18;
	v2 =	vadd.f32 v5, v10;
	v5 =	vld [tilespmem:s22+$0x80]  }
0x299: {  	[smem:$0x7D7] =	sst s29;
	v8 =	vld [tilespmem:s28+$0x0];
	v1 =	vadd.f32 v6, v1  }
0x29a: {  	s12 =	sadd.s32 s20, s12;
	[smem:$0x7D8] =	sst s7;
	s8 =	sadd.s32 $0x1A80, s16;
	v6 =	vld [tilespmem:s11+$0x0]  }
0x29b: {  	s29 =	sld [smem:$0x7C3];
	s18 =	sor.u32 s19, s8;
	s28 =	sor.u32 s3, s8;
	v3 =	vadd.f32 v4, v3;
	v4 =	vld [tilespmem:s12+$0x0];
	[tilespmem:s0+$0x6000] =	vst v1  }
0x29c: {  	[smem:$0x7E6] =	sst s18;
	v1 =	vld [tilespmem:s28+$0x0]  }
0x29d: {  	s9 =	sadd.s32 s14, s9;
	s18 =	sld [smem:$0x7C4];
	v5 =	vadd.f32 v5, v7;
	v7 =	vld [tilespmem:s26+$0x280]  }
0x29e: {  	s7 =	sor.u32 s5, s8;
	s2 =	sor.u32 s20, s8;
	s8 =	sadd.s32 s3, s9;
	v2 =	vadd.f32 v8, v2;
	v8 =	vld [tilespmem:s29+$0x0]  }
0x29f: {  	v3 =	vadd.f32 v6, v3;
	v6 =	vld [tilespmem:s8+$0x0]  }
0x2a0: {  	s4 =	sld [smem:$0x7C5];
	[tilespmem:s25+$0x6000] =	vst v2;
	v2 =	vadd.f32 v4, v5;
	v4 =	vld [tilespmem:s18+$0x300]  }
0x2a1: {  	v5 =	vld [tilespmem:s31+$0x0]  }
0x2a2: {  	s1 =	sld [smem:$0x7C6];
	[tilespmem:s13+$0x6000] =	vst v3;
	v3 =	vld [tilespmem:s23+$0x100];
	v1 =	vadd.f32 v7, v1  }
0x2a3: {  	[smem:$0x7E7] =	sst s2;
	s2 =	sadd.s32 s20, s9;
	[tilespmem:s6+$0x6000] =	vst v2;
	v2 =	vld [tilespmem:s4+$0x0]  }
0x2a4: {  	[smem:$0x7EA] =	sst s2;
	s12 =	sadd.s32 s19, s9;
	v7 =	vld [tilespmem:s21+$0x100];
	v1 =	vadd.f32 v6, v1  }
0x2a5: {  	[smem:$0x7E9] =	sst s12;
	s13 =	sadd.s32 $0x1B00, s16;
	v6 =	vld [tilespmem:s1+$0x0]  }
0x2a6: {  	s25 =	rddreg [dreg:$0x17];
	s12 =	sor.u32 s3, s13;
	v4 =	vadd.f32 v4, v8;
	v8 =	vld [tilespmem:s22+$0x100];
	[tilespmem:s28+$0x6000] =	vst v1  }
0x2a7: {  	s11 =	sadd.s32 s5, s9;
	s2 =	sadd.s32 s14, s25;
	v1 =	vadd.f32 v3, v5;
	s28 =	sld [smem:$0x7C7];
	v3 =	vld [tilespmem:s12+$0x0]  }
0x2a8: {  	[smem:$0x7E8] =	sst s11;
	s9 =	smov.u32 s31;
	s31 =	sadd.s32 s3, s2;
	v5 =	vld [tilespmem:s26+$0x300]  }
0x2a9: {  	v2 =	vadd.f32 v7, v2;
	v7 =	vld [tilespmem:s31+$0x0];
	s31 =	sld [smem:$0x7C9]  }
0x2aa: {  	s25 =	sadd.s32 s19, s2;
	v9 =	vld [tilespmem:s28+$0x0];
	s28 =	sld [smem:$0x7C8]  }
0x2ab: {  	s8 =	sadd.s32 s20, s2;
	s11 =	sor.u32 s5, s13;
	s6 =	sor.u32 s19, s13  }
0x2ac: {  	s0 =	sor.u32 s20, s13;
	s13 =	sadd.s32 s5, s2;
	s2 =	sld [smem:$0x7EB];
	v6 =	vadd.f32 v8, v6;
	v8 =	vld [tilespmem:s31+$0x0]  }
0x2ad: {  	s31 =	sld [smem:$0x7CA];
	v10 =	vld [tilespmem:s28+$0x0];
	v3 =	vadd.f32 v5, v3;
	_ =	sdelay $0x1  }
0x2ae: {  	v1 =	vadd.f32 v9, v1;
	v3 =	vadd.f32 v7, v3;
	v7 =	vld [tilespmem:s2+$0x0];
	s2 =	smov.u32 s13;
	s13 =	sld [smem:$0x7EC]  }
0x2af: {  	[smem:$0x7D0] =	sst s17;
	v5 =	vld [tilespmem:s31+$0x0]  }
0x2b0: {  	v9 =	vld [tilespmem:s30+$0x300];
	[smem:$0x7EB] =	sst s2;
	[tilespmem:s9+$0x6000] =	vst v1  }
0x2b1: {  	s17 =	sor.u32 s19, s15;
	s2 =	sadd.s32 $0x1B80, s16;
	s16 =	rddreg [dreg:$0x18];
	v6 =	vadd.f32 v8, v6;
	[tilespmem:s12+$0x6000] =	vst v3;
	v1 =	vadd.f32 v10, v2;
	v2 =	vld [tilespmem:s13+$0x0]  }
0x2b2: {  	s15 =	sor.u32 s20, s15;
	s13 =	smov.u32 s25;
	s25 =	sld [smem:$0x7CB];
	v3 =	vld [tilespmem:s26+$0x380]  }
0x2b3: {  	s9 =	sor.u32 s5, s2;
	s12 =	sor.u32 s3, s2;
	s16 =	sadd.s32 s14, s16;
	[tilespmem:s1+$0x6000] =	vst v6;
	v6 =	vld [tilespmem:s23+$0x180]  }
0x2b4: {  	[smem:$0x7EC] =	sst s13;
	s13 =	sor.u32 s19, s2;
	[tilespmem:s4+$0x6000] =	vst v1;
	s4 =	sor.u32 s20, s2;
	v1 =	vld [tilespmem:s12+$0x0]  }
0x2b5: {  	s2 =	sadd.s32 s19, s16;
	s19 =	sadd.s32 s3, s16;
	v0 =	vadd.f32 v7, v0;
	s3 =	sld [smem:$0x7CC];
	v10 =	vld [tilespmem:s25+$0x0]  }
0x2b6: {  	s1 =	sadd.s32 s20, s16;
	s20 =	smov.u32 s6;
	s6 =	sld [smem:$0x7CE];
	v7 =	vld [tilespmem:s19+$0x0]  }
0x2b7: {  	[tilespmem:s24+$0x6000] =	vst v0;
	v0 =	vld [tilespmem:s21+$0x180];
	s24 =	sld [smem:$0x7CF];
	v2 =	vadd.f32 v2, v4  }
0x2b8: {  	v4 =	vld [tilespmem:s3+$0x0]  }
0x2b9: {  	s26 =	sld [smem:$0x7D0];
	[tilespmem:s29+$0x6000] =	vst v2;
	v2 =	vld [tilespmem:s6+$0x0]  }
0x2ba: {  	v1 =	vadd.f32 v3, v1;
	v8 =	vld [tilespmem:s24+$0x0];
	s29 =	sld [smem:$0x7D1]  }
0x2bb: {  	s14 =	sadd.s32 s5, s16;
	s16 =	sld [smem:$0x7D2];
	v3 =	vadd.f32 v6, v10;
	v6 =	vld [tilespmem:s22+$0x180]  }
0x2bc: {  	v1 =	vadd.f32 v7, v1;
	v7 =	vld [tilespmem:s26+$0x0]  }
0x2bd: {  	s19 =	smov.u32 s11;
	s11 =	sld [smem:$0x7CD];
	v0 =	vadd.f32 v0, v4;
	v4 =	vld [tilespmem:s29+$0x0]  }
0x2be: {  	[tilespmem:s12+$0x6000] =	vst v1;
	v1 =	vld [tilespmem:s16+$0x0]  }
0x2bf: {  	s26 =	smov.u32 s23;
	s23 =	sld [smem:$0x7D3];
	v3 =	vadd.f32 v8, v3;
	v8 =	vld [tilespmem:s10+$0x380]  }
0x2c0: {  	v2 =	vadd.f32 v6, v2;
	v6 =	vld [tilespmem:s11+$0x0]  }
0x2c1: {  	v5 =	vadd.f32 v9, v5;
	[tilespmem:s25+$0x6000] =	vst v3;
	v3 =	vld [tilespmem:s18+$0x380];
	s18 =	sld [smem:$0x7D4]  }
0x2c2: {  	v0 =	vadd.f32 v7, v0;
	v7 =	vld [tilespmem:s23+$0x0]  }
0x2c3: {  	v2 =	vadd.f32 v4, v2;
	v1 =	vadd.f32 v1, v5;
	v5 =	vld [tilespmem:s26+$0x200]  }
0x2c4: {  	[tilespmem:s3+$0x6000] =	vst v0;
	v4 =	vld [tilespmem:s18+$0x0]  }
0x2c5: {  	s28 =	smov.u32 s30;
	s30 =	smov.u32 s21;
	[tilespmem:s6+$0x6000] =	vst v2;
	v2 =	vld [tilespmem:s17+$0x0]  }
0x2c6: {  	s24 =	sld [smem:$0x7D7];
	v0 =	vadd.f32 v8, v6;
	[tilespmem:s31+$0x6000] =	vst v1;
	v6 =	vld [tilespmem:s30+$0x200]  }
0x2c7: {  	s21 =	sld [smem:$0x7D6];
	v8 =	vld [tilespmem:s15+$0x0]  }
0x2c8: {  	s25 =	sld [smem:$0x7D8];
	v1 =	vadd.f32 v3, v7;
	v3 =	vld [tilespmem:s22+$0x200]  }
0x2c9: {  	v7 =	vld [tilespmem:s24+$0x0]  }
0x2ca: {  	v4 =	vadd.f32 v5, v4;
	v5 =	vld [tilespmem:s21+$0x0]  }
0x2cb: {  	s10 =	sld [smem:$0x7D5];
	v10 =	vld [tilespmem:s25+$0x0]  }
0x2cc: {  	v9 =	vadd.f32 v6, v2;
	v2 =	vld [tilespmem:s28+$0x380];
	s28 =	sld [smem:$0x7D9]  }
.Ltmp2:
0x2cd: {  	s29 =	sld [smem:$0x7DA];
	(pc) =	sbr.rel @p2 .LBB2_3-.Ltmp2, $4  }
0x2ce: {  	s31 =	sld [smem:$0x7DB];
	v6 =	vld [tilespmem:s10+$0x0]  }
0x2cf: {  	s5 =	smov.u32 s0;
	v11 =	vadd.f32 v3, v8;
	v3 =	vld [tilespmem:s28+$0x0];
	v5 =	vadd.f32 v5, v4  }
0x2d0: {  	s16 =	smov.u32 s8;
	s8 =	smov.u32 s22;
	s3 =	smov.u32 s2;
	v4 =	vld [tilespmem:s29+$0x0]  }
0x2d1: {  	s2 =	smov.u32 s1;
	s1 =	sld [smem:$0x7DC];
	s6 =	smov.u32 s14;
	v8 =	vadd.f32 v7, v9;
	v7 =	vadd.f32 v10, v11;
	[tilespmem:s18+$0x6000] =	vst v5;
	v5 =	vld [tilespmem:s31+$0x0]  }
0x2d2: {  	_ = 	snop  }
0x2d3: {  	[tilespmem:s17+$0x6000] =	vst v8  }
0x2d4: {  	v10 =	vld [tilespmem:s7+$0x0];
	s0 =	sld [smem:$0x7E8]  }
0x2d5: {  	v11 =	vld [tilespmem:s26+$0x280];
	s29 =	sld [smem:$0x7E9]  }
0x2d6: {  	s14 =	sld [smem:$0x7E6];
	[tilespmem:s15+$0x6000] =	vst v7;
	v7 =	vld [tilespmem:s30+$0x280]  }
0x2d7: {  	v14 =	vld [tilespmem:s8+$0x280]  }
0x2d8: {  	s31 =	sld [smem:$0x7E7];
	v8 =	vld [tilespmem:s0+$0x0]  }
0x2d9: {  	v12 =	vld [tilespmem:s14+$0x0]  }
0x2da: {  	s1 =	sld [smem:$0x7EA];
	v9 =	vld [tilespmem:s29+$0x0]  }
0x2db: {  	v13 =	vld [tilespmem:s31+$0x0]  }
0x2dc: {  	v10 =	vadd.f32 v11, v10  }
0x2dd: {  	v11 =	vld [tilespmem:s1+$0x0]  }
0x2de: {  	v7 =	vadd.f32 v7, v12;
	v8 =	vadd.f32 v8, v10;
	_ =	sdelay $0x1  }
0x2df: {  	v10 =	vadd.f32 v14, v13;
	[tilespmem:s7+$0x6000] =	vst v8;
	v7 =	vadd.f32 v9, v7  }
0x2e0: {  	v8 =	vld [tilespmem:s19+$0x0]  }
0x2e1: {  	v9 =	vld [tilespmem:s26+$0x300];
	v10 =	vadd.f32 v11, v10;
	[tilespmem:s14+$0x6000] =	vst v7  }
0x2e2: {  	v7 =	vld [tilespmem:s20+$0x0]  }
0x2e3: {  	[tilespmem:s31+$0x6000] =	vst v10;
	v10 =	vld [tilespmem:s30+$0x300]  }
0x2e4: {  	v11 =	vld [tilespmem:s5+$0x0]  }
0x2e5: {  	v52 =	vld [tilespmem:s8+$0x300]  }
0x2e6: {  	s0 =	sld [smem:$0x7EB]  }
0x2e7: {  	v8 =	vadd.f32 v9, v8;
	v9 =	vld [tilespmem:s16+$0x0]  }
0x2e8: {  	s7 =	sld [smem:$0x7EC]  }
0x2e9: {  	v51 =	vld [tilespmem:s0+$0x0]  }
0x2ea: {  	v7 =	vadd.f32 v10, v7;
	v10 =	vadd.f32 v52, v11  }
0x2eb: {  	v53 =	vld [tilespmem:s7+$0x0]  }
0x2ec: {  	v9 =	vadd.f32 v9, v10;
	_ =	sdelay $0x1  }
0x2ed: {  	v8 =	vadd.f32 v51, v8;
	[tilespmem:s5+$0x6000] =	vst v9  }
0x2ee: {  	v9 =	vld [tilespmem:s4+$0x0]  }
0x2ef: {  	v7 =	vadd.f32 v53, v7;
	[tilespmem:s19+$0x6000] =	vst v8;
	v54 =	vld [tilespmem:s8+$0x380]  }
0x2f0: {  	v8 =	vld [tilespmem:s9+$0x0]  }
0x2f1: {  	[tilespmem:s20+$0x6000] =	vst v7;
	v7 =	vld [tilespmem:s26+$0x380]  }
0x2f2: {  	v2 =	vadd.f32 v2, v6;
	v0 =	vadd.f32 v3, v0;
	v10 =	vld [tilespmem:s13+$0x0]  }
0x2f3: {  	v1 =	vadd.f32 v4, v1;
	v11 =	vld [tilespmem:s30+$0x380];
	s8 =	sld [smem:$0x7ED]  }
0x2f4: {  	v55 =	vld [tilespmem:s6+$0x0];
	s0 =	sld [smem:$0x7EE];
	[tilespmem:s11+$0x6000] =	vst v0;
	v0 =	vadd.f32 v5, v2  }
0x2f5: {  	v56 =	vld [tilespmem:s3+$0x0];
	[tilespmem:s23+$0x6000] =	vst v1  }
0x2f6: {  	v3 =	vld [tilespmem:s2+$0x0];
	[tilespmem:s10+$0x6000] =	vst v0  }
0x2f7: {  	s12 =	sld [smem:$0x7F1];
	v4 =	vadd.f32 v7, v8  }
0x2f8: {  	v2 =	vadd.f32 v11, v10  }
0x2f9: {  	s17 =	simm.s32 $0x6000;
	p2 =	seq.s32 s8, $0x7;
	v1 =	vadd.f32 v54, v9;
	v4 =	vadd.f32 v55, v4  }
0x2fa: {  	s15 =	rddreg [dreg:$0x4];
	s0 =	sadd.s32 @!p2 $0x2, s0;
	s2 =	sshrl.u32 s12, $0x3;
	v0 =	vadd.f32 v56, v2  }
0x2fb: {  	s1 =	sshll.u32 @!p2 s0, $0x9;
	s0 =	sshll.u32 @!p2 s0, $0x4;
	v1 =	vadd.f32 v3, v1;
	s14 =	smul.u32 $0x300, s2;
	[tilespmem:s9+$0x6000] =	vst v4  }
0x2fc: {  	s1 =	sand.u32 @!p2 $0x3800, s1;
	s0 =	sand.u32 @!p2 $0x20, s0;
	s2 =	sld [smem:$0x7FD];
	[tilespmem:s13+$0x6000] =	vst v0  }
0x2fd: {  	s16 =	simm.s32 $0x0;
	s0 =	sor.u32 @!p2 s1, s0;
	s1 =	sadd.s32 s15, s14;
	[tilespmem:s4+$0x6000] =	vst v1  }
0x2fe: {  	[hbm4b:s1+s16] =	stream.linear.scatter [tilespmem:s17], [sflag:$0x3], $0x3000, $0x38;
	[tilespmem:$0x18E00] =	vst v63  }
0x2ff: {  	s0 =	sor.u32 @!p2 s2, s0  }
0x300: {  	s0 =	sshrl.u32 @!p2 s0, $0x3  }
0x301: {  	s0 =	smul.u32 @!p2 $0x300, s0  }
0x302: {  	s1 =	rddreg [dreg:$0x0]  }
0x303: {  	s18 =	simm.s32 $0x2;
	s0 =	sadd.s32 @!p2 s1, s0;
	s1 =	simm.s32 @!p2 $0x0  }
0x304: {  	[tilespmem:s1], [sflag:$0x1] =	stream.linear.gather @!p2 [hbm4b:s0+s1], $0x3000, $0x38;
	[tilespmem:$0x18E00] =	vst v63  }
0x305: {  	_ =	swait.ge [sflag:s18], $0x3000  }
0x306: {  	[sflag:s18] =	ssyncset.done $0x0  }
0x307: {  	s0 =	simm.s32 @!p1 $0x4;
	[sflag:s18] =	ssyncadd.s32 $0xFFFFD000  }
0x308: {  	s19 =	sld [smem:$0x7EF];
	_ =	swait.ge @!p1 [sflag:s0], $0x3000  }
0x309: {  	s21 =	sld [smem:$0x7DD];
	_ =	sdelay $0x1  }
0x30a: {  	s20 =	sor.u32 $0x10, s19;
	s24 =	sld [smem:$0x7DE]  }
0x30b: {  	[sflag:s0] =	ssyncset.done @!p1 $0x0;
	s1 =	sor.u32 s21, s20  }
0x30c: {  	[smem:$0x7B0] =	sst s20;
	[sflag:s0] =	ssyncadd.s32 @!p1 $0xFFFFD000;
	s22 =	sand.u32 $0x70, s1  }
0x30d: {  	s23 =	sld [smem:s1+$0x0];
	s0 =	sadd.s32 s22, s24  }
0x30e: {  	s12 =	sld [smem:s0+$0x1]  }
0x30f: {  	s25 =	sld [smem:s0+$0x2]  }
0x310: {  	s14 =	sld [smem:s0+$0x3]  }
0x311: {  	s15 =	sld [smem:s0+$0x4]  }
0x312: {  	s16 =	sld [smem:s0+$0x5]  }
0x313: {  	s10 =	sld [smem:s0+$0x6]  }
0x314: {  	s9 =	sld [smem:s0+$0x7]  }
0x315: {  	s7 =	sld [smem:s0+$0x8]  }
0x316: {  	s6 =	sld [smem:s0+$0x9]  }
0x317: {  	s5 =	sld [smem:s0+$0xA]  }
0x318: {  	s26 =	sshrl.u32 s20, $0x3;
	s4 =	sld [smem:s0+$0xB]  }
0x319: {  	s28 =	smul.u32 $0x6000, s26;
	s3 =	sld [smem:s0+$0xC]  }
0x31a: {  	s2 =	sld [smem:s0+$0xD]  }
0x31b: {  	s8 =	sshrl.u32 s28, $0x2;
	s1 =	sld [smem:s0+$0xE]  }
0x31c: {  	s18 =	sadd.s32 $0xC000, s8;
	s0 =	sld [smem:s0+$0xF]  }
0x31d: {  	s8 =	sadd.s32 $0xD800, s8;
	[dreg:$0x19] =	wrdreg s18;
	s29 =	sshrl.u32 s23, $0x2  }
0x31e: {  	[smem:$0x7A0] =	sst s8;
	s11 =	sshll.u32 s23, $0x7;
	s17 =	smul.u32 $0x3000, s29  }
0x31f: {  	s11 =	sand.u32 $0x180, s11;
	s31 =	sshrl.u32 s12, $0x2;
	s12 =	sshll.u32 s12, $0x7  }
0x320: {  	s19 =	sshrl.u32 s25, $0x2;
	s21 =	sshll.u32 s25, $0x7;
	s24 =	sshrl.u32 s14, $0x2  }
0x321: {  	s25 =	sshrl.u32 s15, $0x2;
	s26 =	sshll.u32 s14, $0x7;
	s28 =	sshll.u32 s15, $0x7  }
0x322: {  	s17 =	sshra.s32 s17, $0x2;
	s18 =	smul.u32 $0x3000, s31;
	s12 =	sand.u32 $0x180, s12  }
0x323: {  	s13 =	smul.u32 $0x3000, s25;
	s29 =	sand.u32 $0x180, s28;
	s31 =	sshrl.u32 s16, $0x2  }
0x324: {  	s11 =	sor.u32 s11, s17;
	s15 =	smul.u32 $0x3000, s31;
	s31 =	sshrl.u32 s4, $0x2  }
0x325: {  	s4 =	sshll.u32 s4, $0x7;
	s17 =	sshra.s32 s18, $0x2;
	s18 =	smul.u32 $0x3000, s19  }
0x326: {  	s11 =	sadd.s32 $0x18000, s11;
	s13 =	sshra.s32 s13, $0x2;
	s8 =	smul.u32 $0x3000, s31  }
0x327: {  	s4 =	sand.u32 $0x180, s4;
	[dreg:$0x1a] =	wrdreg s11;
	s20 =	sor.u32 s12, s17  }
0x328: {  	s12 =	sand.u32 $0x180, s21;
	s17 =	sshll.u32 s16, $0x7;
	s16 =	sshrl.u32 s0, $0x2  }
0x329: {  	s0 =	sshll.u32 s0, $0x7;
	s11 =	sadd.s32 $0x18000, s20;
	s22 =	sshra.s32 s18, $0x2  }
0x32a: {  	s18 =	sshrl.u32 s10, $0x2;
	s20 =	sshrl.u32 s9, $0x2;
	s10 =	sshll.u32 s10, $0x7  }
0x32b: {  	s9 =	sshll.u32 s9, $0x7;
	s23 =	sor.u32 s12, s22;
	s12 =	smul.u32 $0x3000, s24  }
0x32c: {  	s0 =	sand.u32 $0x180, s0;
	[dreg:$0x1b] =	wrdreg s11;
	s19 =	smul.u32 $0x3000, s18  }
0x32d: {  	s10 =	sand.u32 $0x180, s10;
	s9 =	sand.u32 $0x180, s9;
	s22 =	sshrl.u32 s7, $0x2  }
0x32e: {  	s7 =	sshll.u32 s7, $0x7;
	s24 =	sshrl.u32 s6, $0x2;
	s6 =	sshll.u32 s6, $0x7  }
0x32f: {  	s18 =	rddreg [dreg:$0x19];
	s11 =	sadd.s32 $0x18000, s23;
	s23 =	smul.u32 $0x3000, s22  }
0x330: {  	s7 =	sand.u32 $0x180, s7;
	s6 =	sand.u32 $0x180, s6;
	[dreg:$0x1c] =	wrdreg s11  }
0x331: {  	s11 =	sand.u32 $0x180, s26;
	s12 =	sshra.s32 s12, $0x2;
	s26 =	sshrl.u32 s5, $0x2  }
0x332: {  	s11 =	sor.u32 s11, s12;
	s12 =	sor.u32 s29, s13;
	s13 =	smul.u32 $0x3000, s20  }
0x333: {  	s5 =	sshll.u32 s5, $0x7;
	s28 =	smul.u32 $0x3000, s26;
	s11 =	sadd.s32 $0x18000, s11  }
0x334: {  	s5 =	sand.u32 $0x180, s5;
	s14 =	sadd.s32 $0x18000, s12;
	[dreg:$0x1d] =	wrdreg s11  }
0x335: {  	s12 =	sshra.s32 s15, $0x2;
	[dreg:$0x1e] =	wrdreg s14;
	s11 =	sand.u32 $0x180, s17  }
0x336: {  	s21 =	sshra.s32 s13, $0x2;
	s29 =	sshra.s32 s28, $0x2;
	s14 =	sshrl.u32 s1, $0x2  }
0x337: {  	s1 =	sshll.u32 s1, $0x7;
	s11 =	sor.u32 s11, s12;
	s12 =	sshra.s32 s19, $0x2  }
0x338: {  	s9 =	sor.u32 s9, s21;
	s5 =	sor.u32 s5, s29;
	s15 =	smul.u32 $0x3000, s14  }
0x339: {  	s1 =	sand.u32 $0x180, s1;
	s21 =	simm.s32 $0x0;
	s11 =	sadd.s32 $0x18000, s11  }
0x33a: {  	s10 =	sor.u32 s10, s12;
	s9 =	sadd.s32 $0x18000, s9;
	[dreg:$0x1f] =	wrdreg s11  }
0x33b: {  	s5 =	sadd.s32 $0x18000, s5;
	s10 =	sadd.s32 $0x18000, s10;
	[smem:$0x79E] =	sst s9  }
0x33c: {  	s9 =	sshra.s32 s23, $0x2;
	[smem:$0x7A4] =	sst s5;
	s11 =	sshrl.u32 s2, $0x2  }
0x33d: {  	s2 =	sshll.u32 s2, $0x7;
	[smem:$0x79D] =	sst s10;
	s10 =	smul.u32 $0x3000, s24  }
0x33e: {  	s5 =	simm.s32 $0x0;
	s7 =	sor.u32 s7, s9;
	s9 =	sshrl.u32 s3, $0x2  }
0x33f: {  	s3 =	sshll.u32 s3, $0x7;
	s12 =	smul.u32 $0x3000, s11;
	s25 =	sshra.s32 s10, $0x2  }
0x340: {  	s2 =	sand.u32 $0x180, s2;
	s7 =	sadd.s32 $0x18000, s7;
	s6 =	sor.u32 s6, s25  }
0x341: {  	[smem:$0x79F] =	sst s7;
	s7 =	smul.u32 $0x3000, s9;
	s6 =	sadd.s32 $0x18000, s6  }
0x342: {  	s3 =	sand.u32 $0x180, s3;
	[smem:$0x7A1] =	sst s6;
	s6 =	sshra.s32 s8, $0x2  }
0x343: {  	s13 =	sshra.s32 s12, $0x2;
	s10 =	sshra.s32 s7, $0x2;
	s4 =	sor.u32 s4, s6  }
0x344: {  	s2 =	sor.u32 s2, s13;
	s3 =	sor.u32 s3, s10;
	s4 =	sadd.s32 $0x18000, s4  }
0x345: {  	s3 =	sadd.s32 $0x18000, s3;
	[smem:$0x7A7] =	sst s4;
	s4 =	smul.u32 $0x3000, s16  }
0x346: {  	s2 =	sadd.s32 $0x18000, s2;
	[smem:$0x7A8] =	sst s3;
	s3 =	sshra.s32 s15, $0x2  }
0x347: {  	[smem:$0x7AA] =	sst s2;
	s1 =	sor.u32 s1, s3;
	s17 =	sshra.s32 s4, $0x2  }
0x348: {  	s16 =	sand.u32 $0x40, s5;
	s1 =	sadd.s32 $0x18000, s1;
	s0 =	sor.u32 s0, s17  }
0x349: {  	s12 =	sor.u32 $0x30, s16;
	[smem:$0x7AD] =	sst s1;
	s0 =	sadd.s32 $0x18000, s0  }
0x34a: {  	s20 =	sadd.s32 $0x0, s18;
	s1 =	sor.u32 s21, s12;
	[smem:$0x7AF] =	sst s0  }
0x34b: {  	s19 =	rddreg [dreg:$0x1a];
	s9 =	sadd.s32 s12, s20;
	v0 =	vld [tilespmem:s1+$0x3000]  }
0x34c: {  	s22 =	sadd.s32 $0x0, s19;
	s0 =	sadd.s32 s16, s20;
	v1 =	vld [tilespmem:s9+$0x0]  }
0x34d: {  	s19 =	sor.u32 $0x10, s16;
	s3 =	sadd.s32 s12, s22;
	v2 =	vld [tilespmem:s0+$0x0]  }
0x34e: {  	s2 =	sadd.s32 s19, s20;
	s17 =	sor.u32 $0x20, s16;
	v3 =	vld [tilespmem:s3+$0x0]  }
0x34f: {  	s8 =	sadd.s32 s17, s20;
	v4 =	vld [tilespmem:s2+$0x0]  }
0x350: {  	s6 =	sor.u32 s16, s21;
	v5 =	vld [tilespmem:s8+$0x0]  }
0x351: {  	s4 =	sor.u32 s21, s17;
	v6 =	vld [tilespmem:s6+$0x3000];
	v0 =	vadd.f32 v1, v0  }
0x352: {  	s23 =	sadd.s32 s16, s22;
	v7 =	vld [tilespmem:s4+$0x3000]  }
0x353: {  	s3 =	sor.u32 s21, s19;
	v0 =	vadd.f32 v3, v0;
	v3 =	vld [tilespmem:s23+$0x0]  }
0x354: {  	v1 =	vld [tilespmem:s3+$0x3000]  }
0x355: {  	s24 =	rddreg [dreg:$0x1b];
	[tilespmem:s1+$0x9000] =	vst v0;
	v0 =	vld [tilespmem:s1+$0x3080]  }
0x356: {  	s13 =	sadd.s32 $0x0, s24;
	s25 =	sadd.s32 s19, s22;
	v2 =	vadd.f32 v2, v6;
	v8 =	vld [tilespmem:s9+$0x80]  }
0x357: {  	s26 =	sadd.s32 s12, s13;
	v6 =	vld [tilespmem:s25+$0x0]  }
0x358: {  	v9 =	vld [tilespmem:s26+$0x0];
	v2 =	vadd.f32 v3, v2  }
0x359: {  	s7 =	sadd.s32 s17, s22;
	v10 =	vld [tilespmem:s6+$0x3080]  }
0x35a: {  	v3 =	vld [tilespmem:s7+$0x0];
	[tilespmem:s6+$0x9000] =	vst v2  }
0x35b: {  	v1 =	vadd.f32 v4, v1;
	v0 =	vadd.f32 v8, v0;
	v4 =	vld [tilespmem:s0+$0x80]  }
0x35c: {  	s28 =	sadd.s32 s16, s13;
	v2 =	vld [tilespmem:s3+$0x3080]  }
0x35d: {  	v1 =	vadd.f32 v6, v1;
	v6 =	vld [tilespmem:s28+$0x0];
	v0 =	vadd.f32 v9, v0  }
0x35e: {  	v5 =	vadd.f32 v5, v7;
	v8 =	vld [tilespmem:s4+$0x3080]  }
0x35f: {  	s29 =	rddreg [dreg:$0x1c];
	[tilespmem:s1+$0x9080] =	vst v0;
	v0 =	vld [tilespmem:s1+$0x3100]  }
0x360: {  	s11 =	sadd.s32 s19, s13;
	[tilespmem:s3+$0x9000] =	vst v1;
	s31 =	sadd.s32 $0x0, s29;
	v1 =	vadd.f32 v3, v5;
	v3 =	vld [tilespmem:s9+$0x100];
	v4 =	vadd.f32 v4, v10  }
0x361: {  	v7 =	vld [tilespmem:s11+$0x0];
	s10 =	sadd.s32 s12, s31  }
0x362: {  	[tilespmem:s4+$0x9000] =	vst v1;
	v1 =	vld [tilespmem:s10+$0x0];
	v4 =	vadd.f32 v6, v4  }
0x363: {  	v5 =	vld [tilespmem:s2+$0x80]  }
0x364: {  	s13 =	sadd.s32 s17, s13;
	v6 =	vld [tilespmem:s8+$0x80];
	[tilespmem:s6+$0x9080] =	vst v4  }
0x365: {  	v4 =	vld [tilespmem:s13+$0x0];
	v0 =	vadd.f32 v3, v0  }
0x366: {  	v3 =	vld [tilespmem:s0+$0x100]  }
0x367: {  	v9 =	vld [tilespmem:s6+$0x3100];
	v0 =	vadd.f32 v1, v0  }
0x368: {  	v1 =	vadd.f32 v5, v2;
	v2 =	vld [tilespmem:s3+$0x3100]  }
0x369: {  	s14 =	rddreg [dreg:$0x1d];
	[tilespmem:s1+$0x9100] =	vst v0;
	v0 =	vld [tilespmem:s1+$0x3180]  }
0x36a: {  	s18 =	sadd.s32 s16, s31;
	s10 =	sadd.s32 $0x0, s14;
	v5 =	vadd.f32 v6, v8;
	v1 =	vadd.f32 v7, v1;
	v6 =	vld [tilespmem:s9+$0x180]  }
0x36b: {  	s15 =	sadd.s32 s12, s10;
	v8 =	vld [tilespmem:s18+$0x0]  }
0x36c: {  	v4 =	vadd.f32 v4, v5;
	[tilespmem:s3+$0x9080] =	vst v1;
	v1 =	vld [tilespmem:s15+$0x0]  }
0x36d: {  	v5 =	vld [tilespmem:s4+$0x3100]  }
0x36e: {  	[tilespmem:s4+$0x9080] =	vst v4;
	v4 =	vld [tilespmem:s2+$0x100]  }
0x36f: {  	s20 =	sadd.s32 s19, s31;
	v7 =	vld [tilespmem:s8+$0x100];
	v0 =	vadd.f32 v6, v0  }
0x370: {  	s7 =	sadd.s32 s17, s31;
	v6 =	vld [tilespmem:s20+$0x0]  }
0x371: {  	v10 =	vld [tilespmem:s7+$0x0];
	v0 =	vadd.f32 v1, v0  }
0x372: {  	v1 =	vadd.f32 v3, v9;
	v3 =	vld [tilespmem:s6+$0x3180]  }
0x373: {  	s22 =	rddreg [dreg:$0x1e];
	v2 =	vadd.f32 v4, v2;
	[tilespmem:s1+$0x9180] =	vst v0;
	v0 =	vld [tilespmem:s1+$0x3200]  }
0x374: {  	s13 =	sadd.s32 $0x0, s22;
	v4 =	vadd.f32 v7, v5;
	v1 =	vadd.f32 v8, v1;
	v5 =	vld [tilespmem:s9+$0x200]  }
0x375: {  	s23 =	sadd.s32 s12, s13;
	v2 =	vadd.f32 v6, v2;
	v6 =	vld [tilespmem:s3+$0x3180]  }
0x376: {  	[tilespmem:s6+$0x9100] =	vst v1;
	v1 =	vadd.f32 v10, v4;
	v4 =	vld [tilespmem:s23+$0x0]  }
0x377: {  	v7 =	vld [tilespmem:s0+$0x180];
	[tilespmem:s3+$0x9100] =	vst v2  }
0x378: {  	s24 =	sadd.s32 s16, s10;
	v2 =	vld [tilespmem:s2+$0x180]  }
0x379: {  	v8 =	vld [tilespmem:s24+$0x0];
	[tilespmem:s4+$0x9100] =	vst v1  }
0x37a: {  	v1 =	vld [tilespmem:s8+$0x180];
	v0 =	vadd.f32 v5, v0  }
0x37b: {  	s25 =	sadd.s32 s19, s10;
	v5 =	vld [tilespmem:s4+$0x3180]  }
0x37c: {  	s10 =	sadd.s32 s17, s10;
	v0 =	vadd.f32 v4, v0;
	v4 =	vld [tilespmem:s25+$0x0]  }
0x37d: {  	v2 =	vadd.f32 v2, v6;
	v6 =	vld [tilespmem:s10+$0x0]  }
0x37e: {  	s26 =	rddreg [dreg:$0x1f];
	[tilespmem:s1+$0x9200] =	vst v0;
	v0 =	vld [tilespmem:s1+$0x3280]  }
0x37f: {  	s28 =	sadd.s32 $0x0, s26;
	v3 =	vadd.f32 v7, v3;
	v7 =	vld [tilespmem:s9+$0x280]  }
0x380: {  	v9 =	vld [tilespmem:s6+$0x3200];
	s7 =	sadd.s32 s12, s28  }
0x381: {  	v3 =	vadd.f32 v8, v3;
	v8 =	vld [tilespmem:s7+$0x0]  }
0x382: {  	v1 =	vadd.f32 v1, v5;
	v5 =	vld [tilespmem:s4+$0x3200]  }
0x383: {  	[tilespmem:s6+$0x9180] =	vst v3;
	v3 =	vld [tilespmem:s3+$0x3200];
	v2 =	vadd.f32 v4, v2  }
0x384: {  	s29 =	sadd.s32 s16, s13;
	v4 =	vld [tilespmem:s0+$0x200];
	v1 =	vadd.f32 v6, v1;
	v0 =	vadd.f32 v7, v0  }
0x385: {  	v6 =	vld [tilespmem:s29+$0x0];
	[tilespmem:s3+$0x9180] =	vst v2  }
0x386: {  	v2 =	vld [tilespmem:s2+$0x200];
	s31 =	sld [smem:$0x79D];
	[tilespmem:s4+$0x9180] =	vst v1;
	v0 =	vadd.f32 v8, v0  }
0x387: {  	v7 =	vld [tilespmem:s8+$0x200]  }
0x388: {  	[tilespmem:s1+$0x9280] =	vst v0;
	v0 =	vld [tilespmem:s1+$0x3300]  }
0x389: {  	s11 =	sadd.s32 s19, s13;
	s13 =	sadd.s32 s17, s13;
	s7 =	sadd.s32 $0x0, s31;
	v1 =	vld [tilespmem:s9+$0x300]  }
0x38a: {  	v4 =	vadd.f32 v4, v9;
	v9 =	vld [tilespmem:s13+$0x0];
	s10 =	sadd.s32 s12, s7  }
0x38b: {  	v8 =	vld [tilespmem:s10+$0x0]  }
0x38c: {  	v4 =	vadd.f32 v6, v4;
	v6 =	vld [tilespmem:s11+$0x0];
	_ =	sdelay $0x1  }
0x38d: {  	v5 =	vadd.f32 v7, v5;
	v0 =	vadd.f32 v1, v0  }
0x38e: {  	s22 =	sadd.s32 s16, s28;
	[tilespmem:s6+$0x9200] =	vst v4;
	v4 =	vld [tilespmem:s6+$0x3280];
	v1 =	vadd.f32 v2, v3  }
0x38f: {  	s18 =	sld [smem:$0x79E];
	v5 =	vadd.f32 v9, v5;
	v9 =	vld [tilespmem:s22+$0x0];
	v0 =	vadd.f32 v8, v0  }
0x390: {  	v2 =	vld [tilespmem:s0+$0x280];
	v1 =	vadd.f32 v6, v1  }
0x391: {  	[tilespmem:s1+$0x9300] =	vst v0;
	v0 =	vld [tilespmem:s1+$0x3380]  }
0x392: {  	s10 =	sadd.s32 $0x0, s18;
	[tilespmem:s3+$0x9200] =	vst v1;
	v1 =	vld [tilespmem:s9+$0x380]  }
0x393: {  	v3 =	vld [tilespmem:s3+$0x3280];
	s20 =	sadd.s32 s12, s10  }
0x394: {  	[tilespmem:s4+$0x9200] =	vst v5;
	v5 =	vld [tilespmem:s20+$0x0]  }
0x395: {  	v6 =	vld [tilespmem:s4+$0x3280]  }
0x396: {  	v7 =	vld [tilespmem:s2+$0x280]  }
0x397: {  	s23 =	sadd.s32 s19, s28;
	v8 =	vld [tilespmem:s8+$0x280];
	v0 =	vadd.f32 v1, v0  }
0x398: {  	v10 =	vld [tilespmem:s23+$0x0];
	s25 =	sld [smem:$0x7A0]  }
0x399: {  	s24 =	sadd.s32 s17, s28;
	v2 =	vadd.f32 v2, v4;
	v4 =	vld [tilespmem:s6+$0x3300];
	v0 =	vadd.f32 v5, v0  }
0x39a: {  	s26 =	simm.s32 $0x1800;
	s28 =	sld [smem:$0x79F];
	v1 =	vld [tilespmem:s24+$0x0]  }
0x39b: {  	s29 =	sor.u32 s12, s26;
	v2 =	vadd.f32 v9, v2;
	s23 =	sadd.s32 $0x0, s25;
	v3 =	vadd.f32 v7, v3;
	v7 =	vld [tilespmem:s4+$0x3300];
	[tilespmem:s1+$0x9380] =	vst v0  }
0x39c: {  	s15 =	sadd.s32 s12, s23;
	v0 =	vadd.f32 v8, v6;
	v6 =	vld [tilespmem:s29+$0x3000]  }
0x39d: {  	s31 =	sadd.s32 s16, s7;
	s30 =	sadd.s32 $0x0, s28;
	[tilespmem:s6+$0x9280] =	vst v2;
	v3 =	vadd.f32 v10, v3;
	v2 =	vld [tilespmem:s15+$0x0]  }
0x39e: {  	s9 =	sadd.s32 s12, s30;
	v9 =	vld [tilespmem:s31+$0x0]  }
0x39f: {  	[tilespmem:s3+$0x9280] =	vst v3;
	v3 =	vld [tilespmem:s9+$0x0]  }
0x3a0: {  	v5 =	vld [tilespmem:s3+$0x3300];
	v0 =	vadd.f32 v1, v0  }
0x3a1: {  	v1 =	vld [tilespmem:s0+$0x300]  }
0x3a2: {  	[tilespmem:s4+$0x9280] =	vst v0;
	v0 =	vld [tilespmem:s2+$0x300];
	v2 =	vadd.f32 v2, v6  }
0x3a3: {  	s11 =	sadd.s32 s19, s7;
	v8 =	vld [tilespmem:s8+$0x300]  }
0x3a4: {  	s7 =	sadd.s32 s17, s7;
	s13 =	sld [smem:$0x7A1];
	v6 =	vld [tilespmem:s11+$0x0];
	v2 =	vadd.f32 v3, v2  }
0x3a5: {  	s14 =	simm.s32 $0x1880;
	v10 =	vld [tilespmem:s7+$0x0]  }
0x3a6: {  	s22 =	simm.s32 $0x40;
	s1 =	sor.u32 s12, s14;
	v1 =	vadd.f32 v1, v4;
	[tilespmem:s29+$0x9000] =	vst v2  }
0x3a7: {  	s24 =	rddreg [dreg:$0x1a];
	s11 =	sand.u32 $0x40, s22;
	s13 =	sadd.s32 $0x0, s13;
	v0 =	vadd.f32 v0, v5;
	v4 =	vld [tilespmem:s1+$0x3000]  }
0x3a8: {  	s9 =	sadd.s32 $0x0, s24;
	s7 =	sor.u32 $0x30, s11;
	v1 =	vadd.f32 v9, v1;
	s18 =	sadd.s32 s12, s13;
	v2 =	vadd.f32 v8, v7;
	v5 =	vld [tilespmem:s15+$0x80]  }
0x3a9: {  	s29 =	sadd.s32 s7, s9;
	v0 =	vadd.f32 v6, v0;
	v6 =	vld [tilespmem:s18+$0x0]  }
0x3aa: {  	[tilespmem:s6+$0x9300] =	vst v1;
	v9 =	vld [tilespmem:s29+$0x0];
	v2 =	vadd.f32 v10, v2  }
0x3ab: {  	v1 =	vld [tilespmem:s0+$0x380];
	[tilespmem:s3+$0x9300] =	vst v0  }
0x3ac: {  	s20 =	rddreg [dreg:$0x19];
	[tilespmem:s4+$0x9300] =	vst v2;
	v2 =	vld [tilespmem:s2+$0x380];
	s2 =	simm.s32 $0x0  }
0x3ad: {  	v3 =	vld [tilespmem:s8+$0x380];
	s25 =	sor.u32 s2, s7;
	s28 =	sld [smem:$0x7A4]  }
0x3ae: {  	s26 =	sadd.s32 s16, s10;
	s8 =	sadd.s32 $0x0, s20;
	v7 =	vld [tilespmem:s25+$0x3000]  }
0x3af: {  	s31 =	sadd.s32 s7, s8;
	v0 =	vadd.f32 v5, v4;
	v5 =	vld [tilespmem:s26+$0x0]  }
0x3b0: {  	s14 =	sadd.s32 s19, s10;
	v8 =	vld [tilespmem:s31+$0x0];
	s6 =	sadd.s32 $0x0, s28  }
0x3b1: {  	s18 =	sadd.s32 s17, s10;
	v0 =	vadd.f32 v6, v0;
	v6 =	vld [tilespmem:s14+$0x0];
	[smem:$0x7A2] =	sst s6  }
0x3b2: {  	v4 =	vld [tilespmem:s18+$0x0]  }
0x3b3: {  	s14 =	sor.u32 s11, s2;
	v57 =	vld [tilespmem:s25+$0x3080]  }
0x3b4: {  	v60 =	vld [tilespmem:s14+$0x3080]  }
0x3b5: {  	v22 =	vld [tilespmem:s14+$0x3100]  }
0x3b6: {  	s22 =	sadd.s32 s11, s9;
	v27 =	vld [tilespmem:s3+$0x3380]  }
0x3b7: {  	v7 =	vadd.f32 v8, v7;
	v8 =	vld [tilespmem:s22+$0x0];
	s22 =	sadd.s32 s11, s8  }
0x3b8: {  	v10 =	vld [tilespmem:s22+$0x0]  }
0x3b9: {  	s24 =	rddreg [dreg:$0x1b];
	v7 =	vadd.f32 v9, v7;
	v9 =	vld [tilespmem:s14+$0x3000]  }
0x3ba: {  	s20 =	sadd.s32 s12, s6;
	[tilespmem:s1+$0x9000] =	vst v0;
	s1 =	sadd.s32 $0x0, s24;
	v28 =	vld [tilespmem:s25+$0x3200]  }
0x3bb: {  	v0 =	vld [tilespmem:s20+$0x0];
	s28 =	sadd.s32 s7, s1;
	[tilespmem:s25+$0x9000] =	vst v7  }
0x3bc: {  	s6 =	sor.u32 $0x10, s11;
	v7 =	vld [tilespmem:s28+$0x0];
	s28 =	sor.u32 $0x20, s11  }
0x3bd: {  	s26 =	sadd.s32 s6, s9;
	v58 =	vld [tilespmem:s31+$0x80];
	s9 =	sadd.s32 s28, s9  }
0x3be: {  	s20 =	sadd.s32 s6, s8;
	v59 =	vld [tilespmem:s9+$0x0];
	v9 =	vadd.f32 v10, v9  }
0x3bf: {  	s29 =	simm.s32 $0x0;
	s18 =	sadd.s32 s28, s8;
	v10 =	vld [tilespmem:s20+$0x0]  }
0x3c0: {  	v15 =	vld [tilespmem:s18+$0x0];
	s9 =	sor.u32 s29, s6;
	v8 =	vadd.f32 v8, v9  }
0x3c1: {  	s8 =	sor.u32 s29, s28;
	v9 =	vld [tilespmem:s9+$0x3000]  }
0x3c2: {  	v16 =	vld [tilespmem:s8+$0x3000];
	[tilespmem:s14+$0x9000] =	vst v8;
	v8 =	vadd.f32 v58, v57  }
0x3c3: {  	v11 =	vld [tilespmem:s26+$0x0]  }
0x3c4: {  	v19 =	vld [tilespmem:s8+$0x3080];
	v7 =	vadd.f32 v7, v8  }
0x3c5: {  	v61 =	vld [tilespmem:s22+$0x80]  }
0x3c6: {  	s24 =	rddreg [dreg:$0x1c];
	v9 =	vadd.f32 v10, v9;
	[tilespmem:s25+$0x9080] =	vst v7;
	v7 =	vld [tilespmem:s25+$0x3100]  }
0x3c7: {  	s2 =	sadd.s32 s11, s1;
	s24 =	sadd.s32 $0x0, s24;
	v10 =	vadd.f32 v15, v16;
	v62 =	vld [tilespmem:s31+$0x100]  }
0x3c8: {  	v8 =	vld [tilespmem:s2+$0x0];
	s10 =	sadd.s32 s7, s24;
	v9 =	vadd.f32 v11, v9  }
0x3c9: {  	v63 =	vld [tilespmem:s10+$0x0];
	v10 =	vadd.f32 v59, v10  }
0x3ca: {  	v11 =	vld [tilespmem:s9+$0x3080];
	[tilespmem:s9+$0x9000] =	vst v9  }
0x3cb: {  	v12 =	vadd.f32 v61, v60;
	[tilespmem:s8+$0x9000] =	vst v10;
	v9 =	vld [tilespmem:s20+$0x80]  }
0x3cc: {  	s29 =	sadd.s32 s6, s1;
	v10 =	vld [tilespmem:s18+$0x80];
	v7 =	vadd.f32 v62, v7  }
0x3cd: {  	v8 =	vadd.f32 v8, v12;
	v20 =	vld [tilespmem:s29+$0x0]  }
0x3ce: {  	s1 =	sadd.s32 s28, s1;
	v24 =	vld [tilespmem:s8+$0x3100];
	v7 =	vadd.f32 v63, v7  }
0x3cf: {  	[tilespmem:s14+$0x9080] =	vst v8;
	v8 =	vld [tilespmem:s1+$0x0]  }
0x3d0: {  	s0 =	rddreg [dreg:$0x1d];
	v9 =	vadd.f32 v9, v11;
	[tilespmem:s25+$0x9100] =	vst v7;
	v7 =	vld [tilespmem:s25+$0x3180]  }
0x3d1: {  	s26 =	sadd.s32 $0x0, s0;
	v11 =	vld [tilespmem:s31+$0x180]  }
0x3d2: {  	v21 =	vld [tilespmem:s22+$0x100];
	v10 =	vadd.f32 v10, v19;
	s1 =	sadd.s32 s7, s26;
	v9 =	vadd.f32 v20, v9  }
0x3d3: {  	s2 =	sadd.s32 s11, s24;
	v23 =	vld [tilespmem:s1+$0x0]  }
0x3d4: {  	v8 =	vadd.f32 v8, v10;
	v10 =	vld [tilespmem:s2+$0x0];
	[tilespmem:s9+$0x9080] =	vst v9  }
0x3d5: {  	v25 =	vld [tilespmem:s20+$0x100]  }
0x3d6: {  	s10 =	sadd.s32 s6, s24;
	v7 =	vadd.f32 v11, v7;
	v11 =	vld [tilespmem:s9+$0x3100]  }
0x3d7: {  	s29 =	sadd.s32 s28, s24;
	v13 =	vadd.f32 v21, v22;
	[tilespmem:s8+$0x9080] =	vst v8;
	v9 =	vld [tilespmem:s10+$0x0]  }
0x3d8: {  	s5 =	sor.u32 s21, s5;
	v8 =	vld [tilespmem:s29+$0x0]  }
0x3d9: {  	s5 =	sor.u32 $0x380, s5;
	v26 =	vld [tilespmem:s18+$0x100];
	s29 =	simm.s32 $0x1900;
	v10 =	vadd.f32 v10, v13  }
0x3da: {  	v30 =	vld [tilespmem:s5+$0x3000];
	s21 =	sor.u32 s12, s29  }
0x3db: {  	s0 =	rddreg [dreg:$0x1e];
	s10 =	sadd.s32 s11, s26;
	v31 =	vld [tilespmem:s21+$0x3000];
	v7 =	vadd.f32 v23, v7;
	[tilespmem:s14+$0x9100] =	vst v10;
	v11 =	vadd.f32 v25, v11  }
0x3dc: {  	v10 =	vld [tilespmem:s10+$0x0]  }
0x3dd: {  	[tilespmem:s25+$0x9180] =	vst v7;
	v9 =	vadd.f32 v9, v11;
	v11 =	vld [tilespmem:s4+$0x3380]  }
0x3de: {  	s1 =	sadd.s32 $0x0, s0;
	v13 =	vadd.f32 v26, v24;
	v29 =	vld [tilespmem:s31+$0x200]  }
0x3df: {  	s2 =	sadd.s32 s7, s1;
	v32 =	vld [tilespmem:s22+$0x180]  }
0x3e0: {  	v1 =	vadd.f32 v1, v30;
	v7 =	vld [tilespmem:s2+$0x0];
	v8 =	vadd.f32 v8, v13  }
0x3e1: {  	v2 =	vadd.f32 v2, v27;
	[tilespmem:s9+$0x9100] =	vst v9;
	v9 =	vld [tilespmem:s14+$0x3180]  }
0x3e2: {  	v1 =	vadd.f32 v5, v1;
	[tilespmem:s8+$0x9100] =	vst v8;
	v8 =	vld [tilespmem:s9+$0x3180];
	v3 =	vadd.f32 v3, v11  }
0x3e3: {  	v2 =	vadd.f32 v6, v2;
	v12 =	vadd.f32 v29, v28;
	v11 =	vld [tilespmem:s15+$0x100]  }
0x3e4: {  	[tilespmem:s5+$0x9000] =	vst v1;
	s10 =	sadd.s32 s6, s26;
	v33 =	vld [tilespmem:s20+$0x180];
	v3 =	vadd.f32 v4, v3  }
0x3e5: {  	[tilespmem:s3+$0x9380] =	vst v2;
	s2 =	rddreg [dreg:$0x1f];
	v5 =	vld [tilespmem:s10+$0x0];
	v7 =	vadd.f32 v7, v12  }
0x3e6: {  	s24 =	sadd.s32 $0x0, s2;
	v2 =	vadd.f32 v32, v9;
	v4 =	vld [tilespmem:s25+$0x3280];
	[tilespmem:s4+$0x9380] =	vst v3  }
0x3e7: {  	s29 =	sadd.s32 s7, s24;
	[tilespmem:s25+$0x9200] =	vst v7;
	v9 =	vld [tilespmem:s8+$0x3180];
	s3 =	sld [smem:$0x7A7]  }
0x3e8: {  	v1 =	vld [tilespmem:s29+$0x0];
	v2 =	vadd.f32 v10, v2;
	v7 =	vadd.f32 v11, v31  }
0x3e9: {  	v6 =	vld [tilespmem:s31+$0x280]  }
0x3ea: {  	s2 =	sadd.s32 s28, s26;
	v3 =	vadd.f32 v33, v8;
	v8 =	vld [tilespmem:s18+$0x180];
	[tilespmem:s14+$0x9180] =	vst v2;
	v0 =	vadd.f32 v0, v7;
	s4 =	sadd.s32 $0x0, s3  }
0x3eb: {  	s5 =	sadd.s32 s16, s30;
	v2 =	vld [tilespmem:s2+$0x0];
	[smem:$0x7A6] =	sst s4  }
0x3ec: {  	s29 =	sadd.s32 s11, s1;
	[tilespmem:s21+$0x9000] =	vst v0;
	v0 =	vld [tilespmem:s5+$0x0]  }
0x3ed: {  	v7 =	vld [tilespmem:s29+$0x0]  }
0x3ee: {  	v11 =	vld [tilespmem:s14+$0x3200]  }
0x3ef: {  	v34 =	vld [tilespmem:s22+$0x200]  }
0x3f0: {  	v3 =	vadd.f32 v5, v3;
	v35 =	vld [tilespmem:s25+$0x3300]  }
0x3f1: {  	s10 =	sadd.s32 s12, s4;
	v39 =	vld [tilespmem:s9+$0x3200]  }
0x3f2: {  	[tilespmem:s9+$0x9180] =	vst v3;
	v3 =	vadd.f32 v6, v4;
	s21 =	sadd.s32 s19, s30;
	v4 =	vld [tilespmem:s10+$0x0]  }
0x3f3: {  	s29 =	sadd.s32 s16, s23;
	v5 =	vld [tilespmem:s21+$0x0]  }
0x3f4: {  	s26 =	sadd.s32 s17, s30;
	v6 =	vadd.f32 v8, v9;
	s30 =	sadd.s32 s19, s23;
	v9 =	vld [tilespmem:s29+$0x0]  }
0x3f5: {  	s0 =	smov.u32 s15;
	v37 =	vld [tilespmem:s30+$0x0]  }
0x3f6: {  	v17 =	vld [tilespmem:s0+$0x180]  }
0x3f7: {  	v18 =	vld [tilespmem:s20+$0x200];
	v2 =	vadd.f32 v2, v6  }
0x3f8: {  	s4 =	sadd.s32 s6, s1;
	s15 =	sld [smem:$0x79D];
	v1 =	vadd.f32 v1, v3;
	v3 =	vld [tilespmem:s26+$0x0]  }
0x3f9: {  	s1 =	sadd.s32 s28, s1;
	v6 =	vld [tilespmem:s4+$0x0];
	[tilespmem:s8+$0x9180] =	vst v2  }
0x3fa: {  	s5 =	simm.s32 $0x1800;
	[tilespmem:s25+$0x9280] =	vst v1;
	v2 =	vld [tilespmem:s1+$0x0]  }
0x3fb: {  	s21 =	sadd.s32 $0x0, s15;
	s1 =	sor.u32 s16, s5;
	v36 =	vld [tilespmem:s31+$0x300]  }
0x3fc: {  	s2 =	sadd.s32 s7, s21;
	v8 =	vld [tilespmem:s1+$0x3000]  }
0x3fd: {  	s3 =	sor.u32 s19, s5;
	s26 =	simm.s32 $0x1980;
	v11 =	vadd.f32 v34, v11;
	v1 =	vld [tilespmem:s2+$0x0]  }
0x3fe: {  	v10 =	vld [tilespmem:s3+$0x3000];
	s15 =	sor.u32 s12, s26  }
0x3ff: {  	s10 =	simm.s32 $0x1800;
	v38 =	vld [tilespmem:s15+$0x3000];
	v7 =	vadd.f32 v7, v11  }
0x400: {  	s26 =	smov.u32 s0;
	s0 =	sor.u32 s17, s10;
	v40 =	vld [tilespmem:s18+$0x200];
	v11 =	vadd.f32 v36, v35  }
0x401: {  	[tilespmem:s14+$0x9200] =	vst v7;
	v7 =	vld [tilespmem:s0+$0x3000];
	v8 =	vadd.f32 v9, v8  }
0x402: {  	s10 =	sadd.s32 s17, s23;
	v9 =	vld [tilespmem:s8+$0x3200];
	v1 =	vadd.f32 v1, v11  }
0x403: {  	v0 =	vadd.f32 v0, v8;
	v8 =	vld [tilespmem:s10+$0x0];
	[smem:$0x7A5] =	sst s10  }
0x404: {  	s2 =	sld [smem:$0x79E];
	[tilespmem:s25+$0x9300] =	vst v1  }
0x405: {  	v1 =	vadd.f32 v17, v38;
	[tilespmem:s1+$0x9000] =	vst v0  }
0x406: {  	v41 =	vld [tilespmem:s14+$0x3280];
	s4 =	sld [smem:$0x7A8]  }
0x407: {  	s5 =	sadd.s32 $0x0, s2;
	v42 =	vld [tilespmem:s22+$0x280];
	v1 =	vadd.f32 v4, v1  }
0x408: {  	v11 =	vadd.f32 v18, v39;
	s23 =	sadd.s32 s7, s5;
	v0 =	vld [tilespmem:s31+$0x380]  }
0x409: {  	v4 =	vadd.f32 v40, v9;
	[tilespmem:s15+$0x9000] =	vst v1;
	v1 =	vld [tilespmem:s23+$0x0];
	s23 =	sadd.s32 $0x0, s4  }
0x40a: {  	v6 =	vadd.f32 v6, v11;
	s31 =	sadd.s32 s11, s24;
	v9 =	vld [tilespmem:s25+$0x3380];
	[smem:$0x7A9] =	sst s23  }
0x40b: {  	v2 =	vadd.f32 v2, v4;
	s2 =	sadd.s32 s12, s23;
	v4 =	vld [tilespmem:s31+$0x0]  }
0x40c: {  	v10 =	vadd.f32 v37, v10;
	s4 =	sadd.s32 s16, s13;
	[tilespmem:s9+$0x9200] =	vst v6;
	v6 =	vld [tilespmem:s2+$0x0]  }
0x40d: {  	[tilespmem:s8+$0x9200] =	vst v2;
	v2 =	vld [tilespmem:s4+$0x0]  }
0x40e: {  	v5 =	vadd.f32 v5, v10;
	v10 =	vld [tilespmem:s26+$0x200]  }
0x40f: {  	v11 =	vld [tilespmem:s29+$0x80]  }
0x410: {  	v7 =	vadd.f32 v8, v7;
	v45 =	vld [tilespmem:s9+$0x3280]  }
0x411: {  	v46 =	vld [tilespmem:s8+$0x3280]  }
0x412: {  	v3 =	vadd.f32 v3, v7;
	v20 =	vld [tilespmem:s14+$0x3300]  }
0x413: {  	s15 =	sadd.s32 s19, s13;
	[tilespmem:s3+$0x9000] =	vst v5;
	v50 =	vld [tilespmem:s9+$0x3300]  }
0x414: {  	[tilespmem:s0+$0x9000] =	vst v3;
	v3 =	vld [tilespmem:s15+$0x0]  }
0x415: {  	v44 =	vld [tilespmem:s30+$0x80]  }
0x416: {  	v47 =	vld [tilespmem:s20+$0x280]  }
0x417: {  	v0 =	vadd.f32 v0, v9;
	s31 =	sadd.s32 s17, s13;
	v48 =	vld [tilespmem:s18+$0x280]  }
0x418: {  	s1 =	sadd.s32 s6, s24;
	s23 =	sld [smem:$0x79F];
	v7 =	vld [tilespmem:s31+$0x0]  }
0x419: {  	v5 =	vadd.f32 v42, v41;
	v0 =	vadd.f32 v1, v0;
	v1 =	vld [tilespmem:s1+$0x0]  }
0x41a: {  	s2 =	sadd.s32 s28, s24;
	v19 =	vld [tilespmem:s10+$0x80];
	s31 =	simm.s32 $0x1800  }
0x41b: {  	s13 =	sld [smem:$0x7A0];
	s0 =	sor.u32 s7, s31;
	s24 =	sadd.s32 $0x0, s23;
	[tilespmem:s25+$0x9380] =	vst v0;
	v4 =	vadd.f32 v4, v5;
	v5 =	vld [tilespmem:s2+$0x0]  }
0x41c: {  	s15 =	simm.s32 $0x1880;
	s3 =	sadd.s32 s7, s24;
	v52 =	vld [tilespmem:s0+$0x3000]  }
0x41d: {  	s23 =	simm.s32 $0x1A00;
	s2 =	sor.u32 s19, s15;
	v0 =	vld [tilespmem:s3+$0x0]  }
0x41e: {  	s3 =	sor.u32 s12, s23;
	v43 =	vld [tilespmem:s2+$0x3000]  }
0x41f: {  	s4 =	sadd.s32 s11, s21;
	v14 =	vadd.f32 v47, v45;
	[tilespmem:s14+$0x9280] =	vst v4;
	v9 =	vld [tilespmem:s3+$0x3000]  }
0x420: {  	s25 =	simm.s32 $0x1880;
	v4 =	vld [tilespmem:s4+$0x0];
	s4 =	sor.u32 s16, s15  }
0x421: {  	s1 =	sor.u32 s17, s25;
	v15 =	vadd.f32 v48, v46;
	v1 =	vadd.f32 v1, v14;
	v8 =	vld [tilespmem:s4+$0x3000]  }
0x422: {  	s25 =	sadd.s32 $0x0, s13;
	v49 =	vld [tilespmem:s1+$0x3000]  }
0x423: {  	s23 =	smov.u32 s29;
	s29 =	smov.u32 s30;
	s30 =	sadd.s32 s7, s25;
	v5 =	vadd.f32 v5, v15;
	[tilespmem:s9+$0x9280] =	vst v1;
	v1 =	vld [tilespmem:s22+$0x300]  }
0x424: {  	s10 =	sld [smem:$0x7AA];
	v53 =	vld [tilespmem:s30+$0x0]  }
0x425: {  	v9 =	vadd.f32 v10, v9;
	[tilespmem:s8+$0x9280] =	vst v5;
	v5 =	vld [tilespmem:s20+$0x300]  }
0x426: {  	v51 =	vld [tilespmem:s8+$0x3300];
	v8 =	vadd.f32 v11, v8  }
0x427: {  	s13 =	sadd.s32 s6, s21;
	s15 =	sadd.s32 $0x0, s10;
	v10 =	vld [tilespmem:s18+$0x300];
	v6 =	vadd.f32 v6, v9;
	v9 =	vadd.f32 v44, v43  }
0x428: {  	s21 =	sadd.s32 s28, s21;
	v54 =	vadd.f32 v19, v49;
	v11 =	vld [tilespmem:s13+$0x0];
	[smem:$0x7AB] =	sst s15;
	v1 =	vadd.f32 v1, v20  }
0x429: {  	v2 =	vadd.f32 v2, v8;
	[tilespmem:s3+$0x9000] =	vst v6;
	v6 =	vld [tilespmem:s21+$0x0];
	v3 =	vadd.f32 v3, v9  }
0x42a: {  	s31 =	sadd.s32 s12, s15;
	v8 =	vadd.f32 v53, v52;
	v5 =	vadd.f32 v5, v50  }
0x42b: {  	v9 =	vld [tilespmem:s31+$0x0];
	v1 =	vadd.f32 v4, v1;
	[tilespmem:s4+$0x9000] =	vst v2;
	v2 =	vadd.f32 v7, v54  }
0x42c: {  	s10 =	sld [smem:$0x7A1];
	v55 =	vld [tilespmem:s26+$0x280];
	v0 =	vadd.f32 v0, v8;
	v7 =	vadd.f32 v10, v51  }
0x42d: {  	s4 =	sld [smem:$0x7A2];
	[tilespmem:s14+$0x9300] =	vst v1;
	v59 =	vld [tilespmem:s23+$0x100]  }
0x42e: {  	s3 =	sadd.s32 s11, s5;
	s14 =	simm.s32 $0x1A80;
	[tilespmem:s0+$0x9000] =	vst v0;
	v0 =	vadd.f32 v11, v5;
	v5 =	vadd.f32 v6, v7;
	v6 =	vld [tilespmem:s22+$0x380]  }
0x42f: {  	s0 =	sor.u32 s12, s14;
	v7 =	vld [tilespmem:s3+$0x0]  }
0x430: {  	v11 =	vld [tilespmem:s0+$0x3000]  }
0x431: {  	v57 =	vld [tilespmem:s30+$0x80];
	s13 =	sadd.s32 s16, s4  }
0x432: {  	[tilespmem:s2+$0x9000] =	vst v3;
	s15 =	sadd.s32 s19, s4;
	v3 =	vld [tilespmem:s13+$0x0]  }
0x433: {  	[tilespmem:s1+$0x9000] =	vst v2;
	s31 =	sadd.s32 s17, s4;
	v2 =	vld [tilespmem:s15+$0x0]  }
0x434: {  	[tilespmem:s9+$0x9300] =	vst v0;
	v4 =	vld [tilespmem:s31+$0x0]  }
0x435: {  	s22 =	simm.s32 $0x1880;
	s4 =	sadd.s32 s6, s5;
	v0 =	vld [tilespmem:s20+$0x380]  }
0x436: {  	s1 =	sor.u32 s7, s22;
	v8 =	vld [tilespmem:s4+$0x0]  }
0x437: {  	s21 =	smov.u32 s23;
	[tilespmem:s8+$0x9300] =	vst v5;
	v56 =	vld [tilespmem:s1+$0x3000]  }
0x438: {  	s23 =	simm.s32 $0x0;
	s13 =	sadd.s32 $0x0, s10;
	s10 =	sadd.s32 s28, s5;
	v5 =	vld [tilespmem:s18+$0x380]  }
0x439: {  	s15 =	simm.s32 $0x1900;
	s20 =	simm.s32 $0x40;
	s2 =	sadd.s32 s7, s13;
	v10 =	vld [tilespmem:s10+$0x0]  }
0x43a: {  	s18 =	simm.s32 $0x40;
	s4 =	sor.u32 s23, s20;
	v1 =	vld [tilespmem:s2+$0x0];
	s2 =	sor.u32 s16, s15  }
0x43b: {  	s4 =	sor.u32 $0x380, s4;
	v58 =	vld [tilespmem:s2+$0x3000];
	[smem:$0x7A3] =	sst s18  }
0x43c: {  	v61 =	vld [tilespmem:s4+$0x3000]  }
0x43d: {  	v62 =	vld [tilespmem:s9+$0x3380];
	v13 =	vadd.f32 v57, v56;
	_ =	sdelay $0x1  }
0x43e: {  	v11 =	vadd.f32 v55, v11;
	v63 =	vld [tilespmem:s8+$0x3380];
	v1 =	vadd.f32 v1, v13  }
0x43f: {  	s5 =	sor.u32 s19, s15;
	v21 =	vadd.f32 v59, v58  }
0x440: {  	s10 =	smov.u32 s26;
	s26 =	simm.s32 $0x1900;
	s14 =	sld [smem:$0x7A4];
	v60 =	vld [tilespmem:s5+$0x3000];
	[tilespmem:s1+$0x9000] =	vst v1;
	v1 =	vadd.f32 v9, v11;
	v6 =	vadd.f32 v6, v61  }
0x441: {  	s31 =	simm.s32 $0x1900;
	s23 =	sld [smem:$0x7AD];
	s18 =	sor.u32 s17, s26;
	v20 =	vld [tilespmem:s29+$0x100];
	v0 =	vadd.f32 v0, v62;
	v3 =	vadd.f32 v3, v21  }
0x442: {  	s31 =	sor.u32 s7, s31;
	v22 =	vld [tilespmem:s18+$0x3000];
	s26 =	sld [smem:$0x7A5];
	[tilespmem:s0+$0x9000] =	vst v1;
	v6 =	vadd.f32 v7, v6  }
0x443: {  	s14 =	sadd.s32 $0x0, s14;
	v11 =	vld [tilespmem:s31+$0x3000];
	v1 =	vadd.f32 v5, v63;
	v0 =	vadd.f32 v8, v0;
	[tilespmem:s2+$0x9000] =	vst v3  }
0x444: {  	s3 =	sadd.s32 s7, s14;
	v5 =	vld [tilespmem:s30+$0x100];
	[tilespmem:s4+$0x9000] =	vst v6  }
0x445: {  	s20 =	sadd.s32 $0x0, s23;
	v3 =	vld [tilespmem:s3+$0x0];
	v1 =	vadd.f32 v10, v1;
	[tilespmem:s9+$0x9380] =	vst v0;
	s1 =	sld [smem:$0x7AF]  }
0x446: {  	v9 =	vld [tilespmem:s26+$0x100];
	[smem:$0x7AE] =	sst s20  }
0x447: {  	[tilespmem:s8+$0x9380] =	vst v1  }
0x448: {  	v6 =	vadd.f32 v20, v60;
	[smem:$0x7AC] =	sst s1  }
0x449: {  	s23 =	sadd.s32 s12, s20;
	s3 =	sld [smem:$0x7A6]  }
0x44a: {  	v1 =	vadd.f32 v2, v6;
	v2 =	vld [tilespmem:s23+$0x0]  }
0x44b: {  	v7 =	vld [tilespmem:s10+$0x300];
	v0 =	vadd.f32 v9, v22  }
0x44c: {  	v9 =	vld [tilespmem:s21+$0x180];
	s8 =	sadd.s32 s16, s3  }
0x44d: {  	[tilespmem:s5+$0x9000] =	vst v1;
	v0 =	vadd.f32 v4, v0;
	v1 =	vld [tilespmem:s8+$0x0]  }
0x44e: {  	s9 =	sadd.s32 s19, s3;
	v4 =	vadd.f32 v5, v11;
	v11 =	vld [tilespmem:s29+$0x180]  }
0x44f: {  	[tilespmem:s18+$0x9000] =	vst v0;
	v0 =	vld [tilespmem:s9+$0x0];
	s18 =	sadd.s32 s17, s3  }
0x450: {  	v3 =	vadd.f32 v3, v4;
	s9 =	sadd.s32 s11, s25;
	v4 =	vld [tilespmem:s18+$0x0]  }
0x451: {  	v24 =	vld [tilespmem:s9+$0x0]  }
0x452: {  	s20 =	sadd.s32 s11, s24;
	s3 =	simm.s32 $0x1980;
	v26 =	vld [tilespmem:s26+$0x180]  }
0x453: {  	s4 =	sld [smem:$0x7A7];
	s5 =	sor.u32 s16, s3;
	[tilespmem:s31+$0x9000] =	vst v3;
	v3 =	vld [tilespmem:s20+$0x0]  }
0x454: {  	s8 =	sor.u32 s19, s3;
	s18 =	simm.s32 $0x1800;
	v8 =	vld [tilespmem:s5+$0x3000]  }
0x455: {  	s15 =	smov.u32 s29;
	v10 =	vld [tilespmem:s8+$0x3000];
	s29 =	sor.u32 s11, s18  }
0x456: {  	s23 =	sadd.s32 $0x0, s4;
	s4 =	simm.s32 $0x1980;
	s31 =	simm.s32 $0x1B00;
	v23 =	vld [tilespmem:s29+$0x3000]  }
0x457: {  	s2 =	sor.u32 s12, s31;
	s31 =	sor.u32 s17, s4;
	s4 =	simm.s32 $0x1980;
	v29 =	vld [tilespmem:s30+$0x180]  }
0x458: {  	v6 =	vld [tilespmem:s2+$0x3000];
	s0 =	sor.u32 s7, s4  }
0x459: {  	s1 =	sadd.s32 s7, s23;
	v28 =	vld [tilespmem:s0+$0x3000]  }
0x45a: {  	s3 =	sor.u32 s6, s18;
	v5 =	vld [tilespmem:s1+$0x0]  }
0x45b: {  	s20 =	smov.u32 s26;
	s26 =	simm.s32 $0x1800;
	v27 =	vld [tilespmem:s3+$0x3000];
	v8 =	vadd.f32 v9, v8  }
0x45c: {  	s1 =	sor.u32 s28, s26;
	v25 =	vld [tilespmem:s31+$0x3000];
	v12 =	vadd.f32 v24, v23  }
0x45d: {  	s4 =	sadd.s32 s6, s25;
	v9 =	vld [tilespmem:s1+$0x3000];
	v6 =	vadd.f32 v7, v6;
	v1 =	vadd.f32 v1, v8  }
0x45e: {  	s26 =	sadd.s32 s28, s25;
	v7 =	vld [tilespmem:s4+$0x0];
	v3 =	vadd.f32 v3, v12;
	v8 =	vadd.f32 v29, v28  }
0x45f: {  	s18 =	sadd.s32 s6, s24;
	v2 =	vadd.f32 v2, v6;
	v6 =	vadd.f32 v11, v10;
	v10 =	vld [tilespmem:s26+$0x0]  }
0x460: {  	s24 =	sadd.s32 s28, s24;
	v11 =	vld [tilespmem:s18+$0x0];
	[tilespmem:s29+$0x9000] =	vst v3  }
0x461: {  	v3 =	vadd.f32 v26, v25;
	v5 =	vadd.f32 v5, v8;
	[tilespmem:s2+$0x9000] =	vst v2;
	v2 =	vld [tilespmem:s24+$0x0]  }
0x462: {  	[tilespmem:s5+$0x9000] =	vst v1;
	v6 =	vadd.f32 v0, v6;
	s2 =	sld [smem:$0x7A8];
	v33 =	vld [tilespmem:s9+$0x80]  }
0x463: {  	v0 =	vld [tilespmem:s10+$0x380];
	v1 =	vadd.f32 v4, v3;
	s18 =	sld [smem:$0x7A9];
	v4 =	vadd.f32 v7, v27;
	[tilespmem:s0+$0x9000] =	vst v5  }
0x464: {  	[tilespmem:s8+$0x9000] =	vst v6;
	v6 =	vadd.f32 v10, v9;
	v10 =	vld [tilespmem:s30+$0x200]  }
0x465: {  	s8 =	simm.s32 $0x1A00;
	v4 =	vadd.f32 v11, v4;
	v11 =	vld [tilespmem:s21+$0x200]  }
0x466: {  	s10 =	sor.u32 s16, s8;
	v31 =	vld [tilespmem:s15+$0x200]  }
0x467: {  	s24 =	sadd.s32 s16, s18;
	v8 =	vld [tilespmem:s10+$0x3000]  }
0x468: {  	s25 =	sadd.s32 s19, s18;
	v3 =	vld [tilespmem:s24+$0x0]  }
0x469: {  	s5 =	sadd.s32 s28, s13;
	[tilespmem:s31+$0x9000] =	vst v1;
	s29 =	sadd.s32 s17, s18;
	s18 =	sadd.s32 $0x0, s2;
	v1 =	vld [tilespmem:s25+$0x0];
	v2 =	vadd.f32 v2, v6  }
0x46a: {  	s2 =	sadd.s32 s11, s13;
	v7 =	vld [tilespmem:s29+$0x0];
	[tilespmem:s3+$0x9000] =	vst v4;
	s3 =	sadd.s32 s6, s13;
	s13 =	simm.s32 $0x1A00  }
0x46b: {  	v4 =	vld [tilespmem:s2+$0x0];
	[tilespmem:s1+$0x9000] =	vst v2;
	s1 =	sor.u32 s7, s13  }
0x46c: {  	s31 =	sadd.s32 s7, s18;
	v9 =	vld [tilespmem:s1+$0x3000]  }
0x46d: {  	s24 =	sor.u32 s19, s8;
	v5 =	vld [tilespmem:s31+$0x0]  }
0x46e: {  	s29 =	sor.u32 s11, s22;
	v30 =	vld [tilespmem:s24+$0x3000]  }
0x46f: {  	v32 =	vld [tilespmem:s29+$0x3000]  }
0x470: {  	v2 =	vld [tilespmem:s3+$0x0];
	s3 =	sld [smem:$0x7AA]  }
0x471: {  	v34 =	vld [tilespmem:s4+$0x80];
	v9 =	vadd.f32 v10, v9  }
0x472: {  	s2 =	sor.u32 s6, s22;
	v6 =	vld [tilespmem:s5+$0x0]  }
0x473: {  	s22 =	sor.u32 s28, s22;
	v8 =	vadd.f32 v11, v8;
	s3 =	sadd.s32 $0x0, s3;
	v10 =	vld [tilespmem:s2+$0x3000];
	v5 =	vadd.f32 v5, v9  }
0x474: {  	v12 =	vadd.f32 v31, v30;
	v9 =	vld [tilespmem:s22+$0x3000];
	[smem:$0x7B4] =	sst s3  }
0x475: {  	v3 =	vadd.f32 v3, v8;
	v8 =	vadd.f32 v33, v32;
	[tilespmem:s1+$0x9000] =	vst v5;
	v5 =	vld [tilespmem:s26+$0x80]  }
0x476: {  	s31 =	smov.u32 s21;
	s21 =	simm.s32 $0x1A80;
	v1 =	vadd.f32 v1, v12  }
0x477: {  	s0 =	sor.u32 s16, s21;
	v4 =	vadd.f32 v4, v8;
	v36 =	vld [tilespmem:s20+$0x200];
	[tilespmem:s10+$0x9000] =	vst v3  }
0x478: {  	s25 =	simm.s32 $0x1A00;
	s5 =	sor.u32 s19, s21;
	[tilespmem:s24+$0x9000] =	vst v1;
	v8 =	vld [tilespmem:s0+$0x3000]  }
0x479: {  	[tilespmem:s29+$0x9000] =	vst v4;
	s1 =	sor.u32 s17, s25;
	v4 =	vld [tilespmem:s5+$0x3000];
	v10 =	vadd.f32 v34, v10  }
0x47a: {  	s13 =	simm.s32 $0x1A80;
	v11 =	vld [tilespmem:s1+$0x3000];
	v3 =	vadd.f32 v5, v9  }
0x47b: {  	s25 =	sor.u32 s7, s13;
	v39 =	vld [tilespmem:s9+$0x100];
	v1 =	vadd.f32 v2, v10  }
0x47c: {  	v37 =	vld [tilespmem:s25+$0x3000];
	v3 =	vadd.f32 v6, v3  }
0x47d: {  	s8 =	sadd.s32 s7, s3;
	v5 =	vld [tilespmem:s30+$0x280];
	[tilespmem:s2+$0x9000] =	vst v1  }
0x47e: {  	v35 =	vld [tilespmem:s8+$0x0];
	[tilespmem:s22+$0x9000] =	vst v3  }
0x47f: {  	v2 =	vld [tilespmem:s31+$0x280];
	v1 =	vadd.f32 v36, v11;
	s3 =	sld [smem:$0x7AB]  }
0x480: {  	v41 =	vld [tilespmem:s4+$0x100]  }
0x481: {  	v7 =	vadd.f32 v7, v1;
	v3 =	vld [tilespmem:s15+$0x280]  }
0x482: {  	s29 =	sld [smem:$0x7AC];
	v5 =	vadd.f32 v5, v37;
	v47 =	vld [tilespmem:s26+$0x100];
	s24 =	sadd.s32 s16, s3  }
0x483: {  	s8 =	smov.u32 s20;
	[tilespmem:s1+$0x9000] =	vst v7;
	v6 =	vld [tilespmem:s24+$0x0]  }
0x484: {  	v10 =	vld [tilespmem:s8+$0x280];
	v5 =	vadd.f32 v35, v5;
	s13 =	sadd.s32 s19, s3  }
0x485: {  	s22 =	sld [smem:$0x7AD];
	s10 =	sadd.s32 $0x0, s29;
	s29 =	sadd.s32 s11, s14;
	v9 =	vld [tilespmem:s13+$0x0]  }
0x486: {  	s2 =	smov.u32 s15;
	v2 =	vadd.f32 v2, v8;
	s15 =	sadd.s32 s12, s10;
	[tilespmem:s25+$0x9000] =	vst v5;
	v5 =	vld [tilespmem:s29+$0x0]  }
0x487: {  	s24 =	sadd.s32 s17, s3;
	v1 =	vld [tilespmem:s15+$0x0]  }
0x488: {  	s3 =	sadd.s32 $0x0, s22;
	v7 =	vld [tilespmem:s24+$0x0];
	v2 =	vadd.f32 v6, v2  }
0x489: {  	s25 =	simm.s32 $0x1900;
	s1 =	sadd.s32 s7, s3;
	v45 =	vld [tilespmem:s30+$0x300]  }
0x48a: {  	v3 =	vadd.f32 v3, v4;
	s29 =	sor.u32 s11, s25;
	v4 =	vld [tilespmem:s1+$0x0];
	[tilespmem:s0+$0x9000] =	vst v2  }
0x48b: {  	s13 =	sadd.s32 s6, s14;
	v38 =	vld [tilespmem:s29+$0x3000];
	s1 =	sld [smem:$0x7AE]  }
0x48c: {  	s14 =	sadd.s32 s28, s14;
	s24 =	simm.s32 $0x1B00;
	v6 =	vld [tilespmem:s13+$0x0]  }
0x48d: {  	v3 =	vadd.f32 v9, v3;
	v2 =	vld [tilespmem:s14+$0x0];
	s14 =	sor.u32 s16, s24  }
0x48e: {  	v11 =	vld [tilespmem:s14+$0x3000];
	s20 =	sadd.s32 s16, s1  }
0x48f: {  	[tilespmem:s5+$0x9000] =	vst v3;
	v3 =	vld [tilespmem:s20+$0x0];
	s20 =	sor.u32 s6, s25  }
0x490: {  	s21 =	simm.s32 $0x1A80;
	v40 =	vld [tilespmem:s20+$0x3000]  }
0x491: {  	v12 =	vadd.f32 v39, v38;
	s5 =	sor.u32 s17, s21;
	v42 =	vld [tilespmem:s31+$0x300]  }
0x492: {  	s0 =	simm.s32 $0x1B00;
	v9 =	vld [tilespmem:s5+$0x3000];
	s22 =	sadd.s32 s19, s1  }
0x493: {  	v5 =	vadd.f32 v5, v12;
	v8 =	vld [tilespmem:s22+$0x0];
	s22 =	sor.u32 s19, s24;
	s24 =	sor.u32 s7, s0  }
0x494: {  	s25 =	simm.s32 $0x1900;
	v44 =	vld [tilespmem:s24+$0x3000]  }
0x495: {  	[tilespmem:s29+$0x9000] =	vst v5;
	v5 =	vld [tilespmem:s2+$0x300];
	s21 =	sor.u32 s28, s25;
	v14 =	vadd.f32 v41, v40  }
0x496: {  	v46 =	vld [tilespmem:s21+$0x3000]  }
0x497: {  	s29 =	simm.s32 $0x1980;
	v49 =	vld [tilespmem:s9+$0x180];
	v6 =	vadd.f32 v6, v14  }
0x498: {  	v43 =	vld [tilespmem:s22+$0x3000];
	s25 =	sor.u32 s11, s29  }
0x499: {  	s15 =	sld [smem:$0x7AF];
	v48 =	vld [tilespmem:s25+$0x3000];
	[tilespmem:s20+$0x9000] =	vst v6;
	v6 =	vadd.f32 v45, v44;
	s20 =	sor.u32 s6, s29  }
0x49a: {  	v50 =	vld [tilespmem:s20+$0x3000]  }
0x49b: {  	s13 =	sadd.s32 s11, s23;
	v12 =	vadd.f32 v47, v46;
	v4 =	vadd.f32 v4, v6;
	v6 =	vld [tilespmem:s4+$0x180]  }
0x49c: {  	v51 =	vld [tilespmem:s13+$0x0];
	s13 =	sadd.s32 s6, s23;
	v9 =	vadd.f32 v10, v9  }
0x49d: {  	v10 =	vadd.f32 v42, v11;
	v2 =	vadd.f32 v2, v12;
	[tilespmem:s24+$0x9000] =	vst v4;
	v4 =	vld [tilespmem:s13+$0x0]  }
0x49e: {  	v7 =	vadd.f32 v7, v9  }
0x49f: {  	s15 =	sadd.s32 $0x0, s15;
	[tilespmem:s21+$0x9000] =	vst v2;
	v2 =	vadd.f32 v3, v10;
	v3 =	vadd.f32 v49, v48  }
0x4a0: {  	v5 =	vadd.f32 v5, v43;
	s29 =	sadd.s32 s7, s15;
	v6 =	vadd.f32 v6, v50  }
0x4a1: {  	[tilespmem:s14+$0x9000] =	vst v2;
	v3 =	vadd.f32 v51, v3;
	v9 =	vld [tilespmem:s29+$0x0];
	s29 =	simm.s32 $0x1980  }
0x4a2: {  	[tilespmem:s5+$0x9000] =	vst v7;
	v5 =	vadd.f32 v8, v5;
	v8 =	vld [tilespmem:s31+$0x380];
	s31 =	sor.u32 s28, s29;
	v4 =	vadd.f32 v4, v6  }
0x4a3: {  	[tilespmem:s25+$0x9000] =	vst v3;
	v3 =	vld [tilespmem:s31+$0x3000]  }
0x4a4: {  	[tilespmem:s20+$0x9000] =	vst v4;
	v4 =	vld [tilespmem:s26+$0x180]  }
0x4a5: {  	v54 =	vld [tilespmem:s8+$0x300];
	s21 =	sadd.s32 s28, s23  }
0x4a6: {  	s5 =	simm.s32 $0x1B80;
	s23 =	sadd.s32 s17, s1;
	v7 =	vld [tilespmem:s21+$0x0]  }
0x4a7: {  	v2 =	vld [tilespmem:s23+$0x0];
	s23 =	smov.u32 s9;
	s9 =	sor.u32 s12, s5  }
0x4a8: {  	s14 =	simm.s32 $0x1B00;
	v52 =	vld [tilespmem:s9+$0x3000]  }
0x4a9: {  	s13 =	sor.u32 s17, s14;
	v11 =	vld [tilespmem:s30+$0x380];
	v3 =	vadd.f32 v4, v3  }
0x4aa: {  	s24 =	sadd.s32 s11, s18;
	s14 =	simm.s32 $0x1B80;
	v53 =	vld [tilespmem:s13+$0x3000]  }
0x4ab: {  	[tilespmem:s22+$0x9000] =	vst v5;
	s7 =	sor.u32 s7, s14;
	v5 =	vld [tilespmem:s24+$0x0];
	v3 =	vadd.f32 v7, v3  }
0x4ac: {  	v55 =	vld [tilespmem:s7+$0x3000];
	s24 =	sor.u32 s16, s5  }
0x4ad: {  	v56 =	vld [tilespmem:s24+$0x3000];
	[tilespmem:s31+$0x9000] =	vst v3  }
0x4ae: {  	s22 =	smov.u32 s4;
	s25 =	sadd.s32 s6, s18;
	v6 =	vld [tilespmem:s2+$0x380];
	s4 =	sld [smem:$0x7F0]  }
0x4af: {  	s20 =	simm.s32 $0x1A00;
	v10 =	vld [tilespmem:s25+$0x0];
	s25 =	sld [smem:$0x7B0]  }
0x4b0: {  	s1 =	sor.u32 s11, s20;
	s20 =	sor.u32 s6, s20;
	v58 =	vld [tilespmem:s22+$0x200]  }
0x4b1: {  	s21 =	simm.s32 $0x1A00;
	v57 =	vld [tilespmem:s20+$0x3000]  }
0x4b2: {  	s12 =	sor.u32 s28, s21;
	v4 =	vld [tilespmem:s1+$0x3000];
	v3 =	vadd.f32 v54, v53;
	s4 =	sor.u32 s25, s4  }
0x4b3: {  	s21 =	simm.s32 $0x1A80;
	s29 =	smov.u32 s8;
	v7 =	vld [tilespmem:s23+$0x200];
	[smem:$0x7B1] =	sst s4  }
0x4b4: {  	s8 =	sadd.s32 s17, s10;
	s31 =	sor.u32 s19, s5;
	v2 =	vadd.f32 v2, v3;
	s25 =	sor.u32 s17, s5;
	v59 =	vld [tilespmem:s12+$0x3000]  }
0x4b5: {  	s5 =	sadd.s32 s19, s10;
	s4 =	sadd.s32 s16, s10;
	s10 =	smov.u32 s31;
	v60 =	vld [tilespmem:s26+$0x200]  }
0x4b6: {  	s19 =	sadd.s32 s28, s18;
	v61 =	vld [tilespmem:s10+$0x3000];
	[tilespmem:s13+$0x9000] =	vst v2;
	s13 =	sor.u32 s28, s21  }
0x4b7: {  	v62 =	vld [tilespmem:s19+$0x0];
	[smem:$0x7B3] =	sst s13  }
0x4b8: {  	s13 =	sld [smem:$0x7B4];
	_ =	sdelay $0x1  }
0x4b9: {  	s31 =	sor.u32 s6, s21  }
0x4ba: {  	[smem:$0x7B2] =	sst s31;
	s16 =	sadd.s32 s11, s13  }
0x4bb: {  	v0 =	vadd.f32 v0, v52;
	s17 =	sadd.s32 s6, s13;
	[smem:$0x7B5] =	sst s16  }
0x4bc: {  	s19 =	sadd.s32 s28, s13;
	v2 =	vld [tilespmem:s29+$0x380];
	[smem:$0x7B6] =	sst s17  }
0x4bd: {  	v0 =	vadd.f32 v1, v0;
	s18 =	sor.u32 s11, s21;
	s21 =	sadd.s32 s11, s3;
	[smem:$0x7B7] =	sst s19  }
0x4be: {  	v11 =	vadd.f32 v11, v55;
	v3 =	vld [tilespmem:s4+$0x0];
	[smem:$0x7B8] =	sst s21  }
0x4bf: {  	s30 =	sor.u32 s11, s14;
	s2 =	sadd.s32 s28, s15;
	v1 =	vadd.f32 v7, v4;
	s29 =	sadd.s32 s6, s3;
	[tilespmem:s9+$0x9000] =	vst v0  }
0x4c0: {  	v7 =	vadd.f32 v9, v11;
	v9 =	vadd.f32 v58, v57;
	s31 =	sadd.s32 s28, s3;
	s13 =	sor.u32 s6, s14;
	v4 =	vld [tilespmem:s5+$0x0];
	[smem:$0x7B9] =	sst s29  }
0x4c1: {  	v63 =	vadd.f32 v5, v1;
	v11 =	vadd.f32 v60, v59;
	s19 =	sor.u32 s11, s0;
	s17 =	sor.u32 s6, s0;
	[smem:$0x7BA] =	sst s31  }
0x4c2: {  	v1 =	vadd.f32 v6, v61;
	s4 =	sor.u32 s28, s0;
	s0 =	sadd.s32 s6, s15;
	v0 =	vadd.f32 v8, v56;
	s9 =	sor.u32 s28, s14;
	[tilespmem:s7+$0x9000] =	vst v7;
	v5 =	vld [tilespmem:s8+$0x0]  }
0x4c3: {  	s5 =	sadd.s32 s11, s15;
	v8 =	vadd.f32 v10, v9;
	s7 =	smov.u32 s25;
	[tilespmem:s1+$0x9000] =	vst v63;
	v6 =	vld [tilespmem:s25+$0x3000];
	v7 =	vadd.f32 v62, v11;
	s1 =	simm.s32 $0x4  }
.LBB2_5:
0x4c4: {  	[smem:$0x781] =	sst s19  }
0x4c5: {  	[smem:$0x784] =	sst s17  }
0x4c6: {  	s6 =	sld [smem:$0x7A3]  }
0x4c7: {  	[smem:$0x799] =	sst s5  }
0x4c8: {  	s21 =	sld [smem:$0x7B2]  }
0x4c9: {  	s16 =	rddreg [dreg:$0x19];
	v9 =	vld [tilespmem:s18+$0x3000];
	s1 =	sadd.s32 $0x4, s1;
	s6 =	sadd.s32 $0x40, s6  }
0x4ca: {  	[smem:$0x77F] =	sst s18;
	[tilespmem:s20+$0x9000] =	vst v8;
	v8 =	vld [tilespmem:s23+$0x280];
	s17 =	sshrl.u32 s1, $0x3;
	s5 =	sand.u32 $0x40, s6  }
0x4cb: {  	s18 =	smov.u32 s30;
	v2 =	vadd.f32 v2, v6;
	s30 =	sshll.u32 s17, $0xA;
	v6 =	vld [tilespmem:s21+$0x3000];
	s3 =	sor.u32 $0x30, s5  }
0x4cc: {  	[smem:$0x79A] =	sst s0;
	v0 =	vadd.f32 v3, v0;
	v3 =	vld [tilespmem:s22+$0x280];
	s0 =	sadd.s32 s30, s16;
	s15 =	sor.u32 s30, s3  }
0x4cd: {  	s25 =	rddreg [dreg:$0x1a];
	v1 =	vadd.f32 v4, v1;
	s14 =	sshll.u32 s17, $0x9;
	s16 =	sadd.s32 s3, s0;
	v4 =	vld [tilespmem:s15+$0x3000]  }
0x4ce: {  	[smem:$0x79B] =	sst s2;
	s2 =	sadd.s32 s14, s25;
	[tilespmem:s24+$0x9000] =	vst v0;
	v0 =	vadd.f32 v5, v2;
	s19 =	sadd.s32 s5, s0;
	v2 =	vld [tilespmem:s16+$0x0]  }
0x4cf: {  	[smem:$0x77E] =	sst s26;
	[tilespmem:s12+$0x9000] =	vst v7;
	s28 =	sor.u32 $0x10, s5;
	s26 =	sadd.s32 s3, s2;
	v5 =	vld [tilespmem:s19+$0x0]  }
0x4d0: {  	s29 =	sor.u32 $0x20, s5;
	s20 =	sadd.s32 s28, s0;
	[tilespmem:s10+$0x9000] =	vst v1;
	v7 =	vld [tilespmem:s26+$0x0]  }
0x4d1: {  	[smem:$0x7B2] =	sst s21;
	s21 =	sadd.s32 s29, s0;
	v1 =	vadd.f32 v8, v9;
	v8 =	vld [tilespmem:s20+$0x0];
	[tilespmem:s7+$0x9000] =	vst v0  }
0x4d2: {  	s24 =	sor.u32 s5, s30;
	v0 =	vadd.f32 v3, v6;
	v3 =	vld [tilespmem:s21+$0x0]  }
0x4d3: {  	s12 =	sor.u32 s30, s28;
	v6 =	vld [tilespmem:s24+$0x3000];
	v2 =	vadd.f32 v2, v4  }
0x4d4: {  	s31 =	sor.u32 s30, s29;
	v4 =	vld [tilespmem:s12+$0x3000]  }
0x4d5: {  	[smem:$0x78B] =	sst s4;
	s4 =	sadd.s32 s5, s2;
	v9 =	vld [tilespmem:s31+$0x3000];
	v2 =	vadd.f32 v7, v2  }
0x4d6: {  	[smem:$0x7A3] =	sst s6;
	s6 =	sor.u32 s30, s6;
	v7 =	vld [tilespmem:s4+$0x0]  }
0x4d7: {  	s0 =	sor.u32 $0x380, s6;
	s10 =	smov.u32 s13;
	s13 =	rddreg [dreg:$0x1b];
	[tilespmem:s15+$0x9000] =	vst v2;
	v2 =	vld [tilespmem:s15+$0x3080]  }
0x4d8: {  	[smem:$0x77B] =	sst s0;
	s0 =	sadd.s32 s14, s13;
	s7 =	sadd.s32 s28, s2;
	v5 =	vadd.f32 v5, v6;
	v6 =	vld [tilespmem:s16+$0x80]  }
0x4d9: {  	[smem:$0x785] =	sst s22;
	s22 =	sadd.s32 s3, s0;
	v4 =	vadd.f32 v8, v4;
	v8 =	vld [tilespmem:s7+$0x0]  }
0x4da: {  	s2 =	sadd.s32 s29, s2;
	v3 =	vadd.f32 v3, v9;
	v9 =	vld [tilespmem:s22+$0x0]  }
0x4db: {  	v5 =	vadd.f32 v7, v5;
	v7 =	vld [tilespmem:s2+$0x0]  }
0x4dc: {  	v10 =	vld [tilespmem:s24+$0x3080]  }
0x4dd: {  	[tilespmem:s24+$0x9000] =	vst v5;
	v5 =	vld [tilespmem:s12+$0x3080];
	v2 =	vadd.f32 v6, v2  }
0x4de: {  	v6 =	vld [tilespmem:s19+$0x80];
	v4 =	vadd.f32 v8, v4  }
0x4df: {  	s17 =	sadd.s32 s5, s0;
	v8 =	vld [tilespmem:s31+$0x3080];
	v2 =	vadd.f32 v9, v2  }
0x4e0: {  	v9 =	vld [tilespmem:s17+$0x0];
	[tilespmem:s12+$0x9000] =	vst v4;
	v3 =	vadd.f32 v7, v3  }
0x4e1: {  	s25 =	rddreg [dreg:$0x1c];
	[tilespmem:s15+$0x9080] =	vst v2;
	v2 =	vld [tilespmem:s15+$0x3100]  }
0x4e2: {  	s8 =	smov.u32 s18;
	s2 =	sadd.s32 s14, s25;
	[tilespmem:s31+$0x9000] =	vst v3;
	v3 =	vld [tilespmem:s16+$0x100]  }
0x4e3: {  	[smem:$0x790] =	sst s8;
	s8 =	sadd.s32 s3, s2;
	v4 =	vadd.f32 v6, v10;
	v6 =	vld [tilespmem:s20+$0x80]  }
0x4e4: {  	v7 =	vld [tilespmem:s8+$0x0]  }
0x4e5: {  	s18 =	sadd.s32 s28, s0;
	v4 =	vadd.f32 v9, v4;
	v9 =	vld [tilespmem:s21+$0x80]  }
0x4e6: {  	s0 =	sadd.s32 s29, s0;
	v10 =	vld [tilespmem:s18+$0x0]  }
0x4e7: {  	[tilespmem:s24+$0x9080] =	vst v4;
	v4 =	vld [tilespmem:s0+$0x0];
	v2 =	vadd.f32 v3, v2  }
0x4e8: {  	v3 =	vld [tilespmem:s19+$0x100]  }
0x4e9: {  	v5 =	vadd.f32 v6, v5;
	v6 =	vld [tilespmem:s24+$0x3100];
	v2 =	vadd.f32 v7, v2  }
0x4ea: {  	v7 =	vld [tilespmem:s12+$0x3100];
	v8 =	vadd.f32 v9, v8  }
0x4eb: {  	s8 =	rddreg [dreg:$0x1d];
	[tilespmem:s15+$0x9100] =	vst v2;
	v2 =	vld [tilespmem:s15+$0x3180]  }
0x4ec: {  	s26 =	sadd.s32 s5, s2;
	s0 =	sadd.s32 s14, s8;
	v4 =	vadd.f32 v4, v8;
	v8 =	vld [tilespmem:s16+$0x180]  }
0x4ed: {  	s13 =	sadd.s32 s3, s0;
	v5 =	vadd.f32 v10, v5;
	v10 =	vld [tilespmem:s26+$0x0]  }
0x4ee: {  	[tilespmem:s31+$0x9080] =	vst v4;
	v4 =	vld [tilespmem:s13+$0x0]  }
0x4ef: {  	[tilespmem:s12+$0x9080] =	vst v5;
	v5 =	vld [tilespmem:s31+$0x3100]  }
0x4f0: {  	[smem:$0x79C] =	sst s1;
	v9 =	vld [tilespmem:s21+$0x100]  }
0x4f1: {  	p1 =	slt.u32 s1, $0x2C;
	s1 =	sadd.s32 s28, s2;
	s2 =	sadd.s32 s29, s2;
	v3 =	vadd.f32 v3, v6;
	v6 =	vld [tilespmem:s20+$0x100];
	v2 =	vadd.f32 v8, v2  }
0x4f2: {  	v11 =	vld [tilespmem:s2+$0x0]  }
0x4f3: {  	s11 =	smov.u32 s9;
	v8 =	vld [tilespmem:s1+$0x0];
	v2 =	vadd.f32 v4, v2  }
0x4f4: {  	[smem:$0x793] =	sst s11;
	v3 =	vadd.f32 v10, v3;
	v4 =	vld [tilespmem:s24+$0x3180]  }
0x4f5: {  	s18 =	rddreg [dreg:$0x1e];
	s9 =	sadd.s32 s5, s0;
	v5 =	vadd.f32 v9, v5;
	[tilespmem:s15+$0x9180] =	vst v2;
	v2 =	vld [tilespmem:s15+$0x3200]  }
0x4f6: {  	s11 =	sadd.s32 s28, s0;
	s17 =	sadd.s32 s29, s0;
	s0 =	sadd.s32 s14, s18;
	[tilespmem:s24+$0x9100] =	vst v3;
	v6 =	vadd.f32 v6, v7;
	v7 =	vld [tilespmem:s16+$0x200]  }
0x4f7: {  	s26 =	sadd.s32 s3, s0;
	v9 =	vld [tilespmem:s19+$0x180];
	v3 =	vadd.f32 v11, v5  }
0x4f8: {  	v6 =	vadd.f32 v8, v6;
	v5 =	vld [tilespmem:s26+$0x0]  }
0x4f9: {  	v8 =	vld [tilespmem:s12+$0x3180];
	[tilespmem:s31+$0x9100] =	vst v3  }
0x4fa: {  	[tilespmem:s12+$0x9100] =	vst v6;
	v3 =	vld [tilespmem:s21+$0x180]  }
0x4fb: {  	v6 =	vld [tilespmem:s20+$0x180];
	v2 =	vadd.f32 v7, v2  }
0x4fc: {  	v7 =	vld [tilespmem:s31+$0x3180]  }
0x4fd: {  	v10 =	vld [tilespmem:s9+$0x0];
	v2 =	vadd.f32 v5, v2  }
0x4fe: {  	v5 =	vld [tilespmem:s11+$0x0]  }
0x4ff: {  	s7 =	rddreg [dreg:$0x1f];
	[tilespmem:s15+$0x9200] =	vst v2;
	v2 =	vld [tilespmem:s15+$0x3280]  }
0x500: {  	[smem:$0x78C] =	sst s10;
	s10 =	sadd.s32 s14, s7;
	v4 =	vadd.f32 v9, v4;
	v6 =	vadd.f32 v6, v8;
	v8 =	vld [tilespmem:s16+$0x280]  }
0x501: {  	s11 =	sadd.s32 s3, s10;
	v3 =	vadd.f32 v3, v7;
	v7 =	vld [tilespmem:s17+$0x0]  }
0x502: {  	v4 =	vadd.f32 v10, v4;
	v9 =	vld [tilespmem:s11+$0x0]  }
0x503: {  	v10 =	vld [tilespmem:s24+$0x3200];
	v5 =	vadd.f32 v5, v6  }
0x504: {  	[tilespmem:s24+$0x9180] =	vst v4;
	v4 =	vld [tilespmem:s12+$0x3200]  }
0x505: {  	v6 =	vld [tilespmem:s19+$0x200];
	[tilespmem:s12+$0x9180] =	vst v5;
	v2 =	vadd.f32 v8, v2  }
0x506: {  	v5 =	vld [tilespmem:s20+$0x200]  }
0x507: {  	s22 =	sadd.s32 s5, s0;
	s13 =	sld [smem:$0x79D];
	v3 =	vadd.f32 v7, v3;
	v7 =	vld [tilespmem:s31+$0x3200];
	v2 =	vadd.f32 v9, v2  }
0x508: {  	v8 =	vld [tilespmem:s22+$0x0]  }
0x509: {  	[tilespmem:s15+$0x9280] =	vst v2;
	v2 =	vld [tilespmem:s15+$0x3300]  }
0x50a: {  	s17 =	sadd.s32 s14, s13;
	[tilespmem:s31+$0x9180] =	vst v3;
	v3 =	vadd.f32 v6, v10;
	v6 =	vld [tilespmem:s16+$0x300]  }
0x50b: {  	s18 =	sadd.s32 s3, s17;
	v4 =	vadd.f32 v5, v4;
	v5 =	vld [tilespmem:s21+$0x200]  }
0x50c: {  	s25 =	sadd.s32 s28, s0;
	v9 =	vld [tilespmem:s18+$0x0]  }
0x50d: {  	s1 =	sadd.s32 s29, s0;
	v3 =	vadd.f32 v8, v3;
	v8 =	vld [tilespmem:s25+$0x0]  }
0x50e: {  	v10 =	vld [tilespmem:s1+$0x0]  }
0x50f: {  	[tilespmem:s24+$0x9200] =	vst v3;
	v3 =	vld [tilespmem:s24+$0x3280];
	v2 =	vadd.f32 v6, v2  }
0x510: {  	v6 =	vld [tilespmem:s19+$0x280]  }
0x511: {  	s22 =	sld [smem:$0x79E];
	v5 =	vadd.f32 v5, v7;
	v7 =	vld [tilespmem:s12+$0x3280];
	v2 =	vadd.f32 v9, v2  }
0x512: {  	v4 =	vadd.f32 v8, v4;
	v8 =	vld [tilespmem:s31+$0x3280]  }
0x513: {  	[tilespmem:s15+$0x9300] =	vst v2;
	v2 =	vld [tilespmem:s15+$0x3380]  }
0x514: {  	s4 =	sadd.s32 s14, s22;
	v5 =	vadd.f32 v10, v5;
	[tilespmem:s12+$0x9200] =	vst v4;
	v4 =	vld [tilespmem:s16+$0x380]  }
0x515: {  	s26 =	sadd.s32 s3, s4;
	v3 =	vadd.f32 v6, v3;
	v6 =	vld [tilespmem:s20+$0x280]  }
0x516: {  	[tilespmem:s31+$0x9200] =	vst v5;
	v5 =	vld [tilespmem:s26+$0x0]  }
0x517: {  	s2 =	sadd.s32 s5, s10;
	v9 =	vld [tilespmem:s21+$0x280]  }
0x518: {  	s0 =	sadd.s32 s28, s10;
	v10 =	vld [tilespmem:s2+$0x0]  }
0x519: {  	s7 =	sadd.s32 s29, s10;
	v11 =	vld [tilespmem:s0+$0x0];
	v2 =	vadd.f32 v4, v2  }
0x51a: {  	s11 =	sld [smem:$0x7A0];
	v4 =	vadd.f32 v6, v7;
	v6 =	vld [tilespmem:s7+$0x0]  }
0x51b: {  	v7 =	vld [tilespmem:s24+$0x3300];
	v2 =	vadd.f32 v5, v2  }
0x51c: {  	s25 =	sadd.s32 s28, s4;
	s18 =	sld [smem:$0x79F];
	s16 =	sadd.s32 $0x1800, s30;
	v8 =	vadd.f32 v9, v8;
	v9 =	vld [tilespmem:s31+$0x3300]  }
0x51d: {  	[smem:$0x77C] =	sst s25;
	s0 =	sadd.s32 s30, s11;
	s25 =	sor.u32 s3, s16;
	v3 =	vadd.f32 v10, v3;
	v5 =	vld [tilespmem:s12+$0x3300];
	[tilespmem:s15+$0x9380] =	vst v2  }
0x51e: {  	[smem:$0x794] =	sst s23;
	s26 =	sadd.s32 s3, s0;
	v2 =	vadd.f32 v11, v4;
	v4 =	vld [tilespmem:s25+$0x3000]  }
0x51f: {  	s10 =	sadd.s32 s5, s17;
	s6 =	sadd.s32 s28, s17;
	s13 =	sadd.s32 s29, s17;
	[tilespmem:s24+$0x9280] =	vst v3;
	v3 =	vadd.f32 v6, v8;
	v6 =	vld [tilespmem:s26+$0x0]  }
0x520: {  	s17 =	sadd.s32 s5, s4;
	s9 =	sadd.s32 s29, s4;
	s8 =	sadd.s32 s14, s18;
	v8 =	vld [tilespmem:s19+$0x300]  }
0x521: {  	[smem:$0x77D] =	sst s9;
	s1 =	sadd.s32 s3, s8;
	s22 =	sadd.s32 s5, s0;
	v11 =	vld [tilespmem:s10+$0x0]  }
0x522: {  	s4 =	sor.u32 s5, s16;
	s11 =	sor.u32 s28, s16;
	s18 =	sor.u32 s29, s16;
	[tilespmem:s12+$0x9280] =	vst v2;
	v2 =	vld [tilespmem:s1+$0x0]  }
0x523: {  	s16 =	sadd.s32 s29, s0;
	s15 =	sadd.s32 s28, s0;
	s0 =	sld [smem:$0x7A1];
	[tilespmem:s31+$0x9280] =	vst v3;
	v3 =	vld [tilespmem:s20+$0x300]  }
0x524: {  	s9 =	smov.u32 s23;
	s7 =	sadd.s32 s28, s8;
	s10 =	sadd.s32 $0x1880, s30;
	v10 =	vld [tilespmem:s21+$0x300]  }
0x525: {  	[smem:$0x780] =	sst s7;
	s23 =	sor.u32 s5, s10;
	s7 =	sor.u32 s29, s10;
	v4 =	vadd.f32 v6, v4;
	v6 =	vadd.f32 v8, v7;
	v7 =	vld [tilespmem:s6+$0x0]  }
0x526: {  	s1 =	sor.u32 s3, s10;
	v8 =	vld [tilespmem:s13+$0x0];
	s13 =	sor.u32 s28, s10;
	s10 =	sadd.s32 s14, s0  }
0x527: {  	s6 =	sadd.s32 s28, s10;
	v2 =	vadd.f32 v2, v4  }
0x528: {  	v4 =	vld [tilespmem:s12+$0x3380];
	[smem:$0x782] =	sst s6  }
0x529: {  	v3 =	vadd.f32 v3, v5;
	s6 =	sld [smem:$0x7B3];
	v5 =	vadd.f32 v10, v9;
	v9 =	vld [tilespmem:s31+$0x3380];
	[tilespmem:s25+$0x9000] =	vst v2  }
0x52a: {  	v2 =	vadd.f32 v11, v6;
	v6 =	vld [tilespmem:s1+$0x3000]  }
0x52b: {  	s0 =	sld [smem:$0x77B];
	v3 =	vadd.f32 v7, v3;
	v7 =	vld [tilespmem:s26+$0x80]  }
0x52c: {  	[tilespmem:s24+$0x9300] =	vst v2;
	v2 =	vadd.f32 v8, v5;
	s24 =	sadd.s32 s3, s10;
	v5 =	vld [tilespmem:s6+$0x3000]  }
0x52d: {  	[tilespmem:s12+$0x9300] =	vst v3;
	v3 =	vld [tilespmem:s24+$0x0]  }
0x52e: {  	v8 =	vld [tilespmem:s0+$0x3000]  }
0x52f: {  	[tilespmem:s31+$0x9300] =	vst v2;
	v2 =	vld [tilespmem:s19+$0x380]  }
0x530: {  	s25 =	sadd.s32 s5, s10;
	s10 =	sadd.s32 s29, s10;
	v11 =	vld [tilespmem:s17+$0x0];
	s24 =	sld [smem:$0x77C];
	v6 =	vadd.f32 v7, v6  }
0x531: {  	[smem:$0x783] =	sst s10;
	v10 =	vld [tilespmem:s20+$0x380]  }
0x532: {  	s10 =	sadd.s32 $0x1900, s30;
	v7 =	vld [tilespmem:s21+$0x380];
	s21 =	sld [smem:$0x77D];
	v3 =	vadd.f32 v3, v6  }
0x533: {  	s19 =	sld [smem:$0x7A4];
	s20 =	sor.u32 s5, s10;
	v6 =	vld [tilespmem:s24+$0x0]  }
0x534: {  	s24 =	sor.u32 s28, s10;
	v2 =	vadd.f32 v2, v8;
	[tilespmem:s1+$0x9000] =	vst v3;
	s1 =	sor.u32 s3, s10;
	s10 =	sor.u32 s29, s10  }
0x535: {  	v8 =	vld [tilespmem:s21+$0x0];
	[smem:$0x787] =	sst s10  }
0x536: {  	s17 =	sadd.s32 s14, s19;
	v3 =	vadd.f32 v10, v4;
	v4 =	vld [tilespmem:s1+$0x3000];
	v2 =	vadd.f32 v11, v2;
	s10 =	sld [smem:$0x77E]  }
0x537: {  	s19 =	sadd.s32 s3, s17;
	v7 =	vadd.f32 v7, v9;
	v9 =	vld [tilespmem:s26+$0x100]  }
0x538: {  	v3 =	vadd.f32 v6, v3;
	v6 =	vld [tilespmem:s19+$0x0];
	[tilespmem:s0+$0x9000] =	vst v2;
	s0 =	sld [smem:$0x7B5]  }
0x539: {  	v10 =	vld [tilespmem:s10+$0x280]  }
0x53a: {  	[smem:$0x786] =	sst s20;
	s20 =	sadd.s32 s5, s17;
	v2 =	vadd.f32 v8, v7;
	v8 =	vld [tilespmem:s4+$0x3000]  }
0x53b: {  	[smem:$0x788] =	sst s20;
	[tilespmem:s12+$0x9380] =	vst v3;
	v7 =	vld [tilespmem:s0+$0x0]  }
0x53c: {  	s21 =	sadd.s32 s28, s17;
	s20 =	sld [smem:$0x7A7];
	v3 =	vld [tilespmem:s22+$0x0];
	[tilespmem:s31+$0x9380] =	vst v2;
	v2 =	vadd.f32 v9, v4  }
0x53d: {  	s17 =	sadd.s32 s29, s17;
	[smem:$0x789] =	sst s21;
	s19 =	sadd.s32 $0x1980, s30;
	v4 =	vld [tilespmem:s11+$0x3000]  }
0x53e: {  	[smem:$0x78A] =	sst s17;
	s21 =	sor.u32 s28, s19;
	s17 =	sor.u32 s29, s19;
	v9 =	vld [tilespmem:s15+$0x0];
	v2 =	vadd.f32 v6, v2  }
0x53f: {  	s31 =	sor.u32 s5, s19;
	s0 =	sor.u32 s3, s19;
	s19 =	sld [smem:$0x77F];
	v6 =	vld [tilespmem:s18+$0x3000]  }
0x540: {  	s20 =	sadd.s32 s14, s20;
	[smem:$0x78D] =	sst s21;
	[tilespmem:s1+$0x9000] =	vst v2;
	v1 =	vadd.f32 v7, v1;
	v7 =	vld [tilespmem:s16+$0x0]  }
0x541: {  	[smem:$0x78E] =	sst s17;
	s21 =	sadd.s32 s5, s20;
	v2 =	vadd.f32 v3, v8;
	v3 =	vld [tilespmem:s0+$0x3000]  }
0x542: {  	s2 =	sadd.s32 s5, s8;
	s17 =	sadd.s32 s3, s20;
	[smem:$0x78F] =	sst s21;
	[tilespmem:s19+$0x9000] =	vst v1;
	v1 =	vld [tilespmem:s26+$0x180]  }
0x543: {  	s19 =	sadd.s32 s29, s20;
	v8 =	vld [tilespmem:s2+$0x0];
	s2 =	sadd.s32 s28, s20;
	s20 =	sld [smem:$0x780]  }
0x544: {  	s21 =	sld [smem:$0x7B6]  }
0x545: {  	s1 =	sld [smem:$0x7B7];
	v4 =	vadd.f32 v9, v4;
	v9 =	vld [tilespmem:s17+$0x0]  }
0x546: {  	s8 =	sadd.s32 s29, s8;
	v5 =	vadd.f32 v10, v5;
	[smem:$0x792] =	sst s19;
	v10 =	vld [tilespmem:s20+$0x0]  }
0x547: {  	s19 =	sld [smem:$0x781];
	v6 =	vadd.f32 v7, v6;
	v7 =	vld [tilespmem:s8+$0x0]  }
0x548: {  	v1 =	vadd.f32 v1, v3;
	v3 =	vld [tilespmem:s21+$0x0];
	v2 =	vadd.f32 v8, v2  }
0x549: {  	v8 =	vld [tilespmem:s1+$0x0]  }
0x54a: {  	v1 =	vadd.f32 v9, v1;
	v9 =	vld [tilespmem:s19+$0x3000];
	[tilespmem:s4+$0x9000] =	vst v2  }
0x54b: {  	s8 =	sld [smem:$0x7A8];
	s4 =	sadd.s32 $0x1A00, s30;
	v2 =	vadd.f32 v10, v4;
	v4 =	vld [tilespmem:s9+$0x300]  }
0x54c: {  	v10 =	vld [tilespmem:s23+$0x3000];
	[tilespmem:s0+$0x9000] =	vst v1;
	s0 =	sor.u32 s3, s4  }
0x54d: {  	s1 =	sld [smem:$0x7B2];
	v6 =	vadd.f32 v7, v6;
	v1 =	vld [tilespmem:s0+$0x3000]  }
0x54e: {  	s17 =	sadd.s32 s14, s8;
	s12 =	sor.u32 s5, s4;
	s20 =	sor.u32 s28, s4;
	v0 =	vadd.f32 v3, v0;
	[tilespmem:s11+$0x9000] =	vst v2;
	v2 =	vld [tilespmem:s26+$0x200]  }
0x54f: {  	[smem:$0x795] =	sst s12;
	s12 =	sor.u32 s29, s4;
	[tilespmem:s18+$0x9000] =	vst v6;
	s4 =	sadd.s32 s3, s17;
	v3 =	vadd.f32 v8, v5;
	v5 =	vld [tilespmem:s22+$0x80]  }
0x550: {  	[smem:$0x791] =	sst s2;
	s21 =	sadd.s32 s28, s17;
	v6 =	vld [tilespmem:s4+$0x0];
	[tilespmem:s1+$0x9000] =	vst v0  }
0x551: {  	[smem:$0x797] =	sst s21;
	[tilespmem:s6+$0x9000] =	vst v3;
	v3 =	vld [tilespmem:s13+$0x3000]  }
0x552: {  	s8 =	sadd.s32 $0x1A80, s30;
	s2 =	sadd.s32 s29, s17;
	s21 =	sld [smem:$0x783];
	v0 =	vadd.f32 v4, v9;
	v4 =	vld [tilespmem:s15+$0x80]  }
0x553: {  	s18 =	sadd.s32 s5, s17;
	s17 =	sor.u32 s28, s8;
	v8 =	vld [tilespmem:s25+$0x0];
	s11 =	sld [smem:$0x782]  }
0x554: {  	[smem:$0x7B2] =	sst s17;
	v7 =	vld [tilespmem:s7+$0x3000];
	v1 =	vadd.f32 v2, v1  }
0x555: {  	s17 =	sld [smem:$0x784];
	v2 =	vadd.f32 v5, v10;
	v5 =	vld [tilespmem:s16+$0x80]  }
0x556: {  	s9 =	sld [smem:$0x7AA];
	v1 =	vadd.f32 v6, v1;
	v6 =	vld [tilespmem:s11+$0x0]  }
0x557: {  	v3 =	vadd.f32 v4, v3;
	v4 =	vld [tilespmem:s21+$0x0]  }
0x558: {  	s25 =	sor.u32 s3, s8;
	v2 =	vadd.f32 v8, v2;
	v8 =	vld [tilespmem:s17+$0x3000];
	[tilespmem:s0+$0x9000] =	vst v1  }
0x559: {  	s6 =	sadd.s32 s14, s9;
	s21 =	sld [smem:$0x785];
	v1 =	vld [tilespmem:s25+$0x3000]  }
0x55a: {  	[smem:$0x798] =	sst s2;
	s9 =	sadd.s32 s3, s6;
	v5 =	vadd.f32 v5, v7;
	v7 =	vld [tilespmem:s26+$0x280]  }
0x55b: {  	s2 =	sor.u32 s29, s8;
	v3 =	vadd.f32 v6, v3;
	v6 =	vld [tilespmem:s9+$0x0];
	s9 =	sld [smem:$0x786]  }
0x55c: {  	[smem:$0x7B3] =	sst s2;
	[tilespmem:s23+$0x9000] =	vst v2;
	v2 =	vadd.f32 v4, v5;
	v4 =	vld [tilespmem:s21+$0x300]  }
0x55d: {  	[smem:$0x796] =	sst s18;
	[tilespmem:s13+$0x9000] =	vst v3;
	v3 =	vld [tilespmem:s22+$0x100]  }
0x55e: {  	s1 =	sld [smem:$0x787];
	v5 =	vld [tilespmem:s9+$0x3000]  }
0x55f: {  	s13 =	sld [smem:$0x7AD];
	[tilespmem:s7+$0x9000] =	vst v2;
	v1 =	vadd.f32 v7, v1;
	v2 =	vld [tilespmem:s24+$0x3000]  }
0x560: {  	s18 =	sor.u32 s5, s8;
	s4 =	sadd.s32 s5, s6;
	v7 =	vld [tilespmem:s15+$0x100];
	s7 =	sld [smem:$0x788]  }
0x561: {  	s8 =	sadd.s32 s28, s6;
	[smem:$0x7B5] =	sst s4;
	s11 =	sadd.s32 $0x1B00, s30;
	v1 =	vadd.f32 v6, v1;
	v6 =	vld [tilespmem:s1+$0x3000]  }
0x562: {  	s2 =	sadd.s32 s29, s6;
	[smem:$0x7B6] =	sst s8;
	s8 =	sor.u32 s5, s11;
	v4 =	vadd.f32 v4, v8;
	v8 =	vld [tilespmem:s16+$0x100]  }
0x563: {  	s6 =	sor.u32 s28, s11;
	s23 =	sor.u32 s3, s11;
	v9 =	vld [tilespmem:s7+$0x0];
	[tilespmem:s25+$0x9000] =	vst v1;
	s25 =	sadd.s32 s14, s13  }
0x564: {  	s0 =	sor.u32 s29, s11;
	v1 =	vadd.f32 v3, v5;
	v3 =	vld [tilespmem:s23+$0x3000];
	s4 =	sadd.s32 s5, s25;
	s13 =	sadd.s32 s28, s25  }
0x565: {  	v5 =	vld [tilespmem:s26+$0x300];
	s11 =	sadd.s32 s3, s25;
	s7 =	sadd.s32 s29, s25;
	s25 =	sld [smem:$0x78A]  }
0x566: {  	_ = 	snop  }
0x567: {  	v2 =	vadd.f32 v7, v2;
	v7 =	vld [tilespmem:s11+$0x0];
	s11 =	sld [smem:$0x789]  }
0x568: {  	v6 =	vadd.f32 v8, v6;
	v8 =	vld [tilespmem:s25+$0x0]  }
0x569: {  	v1 =	vadd.f32 v9, v1;
	s25 =	smov.u32 s10;
	v9 =	vld [tilespmem:s10+$0x300];
	s10 =	sld [smem:$0x7B8]  }
0x56a: {  	v10 =	vld [tilespmem:s11+$0x0];
	v3 =	vadd.f32 v5, v3  }
0x56b: {  	s11 =	sld [smem:$0x78B]  }
0x56c: {  	v3 =	vadd.f32 v7, v3;
	v7 =	vld [tilespmem:s10+$0x0];
	s10 =	smov.u32 s4  }
0x56d: {  	[smem:$0x7B8] =	sst s10  }
0x56e: {  	v5 =	vld [tilespmem:s11+$0x3000];
	[tilespmem:s9+$0x9000] =	vst v1;
	s10 =	sld [smem:$0x7B9]  }
0x56f: {  	s4 =	sld [smem:$0x7AF];
	v1 =	vadd.f32 v10, v2;
	v10 =	vld [tilespmem:s31+$0x3000];
	[tilespmem:s23+$0x9000] =	vst v3  }
0x570: {  	v6 =	vadd.f32 v8, v6;
	v3 =	vld [tilespmem:s26+$0x380]  }
0x571: {  	[smem:$0x7B7] =	sst s2;
	s2 =	sadd.s32 $0x1B80, s30;
	v2 =	vld [tilespmem:s10+$0x0]  }
0x572: {  	s23 =	sor.u32 s3, s2;
	s4 =	sadd.s32 s14, s4;
	[tilespmem:s1+$0x9000] =	vst v6;
	v6 =	vld [tilespmem:s22+$0x180]  }
0x573: {  	[tilespmem:s24+$0x9000] =	vst v1;
	v1 =	vld [tilespmem:s23+$0x3000];
	s3 =	sadd.s32 s3, s4  }
0x574: {  	v0 =	vadd.f32 v7, v0;
	v7 =	vld [tilespmem:s3+$0x0];
	s3 =	sld [smem:$0x78D];
	_ =	sdelay $0x1  }
0x575: {  	s30 =	sor.u32 s5, s2;
	s14 =	sadd.s32 s5, s4;
	s5 =	sld [smem:$0x78E];
	[tilespmem:s19+$0x9000] =	vst v0;
	v0 =	vld [tilespmem:s15+$0x180];
	v2 =	vadd.f32 v2, v4  }
0x576: {  	s19 =	smov.u32 s8;
	s8 =	sld [smem:$0x791];
	v4 =	vld [tilespmem:s3+$0x3000]  }
0x577: {  	v1 =	vadd.f32 v3, v1;
	v3 =	vadd.f32 v6, v10;
	v6 =	vld [tilespmem:s16+$0x180];
	[tilespmem:s17+$0x9000] =	vst v2;
	s17 =	smov.u32 s6;
	s6 =	sld [smem:$0x78F]  }
0x578: {  	s9 =	sor.u32 s29, s2;
	s26 =	sld [smem:$0x792];
	s10 =	smov.u32 s13;
	v2 =	vld [tilespmem:s5+$0x3000]  }
0x579: {  	s13 =	sor.u32 s28, s2;
	s2 =	sadd.s32 s28, s4;
	s28 =	sld [smem:$0x7BA];
	v1 =	vadd.f32 v7, v1;
	v7 =	vld [tilespmem:s8+$0x0]  }
0x57a: {  	s24 =	sld [smem:$0x790];
	v8 =	vld [tilespmem:s6+$0x0]  }
0x57b: {  	[smem:$0x7B9] =	sst s10  }
0x57c: {  	s10 =	sld [smem:$0x78C];
	[tilespmem:s23+$0x9000] =	vst v1;
	v1 =	vld [tilespmem:s28+$0x0]  }
0x57d: {  	v0 =	vadd.f32 v0, v4;
	v4 =	vld [tilespmem:s26+$0x0];
	s6 =	sld [smem:$0x794]  }
0x57e: {  	v2 =	vadd.f32 v6, v2;
	v6 =	vld [tilespmem:s24+$0x3000]  }
0x57f: {  	s8 =	sld [smem:$0x795];
	v0 =	vadd.f32 v7, v0;
	v7 =	vld [tilespmem:s10+$0x3000];
	v3 =	vadd.f32 v8, v3  }
0x580: {  	v8 =	vld [tilespmem:s6+$0x380]  }
0x581: {  	v5 =	vadd.f32 v9, v5;
	[tilespmem:s31+$0x9000] =	vst v3;
	v3 =	vld [tilespmem:s21+$0x380]  }
0x582: {  	s23 =	smov.u32 s22;
	v2 =	vadd.f32 v4, v2;
	v4 =	vld [tilespmem:s8+$0x3000]  }
0x583: {  	v1 =	vadd.f32 v1, v5;
	[tilespmem:s3+$0x9000] =	vst v0;
	v5 =	vld [tilespmem:s23+$0x200]  }
0x584: {  	s22 =	smov.u32 s15;
	[tilespmem:s5+$0x9000] =	vst v2;
	v2 =	vld [tilespmem:s20+$0x3000]  }
0x585: {  	s15 =	sld [smem:$0x796];
	[tilespmem:s11+$0x9000] =	vst v1;
	v0 =	vadd.f32 v8, v6;
	v6 =	vld [tilespmem:s22+$0x200]  }
0x586: {  	s26 =	sld [smem:$0x798];
	v8 =	vld [tilespmem:s12+$0x3000]  }
0x587: {  	s21 =	sld [smem:$0x797];
	v1 =	vadd.f32 v3, v7;
	v3 =	vld [tilespmem:s16+$0x200]  }
0x588: {  	s1 =	sadd.s32 s29, s4;
	s29 =	smov.u32 s7;
	s7 =	sld [smem:$0x793];
	v4 =	vadd.f32 v5, v4;
	v5 =	vld [tilespmem:s15+$0x0]  }
0x589: {  	[smem:$0x7BA] =	sst s29;
	v10 =	vld [tilespmem:s26+$0x0]  }
0x58a: {  	s28 =	sld [smem:$0x799];
	v7 =	vld [tilespmem:s21+$0x0]  }
.Ltmp3:
0x58b: {  	s29 =	sld [smem:$0x79A];
	v9 =	vadd.f32 v6, v2;
	v6 =	vld [tilespmem:s7+$0x3000];
	(pc) =	sbr.rel @p1 .LBB2_5-.Ltmp3, $4  }
0x58c: {  	s31 =	sld [smem:$0x79B];
	v2 =	vld [tilespmem:s25+$0x380]  }
0x58d: {  	v11 =	vadd.f32 v3, v8;
	v3 =	vld [tilespmem:s28+$0x0];
	v5 =	vadd.f32 v5, v4  }
0x58e: {  	s4 =	smov.u32 s0;
	s0 =	smov.u32 s2;
	s2 =	smov.u32 s1;
	v4 =	vld [tilespmem:s29+$0x0]  }
0x58f: {  	s1 =	sld [smem:$0x79C];
	s5 =	smov.u32 s14;
	s26 =	smov.u32 s16;
	v8 =	vadd.f32 v7, v9;
	v7 =	vadd.f32 v10, v11;
	[tilespmem:s8+$0x9000] =	vst v5;
	v5 =	vld [tilespmem:s31+$0x0]  }
0x590: {  	_ = 	snop  }
0x591: {  	s1 =	sld [smem:$0x7B5];
	v10 =	vld [tilespmem:s18+$0x3000];
	[tilespmem:s20+$0x9000] =	vst v8  }
0x592: {  	v37 =	vld [tilespmem:s23+$0x280];
	s16 =	sld [smem:$0x7B6]  }
0x593: {  	s11 =	sld [smem:$0x7B2];
	[tilespmem:s12+$0x9000] =	vst v7;
	v38 =	vld [tilespmem:s22+$0x280]  }
0x594: {  	v9 =	vld [tilespmem:s1+$0x0];
	s3 =	sld [smem:$0x7B3]  }
0x595: {  	v39 =	vld [tilespmem:s26+$0x280]  }
0x596: {  	s20 =	sld [smem:$0x7B7];
	v12 =	vld [tilespmem:s11+$0x3000]  }
0x597: {  	v8 =	vadd.f32 v37, v10;
	v13 =	vld [tilespmem:s3+$0x3000]  }
0x598: {  	v11 =	vld [tilespmem:s16+$0x0]  }
0x599: {  	v14 =	vld [tilespmem:s20+$0x0];
	v8 =	vadd.f32 v9, v8;
	_ =	sdelay $0x1  }
0x59a: {  	v7 =	vadd.f32 v38, v12;
	[tilespmem:s18+$0x9000] =	vst v8  }
0x59b: {  	s21 =	sld [smem:$0x7B8];
	v40 =	vadd.f32 v39, v13  }
0x59c: {  	v41 =	vld [tilespmem:s19+$0x3000];
	v7 =	vadd.f32 v11, v7  }
0x59d: {  	v42 =	vld [tilespmem:s23+$0x300];
	v9 =	vadd.f32 v14, v40  }
0x59e: {  	v8 =	vld [tilespmem:s21+$0x0];
	[tilespmem:s11+$0x9000] =	vst v7  }
0x59f: {  	v43 =	vld [tilespmem:s17+$0x3000];
	[tilespmem:s3+$0x9000] =	vst v9  }
0x5a0: {  	v44 =	vld [tilespmem:s22+$0x300];
	s25 =	sld [smem:$0x7B9]  }
0x5a1: {  	v45 =	vld [tilespmem:s4+$0x3000];
	s28 =	sld [smem:$0x7BA]  }
0x5a2: {  	v46 =	vld [tilespmem:s26+$0x300]  }
0x5a3: {  	v7 =	vadd.f32 v42, v41;
	v47 =	vld [tilespmem:s25+$0x0]  }
0x5a4: {  	v15 =	vld [tilespmem:s28+$0x0]  }
0x5a5: {  	v7 =	vadd.f32 v8, v7  }
0x5a6: {  	v9 =	vadd.f32 v44, v43  }
0x5a7: {  	v48 =	vadd.f32 v46, v45;
	[tilespmem:s19+$0x9000] =	vst v7  }
0x5a8: {  	v51 =	vld [tilespmem:s23+$0x380];
	v49 =	vadd.f32 v47, v9  }
0x5a9: {  	v53 =	vld [tilespmem:s5+$0x0];
	v50 =	vadd.f32 v15, v48  }
0x5aa: {  	v54 =	vld [tilespmem:s30+$0x3000];
	[tilespmem:s17+$0x9000] =	vst v49  }
0x5ab: {  	[tilespmem:s4+$0x9000] =	vst v50;
	v52 =	vld [tilespmem:s22+$0x380]  }
0x5ac: {  	v2 =	vadd.f32 v2, v6;
	v0 =	vadd.f32 v3, v0;
	v7 =	vld [tilespmem:s26+$0x380]  }
0x5ad: {  	v1 =	vadd.f32 v4, v1;
	v55 =	vld [tilespmem:s13+$0x3000]  }
0x5ae: {  	v60 =	vadd.f32 v5, v2;
	[tilespmem:s24+$0x9000] =	vst v0;
	v56 =	vld [tilespmem:s9+$0x3000]  }
0x5af: {  	[tilespmem:s10+$0x9000] =	vst v1;
	v57 =	vld [tilespmem:s0+$0x0]  }
0x5b0: {  	[tilespmem:s7+$0x9000] =	vst v60;
	v58 =	vld [tilespmem:s2+$0x0]  }
0x5b1: {  	v59 =	vadd.f32 v51, v54;
	s29 =	sld [smem:$0x7B1]  }
0x5b2: {  	v61 =	vadd.f32 v52, v55  }
0x5b3: {  	v3 =	vadd.f32 v53, v59;
	v62 =	vadd.f32 v7, v56  }
.Ltmp4:
0x5b4: {  	s0 =	sshrl.u32 s29, $0x3;
	v63 =	vadd.f32 v57, v61;
	(pc) =	sbr.rel @p2 .LBB2_8-.Ltmp4, $4  }
0x5b5: {  	[tilespmem:s30+$0x9000] =	vst v3;
	s0 =	smul.u32 $0x300, s0;
	v1 =	vadd.f32 v58, v62  }
0x5b6: {  	s30 =	rddreg [dreg:$0x4];
	[tilespmem:s13+$0x9000] =	vst v63  }
0x5b7: {  	s8 =	simm.s32 $0x0;
	s31 =	simm.s32 $0x9000;
	s0 =	sadd.s32 s30, s0;
	[tilespmem:s9+$0x9000] =	vst v1  }
0x5b8: {  	[hbm4b:s0+s8] =	stream.linear.scatter [tilespmem:s31], [sflag:$0x4], $0x3000, $0x38;
	[tilespmem:$0x18E00] =	vst v63  }
0x5b9: {  	s0 =	sld [smem:$0x7EE];
	_ =	sdelay $0x2  }
0x5ba: {  	s0 =	sadd.s32 $0x3, s0  }
0x5bb: {  	s29 =	sld [smem:$0x7FD];
	s1 =	sshll.u32 s0, $0x9;
	s0 =	sshll.u32 s0, $0x4  }
0x5bc: {  	s1 =	sand.u32 $0x3800, s1;
	s0 =	sand.u32 $0x30, s0  }
0x5bd: {  	s0 =	sor.u32 s1, s0  }
0x5be: {  	s0 =	sor.u32 s29, s0  }
.Ltmp5:
0x5bf: {  	s2 =	sld [smem:$0x7ED];
	s0 =	sshrl.u32 s0, $0x3;
	(pc) =	sbr.rel .LBB2_2-.Ltmp5, $4  }
0x5c0: {  	s0 =	smul.u32 $0x300, s0  }
0x5c1: {  	s30 =	rddreg [dreg:$0x0]  }
0x5c2: {  	s31 =	simm.s32 $0x3000;
	s2 =	sadd.s32 $0x1, s2;
	s0 =	sadd.s32 s30, s0  }
0x5c3: {  	[tilespmem:s31], [sflag:$0x2] =	stream.linear.gather [hbm4b:s0+s8], $0x3000, $0x38;
	[tilespmem:$0x18E00] =	vst v63  }
.LBB2_9:
0x5c4: {  	_ =	sfence.sel $0x180000  }
0x5c5: {  	[bflag:$0x0] =	sbarrier.arrive $0xFFFF  }
0x5c6: {  	_ =	strace $0x90000047  }
0x5c7: {  	[bflag:$0x2] =	sbarrier.arrive $0xFFFF  }
0x5c8: {  	s0 =	rddreg [dreg:$0x6]  }
0x5c9: {  	s0 =	sadd.s32 @!p0 $0x100000, s0  }
0x5ca: {  	[sflag:s0] =	ssyncadd.tile.s32 @!p0 $0x1;
	_ =	shalt  }
.Lfunc_end2:
_tile_overlayer_lowered:
.L_overlay_start_2:
0x5cb: {  	(tag) =	ssettag $0x2  }
0x5cc: {  	s0 =	rddreg [dreg:$0x0];
	s2 =	stileid.u32  }
0x5cd: {  	s1 =	rddreg [dreg:$0x1];
	p0 =	sne.s32 s2, $0x0  }
0x5ce: {  	s3 =	rddreg [dreg:$0x2];
	[bflag:$0x3] =	sbarrier.arrive $0xFFFF;
	s2 =	simm.s32 @!p0 $0x1C06  }
0x5cf: {  	[timem:s3], [sflag:s2] =	dma.local @!p0 [hbm:s0], s1  }
0x5d0: {  	s0 =	simm.s32 @!p0 $0x6  }
0x5d1: {  	_ =	swait.ge @!p0 [sflag:s0], s1  }
0x5d2: {  	s1 =	ssub.s32 @!p0 $0x0, s1;
	[sflag:s0] =	ssyncset.done @!p0 $0x0  }
0x5d3: {  	[sflag:s0] =	ssyncadd.s32 @!p0 s1  }
0x5d4: {  	[bflag:$0x3] =	sbarrier.arrive $0xFFFF  }
0x5d5: {  	_ =	shalt  }

</sc_bundles>
